<compile_context>
chip_gen: v7x
topology: tpu7x:2x2x1
jax: 0.10.2.dev20260603
libtpu: 0.0.44.dev20260713+nightly
codegen_flags: <defaults>
</compile_context>

<pallas_src>
import functools

import jax
import jax.numpy as jnp
from jax import lax
from jax.experimental import pallas as pl
from jax.experimental.pallas import tpu as pltpu
from jax.experimental.pallas import tpu_sc as plsc

ROWS = 128
COLS = 32768
LANES = 16
NUM_CORES = 2
NUM_SUBCORES = 16
NW = NUM_CORES * NUM_SUBCORES
SC_ROWS = 64
TC_ROWS = ROWS - SC_ROWS
SC_ROW0 = TC_ROWS
VECS = COLS // LANES
GROUP = 8
NACC = 4
NGROUPS = VECS // GROUP

TC_BLK = 16
TC_CHUNKS = COLS // 128

_INT_MAX = 2**31 - 1



def _lane_perm(v, perm):
    return v.at[perm].get(mode="promise_in_bounds")


def _butterfly_first_max(lane, m, idx):
    for sh in (8, 4, 2, 1):
        perm = lane ^ sh
        mp = _lane_perm(m, perm)
        ip = _lane_perm(idx, perm)
        better = (mp > m) | ((mp == m) & (ip < idx))
        m = jnp.where(better, mp, m)
        idx = jnp.where(better, ip, idx)
    return m, idx


def _tree_max(vs):
    while len(vs) > 1:
        vs = [jnp.maximum(a, b) for a, b in zip(vs[0::2], vs[1::2])]
    return vs[0]


def _row_argmax(row_ref, lane, minf):
    zeros = jnp.zeros((LANES,), jnp.int32)
    carry0 = ((minf,) * NACC, (zeros,) * NACC)

    @plsc.parallel_loop(0, NGROUPS, step=NACC, unroll=1, carry=carry0)
    def scan(g0, carry):
        ms, gs = carry
        nms, ngs = [], []
        for j in range(NACC):
            g = g0 + j
            vs = [row_ref[pl.ds((g * GROUP + k) * LANES, LANES)]
                  for k in range(GROUP)]
            t = _tree_max(vs)
            p = t > ms[j]
            nms.append(jnp.where(p, t, ms[j]))
            ngs.append(jnp.where(p, g, gs[j]))
        return tuple(nms), tuple(ngs)

    ms, gs = scan
    m, gi = ms[0], gs[0]
    for j in range(1, NACC):
        better = (ms[j] > m) | ((ms[j] == m) & (gs[j] < gi))
        m = jnp.where(better, ms[j], m)
        gi = jnp.where(better, gs[j], gi)
    m, gi = _butterfly_first_max(lane, m, gi)
    gstar = gi[0]

    m2 = minf
    ci2 = jnp.zeros((LANES,), jnp.int32)
    for k in range(GROUP):
        c = gstar * GROUP + k
        v = row_ref[pl.ds(c * LANES, LANES)]
        p = v > m2
        m2 = jnp.where(p, v, m2)
        ci2 = jnp.where(p, c, ci2)
    idxv = ci2 * LANES + lane
    _, idxv = _butterfly_first_max(lane, m2, idxv)
    return idxv


SC_RPW = SC_ROWS // NW


@functools.partial(
    pl.kernel,
    out_type=jax.ShapeDtypeStruct((NW, LANES), jnp.int32),
    mesh=plsc.VectorSubcoreMesh(core_axis_name="c", subcore_axis_name="s"),
    scratch_types=[
        pltpu.VMEM((2, COLS), jnp.float32),
        pltpu.VMEM((LANES,), jnp.int32),
        pltpu.SemaphoreType.DMA,
        pltpu.SemaphoreType.DMA,
    ],
)
def _argmax_sc(x_hbm, out_hbm, rows_v, res_v, sem0, sem1):
    wid = lax.axis_index("s") * NUM_CORES + lax.axis_index("c")
    lane = lax.iota(jnp.int32, LANES)
    minf = jnp.full((LANES,), -jnp.inf, jnp.float32)
    res = jnp.zeros((LANES,), jnp.int32)
    sems = (sem0, sem1)
    row0 = SC_ROW0 + wid * SC_RPW
    copies = [None, None]
    copies[0] = pltpu.async_copy(x_hbm.at[row0], rows_v.at[0], sems[0])
    for r in range(SC_RPW):
        b = r % 2
        copies[b].wait()
        if r + 1 < SC_RPW:
            copies[1 - b] = pltpu.async_copy(
                x_hbm.at[row0 + r + 1], rows_v.at[1 - b], sems[1 - b])
        idxv = _row_argmax(rows_v.at[b], lane, minf)
        res = jnp.where(lane == r, idxv, res)
    res_v[...] = res
    pltpu.sync_copy(res_v, out_hbm.at[wid])



TC_W = 512
TC_STEPS = COLS // TC_W


def _argmax_tc_body(x_ref, out_ref):
    minf = jnp.full((TC_BLK, TC_W), -jnp.inf, jnp.float32)
    ci0 = jnp.zeros((TC_BLK, TC_W), jnp.int32)

    def step(c, carry):
        acc, ci = carry
        start = pl.multiple_of(c * TC_W, TC_W)
        v = x_ref[:, pl.ds(start, TC_W)]
        p = v > acc
        return jnp.where(p, v, acc), jnp.where(p, c, ci)

    acc, ci = lax.fori_loop(0, TC_STEPS, step, (minf, ci0), unroll=4)
    lane = lax.broadcasted_iota(jnp.int32, (TC_BLK, TC_W), 1)
    rowmax = jnp.max(acc, axis=1, keepdims=True)
    cand = jnp.where(acc == rowmax, ci * TC_W + lane, _INT_MAX)
    rowidx = jnp.min(cand, axis=1, keepdims=True)
    out_ref[0, 0] = rowidx.reshape(TC_BLK)


_argmax_tc = pl.pallas_call(
    _argmax_tc_body,
    out_shape=jax.ShapeDtypeStruct((TC_ROWS // TC_BLK, 1, TC_BLK),
                                   jnp.int32),
    grid=(TC_ROWS // TC_BLK,),
    in_specs=[pl.BlockSpec((TC_BLK, COLS), lambda i: (i, 0))],
    out_specs=pl.BlockSpec((1, 1, TC_BLK), lambda i: (i, 0, 0)),
    compiler_params=pltpu.CompilerParams(
        dimension_semantics=("arbitrary",)),
)


def kernel(x):
    sc_out = _argmax_sc(x)
    tc_out = _argmax_tc(x)
    tc_idx = tc_out.reshape(TC_ROWS)
    sc_idx = sc_out[:, :SC_RPW].reshape(SC_ROWS)
    return jnp.concatenate([tc_idx, sc_idx]).astype(jnp.int64)

# --- scband reference (transcript-rebuilt; emitter-appended) ---
"""Pipeline reference for scband-model-new-17514876633427 (READ-ONLY COPY).

The authoritative reference and input builder live on the scoring server;
editing this copy changes nothing except your own understanding.
"""

import jax, jax.numpy as jnp
import numpy as np

def setup_inputs(seed: int = 0) -> dict:
    key = jax.random.key(seed)
    x = jax.random.normal(key, (128, 32768), dtype=jnp.float32)
    return {"x": x}

def reference(x):
    # Faithful translation of the custom CUDA argmax kernel over dim=1:
    # removes the reduced dimension, returns int64 indices.
    return jnp.argmax(x, axis=1).astype(jnp.int64)

if __name__ == "__main__":
    import jax
    _d = setup_inputs()
    print(jax.jit(kernel)(*tuple(_d.values())))

</pallas_src>

<mosaic_0001>
#map = affine_map<(d0, d1) -> (0, 0)>
module attributes {stable_mosaic.version = 14 : i64} {
  func.func @_argmax_sc(%arg0: i32, %arg1: i32, %arg2: memref<128x32768xf32, #tpu.memory_space<hbm>>, %arg3: memref<32x16xi32, #tpu.memory_space<hbm>>, %arg4: memref<2x32768xf32, #tpu.memory_space<vmem>>, %arg5: memref<16xi32, #tpu.memory_space<vmem>>, %arg6: memref<!tpu.dma_semaphore, #tpu.memory_space<semaphore_mem>>, %arg7: memref<!tpu.dma_semaphore, #tpu.memory_space<semaphore_mem>>) attributes {dimension_semantics = [#tpu.dimension_semantics<core_parallel>, #tpu.dimension_semantics<subcore_parallel>], iteration_bounds = array<i64: 2, 16>, scalar_prefetch = 0 : i64, scratch_operands = 4 : i64, tpu.core_type = #tpu.core_type<sc_vector_subcore>, window_params = [{transform_indices = #map}, {transform_indices = #map}]} {
    %mul3A = arith.constant 2 : i32
    %mul3A_0 = arith.muli %arg1, %mul3A : i32
    %add3A = arith.addi %mul3A_0, %arg0 : i32
    %iota3A = tpu.iota {dimensions = array<i32: 0>} : vector<16xi32>
    %broadcast_in_dim3A = arith.constant 0xFF800000 : f32
    %broadcast_in_dim3A_1 = vector.broadcast %broadcast_in_dim3A : f32 to vector<16xf32>
    %broadcast_in_dim3A_2 = arith.constant 0 : i32
    %broadcast_in_dim3A_3 = vector.broadcast %broadcast_in_dim3A_2 : i32 to vector<16xi32>
    %mul3A_4 = arith.constant 2 : i32
    %mul3A_5 = arith.muli %add3A, %mul3A_4 : i32
    %add3A_6 = arith.constant 64 : i32
    %add3A_7 = arith.addi %add3A_6, %mul3A_5 : i32
    %dma_start3A = arith.constant 0 : i32
    %dma_start3A_8 = arith.constant 0 : i32
    %dma_start3A_9 = tpu.memref_slice %arg4[%dma_start3A, %dma_start3A_8] : memref<2x32768xf32, #tpu.memory_space<vmem>> -> memref<1x32768xf32, #tpu.memory_space<vmem>>
    %dma_start3A_10 = tpu.memref_squeeze %dma_start3A_9 : memref<1x32768xf32, #tpu.memory_space<vmem>> -> memref<32768xf32, #tpu.memory_space<vmem>>
    %dma_start3A_11 = arith.constant 0 : i32
    %dma_start3A_12 = tpu.memref_slice %arg2[%add3A_7, %dma_start3A_11] : memref<128x32768xf32, #tpu.memory_space<hbm>> -> memref<1x32768xf32, #tpu.memory_space<hbm>>
    %dma_start3A_13 = tpu.memref_squeeze %dma_start3A_12 : memref<1x32768xf32, #tpu.memory_space<hbm>> -> memref<32768xf32, #tpu.memory_space<hbm>>
    %dma_start3A_14 = arith.constant 0 : i32
    %dma_start3A_15 = tpu.memref_slice %arg4[%dma_start3A, %dma_start3A_14] : memref<2x32768xf32, #tpu.memory_space<vmem>> -> memref<1x32768xf32, #tpu.memory_space<vmem>>
    %dma_start3A_16 = tpu.memref_squeeze %dma_start3A_15 : memref<1x32768xf32, #tpu.memory_space<vmem>> -> memref<32768xf32, #tpu.memory_space<vmem>>
    %dma_start3A_17 = arith.constant 0 : i32
    %dma_start3A_18 = tpu.memref_slice %arg2[%add3A_7, %dma_start3A_17] : memref<128x32768xf32, #tpu.memory_space<hbm>> -> memref<1x32768xf32, #tpu.memory_space<hbm>>
    %dma_start3A_19 = tpu.memref_squeeze %dma_start3A_18 : memref<1x32768xf32, #tpu.memory_space<hbm>> -> memref<32768xf32, #tpu.memory_space<hbm>>
    tpu.enqueue_dma source(%dma_start3A_19 : memref<32768xf32, #tpu.memory_space<hbm>>) target(%dma_start3A_16 : memref<32768xf32, #tpu.memory_space<vmem>>) target_semaphore(%arg6 : memref<!tpu.dma_semaphore, #tpu.memory_space<semaphore_mem>>)
    %dma_wait3A = arith.constant 0 : i32
    %dma_wait3A_20 = arith.constant 0 : i32
    %dma_wait3A_21 = tpu.memref_slice %arg4[%dma_wait3A, %dma_wait3A_20] : memref<2x32768xf32, #tpu.memory_space<vmem>> -> memref<1x32768xf32, #tpu.memory_space<vmem>>
    %dma_wait3A_22 = tpu.memref_squeeze %dma_wait3A_21 : memref<1x32768xf32, #tpu.memory_space<vmem>> -> memref<32768xf32, #tpu.memory_space<vmem>>
    %dma_wait3A_23 = arith.constant 0 : i32
    %dma_wait3A_24 = tpu.memref_slice %arg2[%add3A_7, %dma_wait3A_23] : memref<128x32768xf32, #tpu.memory_space<hbm>> -> memref<1x32768xf32, #tpu.memory_space<hbm>>
    %dma_wait3A_25 = tpu.memref_squeeze %dma_wait3A_24 : memref<1x32768xf32, #tpu.memory_space<hbm>> -> memref<32768xf32, #tpu.memory_space<hbm>>
    %dma_wait3A_26 = arith.constant 0 : i32
    %dma_wait3A_27 = tpu.memref_slice %arg4[%dma_wait3A, %dma_wait3A_26] : memref<2x32768xf32, #tpu.memory_space<vmem>> -> memref<1x32768xf32, #tpu.memory_space<vmem>>
    %dma_wait3A_28 = tpu.memref_squeeze %dma_wait3A_27 : memref<1x32768xf32, #tpu.memory_space<vmem>> -> memref<32768xf32, #tpu.memory_space<vmem>>
    %dma_wait3A_29 = arith.constant 0 : i32
    %dma_wait3A_30 = tpu.memref_slice %arg2[%add3A_7, %dma_wait3A_29] : memref<128x32768xf32, #tpu.memory_space<hbm>> -> memref<1x32768xf32, #tpu.memory_space<hbm>>
    %dma_wait3A_31 = tpu.memref_squeeze %dma_wait3A_30 : memref<1x32768xf32, #tpu.memory_space<hbm>> -> memref<32768xf32, #tpu.memory_space<hbm>>
    tpu.wait_dma2 semaphore(%arg6 : memref<!tpu.dma_semaphore, #tpu.memory_space<semaphore_mem>>) src(%dma_wait3A_31 : memref<32768xf32, #tpu.memory_space<hbm>>) dst(%dma_wait3A_28 : memref<32768xf32, #tpu.memory_space<vmem>>)
    %add3A_32 = arith.constant 0 : i32
    %add3A_33 = arith.addi %add3A_7, %add3A_32 : i32
    %add3A_34 = arith.constant 1 : i32
    %add3A_35 = arith.addi %add3A_33, %add3A_34 : i32
    %dma_start3A_36 = arith.constant 1 : i32
    %dma_start3A_37 = arith.constant 0 : i32
    %dma_start3A_38 = tpu.memref_slice %arg4[%dma_start3A_36, %dma_start3A_37] : memref<2x32768xf32, #tpu.memory_space<vmem>> -> memref<1x32768xf32, #tpu.memory_space<vmem>>
    %dma_start3A_39 = tpu.memref_squeeze %dma_start3A_38 : memref<1x32768xf32, #tpu.memory_space<vmem>> -> memref<32768xf32, #tpu.memory_space<vmem>>
    %dma_start3A_40 = arith.constant 0 : i32
    %dma_start3A_41 = tpu.memref_slice %arg2[%add3A_35, %dma_start3A_40] : memref<128x32768xf32, #tpu.memory_space<hbm>> -> memref<1x32768xf32, #tpu.memory_space<hbm>>
    %dma_start3A_42 = tpu.memref_squeeze %dma_start3A_41 : memref<1x32768xf32, #tpu.memory_space<hbm>> -> memref<32768xf32, #tpu.memory_space<hbm>>
    %dma_start3A_43 = arith.constant 0 : i32
    %dma_start3A_44 = tpu.memref_slice %arg4[%dma_start3A_36, %dma_start3A_43] : memref<2x32768xf32, #tpu.memory_space<vmem>> -> memref<1x32768xf32, #tpu.memory_space<vmem>>
    %dma_start3A_45 = tpu.memref_squeeze %dma_start3A_44 : memref<1x32768xf32, #tpu.memory_space<vmem>> -> memref<32768xf32, #tpu.memory_space<vmem>>
    %dma_start3A_46 = arith.constant 0 : i32
    %dma_start3A_47 = tpu.memref_slice %arg2[%add3A_35, %dma_start3A_46] : memref<128x32768xf32, #tpu.memory_space<hbm>> -> memref<1x32768xf32, #tpu.memory_space<hbm>>
    %dma_start3A_48 = tpu.memref_squeeze %dma_start3A_47 : memref<1x32768xf32, #tpu.memory_space<hbm>> -> memref<32768xf32, #tpu.memory_space<hbm>>
    tpu.enqueue_dma source(%dma_start3A_48 : memref<32768xf32, #tpu.memory_space<hbm>>) target(%dma_start3A_45 : memref<32768xf32, #tpu.memory_space<vmem>>) target_semaphore(%arg7 : memref<!tpu.dma_semaphore, #tpu.memory_space<semaphore_mem>>)
    %broadcast_in_dim3A_49 = arith.constant 0 : i32
    %broadcast_in_dim3A_50 = vector.broadcast %broadcast_in_dim3A_49 : i32 to vector<16xi32>
    %parallel_loop3A = arith.constant 0 : i32
    %parallel_loop3A_51 = arith.constant 256 : i32
    %parallel_loop3A_52 = arith.constant 4 : i32
    %parallel_loop3A_53 = arith.constant 0 : i32
    %parallel_loop3A_54:8 = scf.for %parallel_loop3A_885 = %parallel_loop3A to %parallel_loop3A_51 step %parallel_loop3A_52 iter_args(%parallel_loop3A_886 = %broadcast_in_dim3A_1, %parallel_loop3A_887 = %broadcast_in_dim3A_1, %parallel_loop3A_888 = %broadcast_in_dim3A_1, %parallel_loop3A_889 = %broadcast_in_dim3A_1, %parallel_loop3A_890 = %broadcast_in_dim3A_50, %parallel_loop3A_891 = %broadcast_in_dim3A_50, %parallel_loop3A_892 = %broadcast_in_dim3A_50, %parallel_loop3A_893 = %broadcast_in_dim3A_50) -> (vector<16xf32>, vector<16xf32>, vector<16xf32>, vector<16xf32>, vector<16xi32>, vector<16xi32>, vector<16xi32>, vector<16xi32>)  : i32 {
      %parallel_loop3A_894 = arith.constant 0 : i32
      %parallel_loop3A_895 = arith.addi %parallel_loop3A_885, %parallel_loop3A_894 : i32
      %parallel_loop3A_896 = arith.constant 8 : i32
      %parallel_loop3A_897 = arith.muli %parallel_loop3A_895, %parallel_loop3A_896 : i32
      %parallel_loop3A_898 = arith.constant 0 : i32
      %parallel_loop3A_899 = arith.addi %parallel_loop3A_897, %parallel_loop3A_898 : i32
      %parallel_loop3A_900 = arith.constant 16 : i32
      %parallel_loop3A_901 = arith.muli %parallel_loop3A_899, %parallel_loop3A_900 : i32
      %parallel_loop3A_902 = arith.constant 0 : i32
      %parallel_loop3A_903 = tpu.memref_slice %arg4[%parallel_loop3A_53, %parallel_loop3A_902] : memref<2x32768xf32, #tpu.memory_space<vmem>> -> memref<1x32768xf32, #tpu.memory_space<vmem>>
      %parallel_loop3A_904 = tpu.memref_squeeze %parallel_loop3A_903 : memref<1x32768xf32, #tpu.memory_space<vmem>> -> memref<32768xf32, #tpu.memory_space<vmem>>
      %parallel_loop3A_905 = arith.index_cast %parallel_loop3A_901 : i32 to index
      %parallel_loop3A_906 = tpu.vector_load %parallel_loop3A_904[%parallel_loop3A_905] {strides = array<i32>} : memref<32768xf32, #tpu.memory_space<vmem>>, vector<16xf32>,
      %parallel_loop3A_907 = vector.shape_cast %parallel_loop3A_906 : vector<16xf32> to vector<16xf32>
      %parallel_loop3A_908 = arith.constant 8 : i32
      %parallel_loop3A_909 = arith.muli %parallel_loop3A_895, %parallel_loop3A_908 : i32
      %parallel_loop3A_910 = arith.constant 1 : i32
      %parallel_loop3A_911 = arith.addi %parallel_loop3A_909, %parallel_loop3A_910 : i32
      %parallel_loop3A_912 = arith.constant 16 : i32
      %parallel_loop3A_913 = arith.muli %parallel_loop3A_911, %parallel_loop3A_912 : i32
      %parallel_loop3A_914 = arith.constant 0 : i32
      %parallel_loop3A_915 = tpu.memref_slice %arg4[%parallel_loop3A_53, %parallel_loop3A_914] : memref<2x32768xf32, #tpu.memory_space<vmem>> -> memref<1x32768xf32, #tpu.memory_space<vmem>>
      %parallel_loop3A_916 = tpu.memref_squeeze %parallel_loop3A_915 : memref<1x32768xf32, #tpu.memory_space<vmem>> -> memref<32768xf32, #tpu.memory_space<vmem>>
      %parallel_loop3A_917 = arith.index_cast %parallel_loop3A_913 : i32 to index
      %parallel_loop3A_918 = tpu.vector_load %parallel_loop3A_916[%parallel_loop3A_917] {strides = array<i32>} : memref<32768xf32, #tpu.memory_space<vmem>>, vector<16xf32>,
      %parallel_loop3A_919 = vector.shape_cast %parallel_loop3A_918 : vector<16xf32> to vector<16xf32>
      %parallel_loop3A_920 = arith.constant 8 : i32
      %parallel_loop3A_921 = arith.muli %parallel_loop3A_895, %parallel_loop3A_920 : i32
      %parallel_loop3A_922 = arith.constant 2 : i32
      %parallel_loop3A_923 = arith.addi %parallel_loop3A_921, %parallel_loop3A_922 : i32
      %parallel_loop3A_924 = arith.constant 16 : i32
      %parallel_loop3A_925 = arith.muli %parallel_loop3A_923, %parallel_loop3A_924 : i32
      %parallel_loop3A_926 = arith.constant 0 : i32
      %parallel_loop3A_927 = tpu.memref_slice %arg4[%parallel_loop3A_53, %parallel_loop3A_926] : memref<2x32768xf32, #tpu.memory_space<vmem>> -> memref<1x32768xf32, #tpu.memory_space<vmem>>
      %parallel_loop3A_928 = tpu.memref_squeeze %parallel_loop3A_927 : memref<1x32768xf32, #tpu.memory_space<vmem>> -> memref<32768xf32, #tpu.memory_space<vmem>>
      %parallel_loop3A_929 = arith.index_cast %parallel_loop3A_925 : i32 to index
      %parallel_loop3A_930 = tpu.vector_load %parallel_loop3A_928[%parallel_loop3A_929] {strides = array<i32>} : memref<32768xf32, #tpu.memory_space<vmem>>, vector<16xf32>,
      %parallel_loop3A_931 = vector.shape_cast %parallel_loop3A_930 : vector<16xf32> to vector<16xf32>
      %parallel_loop3A_932 = arith.constant 8 : i32
      %parallel_loop3A_933 = arith.muli %parallel_loop3A_895, %parallel_loop3A_932 : i32
      %parallel_loop3A_934 = arith.constant 3 : i32
      %parallel_loop3A_935 = arith.addi %parallel_loop3A_933, %parallel_loop3A_934 : i32
      %parallel_loop3A_936 = arith.constant 16 : i32
      %parallel_loop3A_937 = arith.muli %parallel_loop3A_935, %parallel_loop3A_936 : i32
      %parallel_loop3A_938 = arith.constant 0 : i32
      %parallel_loop3A_939 = tpu.memref_slice %arg4[%parallel_loop3A_53, %parallel_loop3A_938] : memref<2x32768xf32, #tpu.memory_space<vmem>> -> memref<1x32768xf32, #tpu.memory_space<vmem>>
      %parallel_loop3A_940 = tpu.memref_squeeze %parallel_loop3A_939 : memref<1x32768xf32, #tpu.memory_space<vmem>> -> memref<32768xf32, #tpu.memory_space<vmem>>
      %parallel_loop3A_941 = arith.index_cast %parallel_loop3A_937 : i32 to index
      %parallel_loop3A_942 = tpu.vector_load %parallel_loop3A_940[%parallel_loop3A_941] {strides = array<i32>} : memref<32768xf32, #tpu.memory_space<vmem>>, vector<16xf32>,
      %parallel_loop3A_943 = vector.shape_cast %parallel_loop3A_942 : vector<16xf32> to vector<16xf32>
      %parallel_loop3A_944 = arith.constant 8 : i32
      %parallel_loop3A_945 = arith.muli %parallel_loop3A_895, %parallel_loop3A_944 : i32
      %parallel_loop3A_946 = arith.constant 4 : i32
      %parallel_loop3A_947 = arith.addi %parallel_loop3A_945, %parallel_loop3A_946 : i32
      %parallel_loop3A_948 = arith.constant 16 : i32
      %parallel_loop3A_949 = arith.muli %parallel_loop3A_947, %parallel_loop3A_948 : i32
      %parallel_loop3A_950 = arith.constant 0 : i32
      %parallel_loop3A_951 = tpu.memref_slice %arg4[%parallel_loop3A_53, %parallel_loop3A_950] : memref<2x32768xf32, #tpu.memory_space<vmem>> -> memref<1x32768xf32, #tpu.memory_space<vmem>>
      %parallel_loop3A_952 = tpu.memref_squeeze %parallel_loop3A_951 : memref<1x32768xf32, #tpu.memory_space<vmem>> -> memref<32768xf32, #tpu.memory_space<vmem>>
      %parallel_loop3A_953 = arith.index_cast %parallel_loop3A_949 : i32 to index
      %parallel_loop3A_954 = tpu.vector_load %parallel_loop3A_952[%parallel_loop3A_953] {strides = array<i32>} : memref<32768xf32, #tpu.memory_space<vmem>>, vector<16xf32>,
      %parallel_loop3A_955 = vector.shape_cast %parallel_loop3A_954 : vector<16xf32> to vector<16xf32>
      %parallel_loop3A_956 = arith.constant 8 : i32
      %parallel_loop3A_957 = arith.muli %parallel_loop3A_895, %parallel_loop3A_956 : i32
      %parallel_loop3A_958 = arith.constant 5 : i32
      %parallel_loop3A_959 = arith.addi %parallel_loop3A_957, %parallel_loop3A_958 : i32
      %parallel_loop3A_960 = arith.constant 16 : i32
      %parallel_loop3A_961 = arith.muli %parallel_loop3A_959, %parallel_loop3A_960 : i32
      %parallel_loop3A_962 = arith.constant 0 : i32
      %parallel_loop3A_963 = tpu.memref_slice %arg4[%parallel_loop3A_53, %parallel_loop3A_962] : memref<2x32768xf32, #tpu.memory_space<vmem>> -> memref<1x32768xf32, #tpu.memory_space<vmem>>
      %parallel_loop3A_964 = tpu.memref_squeeze %parallel_loop3A_963 : memref<1x32768xf32, #tpu.memory_space<vmem>> -> memref<32768xf32, #tpu.memory_space<vmem>>
      %parallel_loop3A_965 = arith.index_cast %parallel_loop3A_961 : i32 to index
      %parallel_loop3A_966 = tpu.vector_load %parallel_loop3A_964[%parallel_loop3A_965] {strides = array<i32>} : memref<32768xf32, #tpu.memory_space<vmem>>, vector<16xf32>,
      %parallel_loop3A_967 = vector.shape_cast %parallel_loop3A_966 : vector<16xf32> to vector<16xf32>
      %parallel_loop3A_968 = arith.constant 8 : i32
      %parallel_loop3A_969 = arith.muli %parallel_loop3A_895, %parallel_loop3A_968 : i32
      %parallel_loop3A_970 = arith.constant 6 : i32
      %parallel_loop3A_971 = arith.addi %parallel_loop3A_969, %parallel_loop3A_970 : i32
      %parallel_loop3A_972 = arith.constant 16 : i32
      %parallel_loop3A_973 = arith.muli %parallel_loop3A_971, %parallel_loop3A_972 : i32
      %parallel_loop3A_974 = arith.constant 0 : i32
      %parallel_loop3A_975 = tpu.memref_slice %arg4[%parallel_loop3A_53, %parallel_loop3A_974] : memref<2x32768xf32, #tpu.memory_space<vmem>> -> memref<1x32768xf32, #tpu.memory_space<vmem>>
      %parallel_loop3A_976 = tpu.memref_squeeze %parallel_loop3A_975 : memref<1x32768xf32, #tpu.memory_space<vmem>> -> memref<32768xf32, #tpu.memory_space<vmem>>
      %parallel_loop3A_977 = arith.index_cast %parallel_loop3A_973 : i32 to index
      %parallel_loop3A_978 = tpu.vector_load %parallel_loop3A_976[%parallel_loop3A_977] {strides = array<i32>} : memref<32768xf32, #tpu.memory_space<vmem>>, vector<16xf32>,
      %parallel_loop3A_979 = vector.shape_cast %parallel_loop3A_978 : vector<16xf32> to vector<16xf32>
      %parallel_loop3A_980 = arith.constant 8 : i32
      %parallel_loop3A_981 = arith.muli %parallel_loop3A_895, %parallel_loop3A_980 : i32
      %parallel_loop3A_982 = arith.constant 7 : i32
      %parallel_loop3A_983 = arith.addi %parallel_loop3A_981, %parallel_loop3A_982 : i32
      %parallel_loop3A_984 = arith.constant 16 : i32
      %parallel_loop3A_985 = arith.muli %parallel_loop3A_983, %parallel_loop3A_984 : i32
      %parallel_loop3A_986 = arith.constant 0 : i32
      %parallel_loop3A_987 = tpu.memref_slice %arg4[%parallel_loop3A_53, %parallel_loop3A_986] : memref<2x32768xf32, #tpu.memory_space<vmem>> -> memref<1x32768xf32, #tpu.memory_space<vmem>>
      %parallel_loop3A_988 = tpu.memref_squeeze %parallel_loop3A_987 : memref<1x32768xf32, #tpu.memory_space<vmem>> -> memref<32768xf32, #tpu.memory_space<vmem>>
      %parallel_loop3A_989 = arith.index_cast %parallel_loop3A_985 : i32 to index
      %parallel_loop3A_990 = tpu.vector_load %parallel_loop3A_988[%parallel_loop3A_989] {strides = array<i32>} : memref<32768xf32, #tpu.memory_space<vmem>>, vector<16xf32>,
      %parallel_loop3A_991 = vector.shape_cast %parallel_loop3A_990 : vector<16xf32> to vector<16xf32>
      %parallel_loop3A_992 = arith.maximumf %parallel_loop3A_907, %parallel_loop3A_919 : vector<16xf32>
      %parallel_loop3A_993 = arith.maximumf %parallel_loop3A_931, %parallel_loop3A_943 : vector<16xf32>
      %parallel_loop3A_994 = arith.maximumf %parallel_loop3A_955, %parallel_loop3A_967 : vector<16xf32>
      %parallel_loop3A_995 = arith.maximumf %parallel_loop3A_979, %parallel_loop3A_991 : vector<16xf32>
      %parallel_loop3A_996 = arith.maximumf %parallel_loop3A_992, %parallel_loop3A_993 : vector<16xf32>
      %parallel_loop3A_997 = arith.maximumf %parallel_loop3A_994, %parallel_loop3A_995 : vector<16xf32>
      %parallel_loop3A_998 = arith.maximumf %parallel_loop3A_996, %parallel_loop3A_997 : vector<16xf32>
      %parallel_loop3A_999 = arith.cmpf ogt, %parallel_loop3A_998, %parallel_loop3A_886 : vector<16xf32>
      %parallel_loop3A_1000 = arith.select %parallel_loop3A_999, %parallel_loop3A_998, %parallel_loop3A_886 : vector<16xi1>, vector<16xf32>
      %parallel_loop3A_1001 = vector.broadcast %parallel_loop3A_895 : i32 to vector<16xi32>
      %parallel_loop3A_1002 = arith.select %parallel_loop3A_999, %parallel_loop3A_1001, %parallel_loop3A_890 : vector<16xi1>, vector<16xi32>
      %parallel_loop3A_1003 = arith.constant 1 : i32
      %parallel_loop3A_1004 = arith.addi %parallel_loop3A_885, %parallel_loop3A_1003 : i32
      %parallel_loop3A_1005 = arith.constant 8 : i32
      %parallel_loop3A_1006 = arith.muli %parallel_loop3A_1004, %parallel_loop3A_1005 : i32
      %parallel_loop3A_1007 = arith.constant 0 : i32
      %parallel_loop3A_1008 = arith.addi %parallel_loop3A_1006, %parallel_loop3A_1007 : i32
      %parallel_loop3A_1009 = arith.constant 16 : i32
      %parallel_loop3A_1010 = arith.muli %parallel_loop3A_1008, %parallel_loop3A_1009 : i32
      %parallel_loop3A_1011 = arith.constant 0 : i32
      %parallel_loop3A_1012 = tpu.memref_slice %arg4[%parallel_loop3A_53, %parallel_loop3A_1011] : memref<2x32768xf32, #tpu.memory_space<vmem>> -> memref<1x32768xf32, #tpu.memory_space<vmem>>
      %parallel_loop3A_1013 = tpu.memref_squeeze %parallel_loop3A_1012 : memref<1x32768xf32, #tpu.memory_space<vmem>> -> memref<32768xf32, #tpu.memory_space<vmem>>
      %parallel_loop3A_1014 = arith.index_cast %parallel_loop3A_1010 : i32 to index
      %parallel_loop3A_1015 = tpu.vector_load %parallel_loop3A_1013[%parallel_loop3A_1014] {strides = array<i32>} : memref<32768xf32, #tpu.memory_space<vmem>>, vector<16xf32>,
      %parallel_loop3A_1016 = vector.shape_cast %parallel_loop3A_1015 : vector<16xf32> to vector<16xf32>
      %parallel_loop3A_1017 = arith.constant 8 : i32
      %parallel_loop3A_1018 = arith.muli %parallel_loop3A_1004, %parallel_loop3A_1017 : i32
      %parallel_loop3A_1019 = arith.constant 1 : i32
      %parallel_loop3A_1020 = arith.addi %parallel_loop3A_1018, %parallel_loop3A_1019 : i32
      %parallel_loop3A_1021 = arith.constant 16 : i32
      %parallel_loop3A_1022 = arith.muli %parallel_loop3A_1020, %parallel_loop3A_1021 : i32
      %parallel_loop3A_1023 = arith.constant 0 : i32
      %parallel_loop3A_1024 = tpu.memref_slice %arg4[%parallel_loop3A_53, %parallel_loop3A_1023] : memref<2x32768xf32, #tpu.memory_space<vmem>> -> memref<1x32768xf32, #tpu.memory_space<vmem>>
      %parallel_loop3A_1025 = tpu.memref_squeeze %parallel_loop3A_1024 : memref<1x32768xf32, #tpu.memory_space<vmem>> -> memref<32768xf32, #tpu.memory_space<vmem>>
      %parallel_loop3A_1026 = arith.index_cast %parallel_loop3A_1022 : i32 to index
      %parallel_loop3A_1027 = tpu.vector_load %parallel_loop3A_1025[%parallel_loop3A_1026] {strides = array<i32>} : memref<32768xf32, #tpu.memory_space<vmem>>, vector<16xf32>,
      %parallel_loop3A_1028 = vector.shape_cast %parallel_loop3A_1027 : vector<16xf32> to vector<16xf32>
      %parallel_loop3A_1029 = arith.constant 8 : i32
      %parallel_loop3A_1030 = arith.muli %parallel_loop3A_1004, %parallel_loop3A_1029 : i32
      %parallel_loop3A_1031 = arith.constant 2 : i32
      %parallel_loop3A_1032 = arith.addi %parallel_loop3A_1030, %parallel_loop3A_1031 : i32
      %parallel_loop3A_1033 = arith.constant 16 : i32
      %parallel_loop3A_1034 = arith.muli %parallel_loop3A_1032, %parallel_loop3A_1033 : i32
      %parallel_loop3A_1035 = arith.constant 0 : i32
      %parallel_loop3A_1036 = tpu.memref_slice %arg4[%parallel_loop3A_53, %parallel_loop3A_1035] : memref<2x32768xf32, #tpu.memory_space<vmem>> -> memref<1x32768xf32, #tpu.memory_space<vmem>>
      %parallel_loop3A_1037 = tpu.memref_squeeze %parallel_loop3A_1036 : memref<1x32768xf32, #tpu.memory_space<vmem>> -> memref<32768xf32, #tpu.memory_space<vmem>>
      %parallel_loop3A_1038 = arith.index_cast %parallel_loop3A_1034 : i32 to index
      %parallel_loop3A_1039 = tpu.vector_load %parallel_loop3A_1037[%parallel_loop3A_1038] {strides = array<i32>} : memref<32768xf32, #tpu.memory_space<vmem>>, vector<16xf32>,
      %parallel_loop3A_1040 = vector.shape_cast %parallel_loop3A_1039 : vector<16xf32> to vector<16xf32>
      %parallel_loop3A_1041 = arith.constant 8 : i32
      %parallel_loop3A_1042 = arith.muli %parallel_loop3A_1004, %parallel_loop3A_1041 : i32
      %parallel_loop3A_1043 = arith.constant 3 : i32
      %parallel_loop3A_1044 = arith.addi %parallel_loop3A_1042, %parallel_loop3A_1043 : i32
      %parallel_loop3A_1045 = arith.constant 16 : i32
      %parallel_loop3A_1046 = arith.muli %parallel_loop3A_1044, %parallel_loop3A_1045 : i32
      %parallel_loop3A_1047 = arith.constant 0 : i32
      %parallel_loop3A_1048 = tpu.memref_slice %arg4[%parallel_loop3A_53, %parallel_loop3A_1047] : memref<2x32768xf32, #tpu.memory_space<vmem>> -> memref<1x32768xf32, #tpu.memory_space<vmem>>
      %parallel_loop3A_1049 = tpu.memref_squeeze %parallel_loop3A_1048 : memref<1x32768xf32, #tpu.memory_space<vmem>> -> memref<32768xf32, #tpu.memory_space<vmem>>
      %parallel_loop3A_1050 = arith.index_cast %parallel_loop3A_1046 : i32 to index
      %parallel_loop3A_1051 = tpu.vector_load %parallel_loop3A_1049[%parallel_loop3A_1050] {strides = array<i32>} : memref<32768xf32, #tpu.memory_space<vmem>>, vector<16xf32>,
      %parallel_loop3A_1052 = vector.shape_cast %parallel_loop3A_1051 : vector<16xf32> to vector<16xf32>
      %parallel_loop3A_1053 = arith.constant 8 : i32
      %parallel_loop3A_1054 = arith.muli %parallel_loop3A_1004, %parallel_loop3A_1053 : i32
      %parallel_loop3A_1055 = arith.constant 4 : i32
      %parallel_loop3A_1056 = arith.addi %parallel_loop3A_1054, %parallel_loop3A_1055 : i32
      %parallel_loop3A_1057 = arith.constant 16 : i32
      %parallel_loop3A_1058 = arith.muli %parallel_loop3A_1056, %parallel_loop3A_1057 : i32
      %parallel_loop3A_1059 = arith.constant 0 : i32
      %parallel_loop3A_1060 = tpu.memref_slice %arg4[%parallel_loop3A_53, %parallel_loop3A_1059] : memref<2x32768xf32, #tpu.memory_space<vmem>> -> memref<1x32768xf32, #tpu.memory_space<vmem>>
      %parallel_loop3A_1061 = tpu.memref_squeeze %parallel_loop3A_1060 : memref<1x32768xf32, #tpu.memory_space<vmem>> -> memref<32768xf32, #tpu.memory_space<vmem>>
      %parallel_loop3A_1062 = arith.index_cast %parallel_loop3A_1058 : i32 to index
      %parallel_loop3A_1063 = tpu.vector_load %parallel_loop3A_1061[%parallel_loop3A_1062] {strides = array<i32>} : memref<32768xf32, #tpu.memory_space<vmem>>, vector<16xf32>,
      %parallel_loop3A_1064 = vector.shape_cast %parallel_loop3A_1063 : vector<16xf32> to vector<16xf32>
      %parallel_loop3A_1065 = arith.constant 8 : i32
      %parallel_loop3A_1066 = arith.muli %parallel_loop3A_1004, %parallel_loop3A_1065 : i32
      %parallel_loop3A_1067 = arith.constant 5 : i32
      %parallel_loop3A_1068 = arith.addi %parallel_loop3A_1066, %parallel_loop3A_1067 : i32
      %parallel_loop3A_1069 = arith.constant 16 : i32
      %parallel_loop3A_1070 = arith.muli %parallel_loop3A_1068, %parallel_loop3A_1069 : i32
      %parallel_loop3A_1071 = arith.constant 0 : i32
      %parallel_loop3A_1072 = tpu.memref_slice %arg4[%parallel_loop3A_53, %parallel_loop3A_1071] : memref<2x32768xf32, #tpu.memory_space<vmem>> -> memref<1x32768xf32, #tpu.memory_space<vmem>>
      %parallel_loop3A_1073 = tpu.memref_squeeze %parallel_loop3A_1072 : memref<1x32768xf32, #tpu.memory_space<vmem>> -> memref<32768xf32, #tpu.memory_space<vmem>>
      %parallel_loop3A_1074 = arith.index_cast %parallel_loop3A_1070 : i32 to index
      %parallel_loop3A_1075 = tpu.vector_load %parallel_loop3A_1073[%parallel_loop3A_1074] {strides = array<i32>} : memref<32768xf32, #tpu.memory_space<vmem>>, vector<16xf32>,
      %parallel_loop3A_1076 = vector.shape_cast %parallel_loop3A_1075 : vector<16xf32> to vector<16xf32>
      %parallel_loop3A_1077 = arith.constant 8 : i32
      %parallel_loop3A_1078 = arith.muli %parallel_loop3A_1004, %parallel_loop3A_1077 : i32
      %parallel_loop3A_1079 = arith.constant 6 : i32
      %parallel_loop3A_1080 = arith.addi %parallel_loop3A_1078, %parallel_loop3A_1079 : i32
      %parallel_loop3A_1081 = arith.constant 16 : i32
      %parallel_loop3A_1082 = arith.muli %parallel_loop3A_1080, %parallel_loop3A_1081 : i32
      %parallel_loop3A_1083 = arith.constant 0 : i32
      %parallel_loop3A_1084 = tpu.memref_slice %arg4[%parallel_loop3A_53, %parallel_loop3A_1083] : memref<2x32768xf32, #tpu.memory_space<vmem>> -> memref<1x32768xf32, #tpu.memory_space<vmem>>
      %parallel_loop3A_1085 = tpu.memref_squeeze %parallel_loop3A_1084 : memref<1x32768xf32, #tpu.memory_space<vmem>> -> memref<32768xf32, #tpu.memory_space<vmem>>
      %parallel_loop3A_1086 = arith.index_cast %parallel_loop3A_1082 : i32 to index
      %parallel_loop3A_1087 = tpu.vector_load %parallel_loop3A_1085[%parallel_loop3A_1086] {strides = array<i32>} : memref<32768xf32, #tpu.memory_space<vmem>>, vector<16xf32>,
      %parallel_loop3A_1088 = vector.shape_cast %parallel_loop3A_1087 : vector<16xf32> to vector<16xf32>
      %parallel_loop3A_1089 = arith.constant 8 : i32
      %parallel_loop3A_1090 = arith.muli %parallel_loop3A_1004, %parallel_loop3A_1089 : i32
      %parallel_loop3A_1091 = arith.constant 7 : i32
      %parallel_loop3A_1092 = arith.addi %parallel_loop3A_1090, %parallel_loop3A_1091 : i32
      %parallel_loop3A_1093 = arith.constant 16 : i32
      %parallel_loop3A_1094 = arith.muli %parallel_loop3A_1092, %parallel_loop3A_1093 : i32
      %parallel_loop3A_1095 = arith.constant 0 : i32
      %parallel_loop3A_1096 = tpu.memref_slice %arg4[%parallel_loop3A_53, %parallel_loop3A_1095] : memref<2x32768xf32, #tpu.memory_space<vmem>> -> memref<1x32768xf32, #tpu.memory_space<vmem>>
      %parallel_loop3A_1097 = tpu.memref_squeeze %parallel_loop3A_1096 : memref<1x32768xf32, #tpu.memory_space<vmem>> -> memref<32768xf32, #tpu.memory_space<vmem>>
      %parallel_loop3A_1098 = arith.index_cast %parallel_loop3A_1094 : i32 to index
      %parallel_loop3A_1099 = tpu.vector_load %parallel_loop3A_1097[%parallel_loop3A_1098] {strides = array<i32>} : memref<32768xf32, #tpu.memory_space<vmem>>, vector<16xf32>,
      %parallel_loop3A_1100 = vector.shape_cast %parallel_loop3A_1099 : vector<16xf32> to vector<16xf32>
      %parallel_loop3A_1101 = arith.maximumf %parallel_loop3A_1016, %parallel_loop3A_1028 : vector<16xf32>
      %parallel_loop3A_1102 = arith.maximumf %parallel_loop3A_1040, %parallel_loop3A_1052 : vector<16xf32>
      %parallel_loop3A_1103 = arith.maximumf %parallel_loop3A_1064, %parallel_loop3A_1076 : vector<16xf32>
      %parallel_loop3A_1104 = arith.maximumf %parallel_loop3A_1088, %parallel_loop3A_1100 : vector<16xf32>
      %parallel_loop3A_1105 = arith.maximumf %parallel_loop3A_1101, %parallel_loop3A_1102 : vector<16xf32>
      %parallel_loop3A_1106 = arith.maximumf %parallel_loop3A_1103, %parallel_loop3A_1104 : vector<16xf32>
      %parallel_loop3A_1107 = arith.maximumf %parallel_loop3A_1105, %parallel_loop3A_1106 : vector<16xf32>
      %parallel_loop3A_1108 = arith.cmpf ogt, %parallel_loop3A_1107, %parallel_loop3A_887 : vector<16xf32>
      %parallel_loop3A_1109 = arith.select %parallel_loop3A_1108, %parallel_loop3A_1107, %parallel_loop3A_887 : vector<16xi1>, vector<16xf32>
      %parallel_loop3A_1110 = vector.broadcast %parallel_loop3A_1004 : i32 to vector<16xi32>
      %parallel_loop3A_1111 = arith.select %parallel_loop3A_1108, %parallel_loop3A_1110, %parallel_loop3A_891 : vector<16xi1>, vector<16xi32>
      %parallel_loop3A_1112 = arith.constant 2 : i32
      %parallel_loop3A_1113 = arith.addi %parallel_loop3A_885, %parallel_loop3A_1112 : i32
      %parallel_loop3A_1114 = arith.constant 8 : i32
      %parallel_loop3A_1115 = arith.muli %parallel_loop3A_1113, %parallel_loop3A_1114 : i32
      %parallel_loop3A_1116 = arith.constant 0 : i32
      %parallel_loop3A_1117 = arith.addi %parallel_loop3A_1115, %parallel_loop3A_1116 : i32
      %parallel_loop3A_1118 = arith.constant 16 : i32
      %parallel_loop3A_1119 = arith.muli %parallel_loop3A_1117, %parallel_loop3A_1118 : i32
      %parallel_loop3A_1120 = arith.constant 0 : i32
      %parallel_loop3A_1121 = tpu.memref_slice %arg4[%parallel_loop3A_53, %parallel_loop3A_1120] : memref<2x32768xf32, #tpu.memory_space<vmem>> -> memref<1x32768xf32, #tpu.memory_space<vmem>>
      %parallel_loop3A_1122 = tpu.memref_squeeze %parallel_loop3A_1121 : memref<1x32768xf32, #tpu.memory_space<vmem>> -> memref<32768xf32, #tpu.memory_space<vmem>>
      %parallel_loop3A_1123 = arith.index_cast %parallel_loop3A_1119 : i32 to index
      %parallel_loop3A_1124 = tpu.vector_load %parallel_loop3A_1122[%parallel_loop3A_1123] {strides = array<i32>} : memref<32768xf32, #tpu.memory_space<vmem>>, vector<16xf32>,
      %parallel_loop3A_1125 = vector.shape_cast %parallel_loop3A_1124 : vector<16xf32> to vector<16xf32>
      %parallel_loop3A_1126 = arith.constant 8 : i32
      %parallel_loop3A_1127 = arith.muli %parallel_loop3A_1113, %parallel_loop3A_1126 : i32
      %parallel_loop3A_1128 = arith.constant 1 : i32
      %parallel_loop3A_1129 = arith.addi %parallel_loop3A_1127, %parallel_loop3A_1128 : i32
      %parallel_loop3A_1130 = arith.constant 16 : i32
      %parallel_loop3A_1131 = arith.muli %parallel_loop3A_1129, %parallel_loop3A_1130 : i32
      %parallel_loop3A_1132 = arith.constant 0 : i32
      %parallel_loop3A_1133 = tpu.memref_slice %arg4[%parallel_loop3A_53, %parallel_loop3A_1132] : memref<2x32768xf32, #tpu.memory_space<vmem>> -> memref<1x32768xf32, #tpu.memory_space<vmem>>
      %parallel_loop3A_1134 = tpu.memref_squeeze %parallel_loop3A_1133 : memref<1x32768xf32, #tpu.memory_space<vmem>> -> memref<32768xf32, #tpu.memory_space<vmem>>
      %parallel_loop3A_1135 = arith.index_cast %parallel_loop3A_1131 : i32 to index
      %parallel_loop3A_1136 = tpu.vector_load %parallel_loop3A_1134[%parallel_loop3A_1135] {strides = array<i32>} : memref<32768xf32, #tpu.memory_space<vmem>>, vector<16xf32>,
      %parallel_loop3A_1137 = vector.shape_cast %parallel_loop3A_1136 : vector<16xf32> to vector<16xf32>
      %parallel_loop3A_1138 = arith.constant 8 : i32
      %parallel_loop3A_1139 = arith.muli %parallel_loop3A_1113, %parallel_loop3A_1138 : i32
      %parallel_loop3A_1140 = arith.constant 2 : i32
      %parallel_loop3A_1141 = arith.addi %parallel_loop3A_1139, %parallel_loop3A_1140 : i32
      %parallel_loop3A_1142 = arith.constant 16 : i32
      %parallel_loop3A_1143 = arith.muli %parallel_loop3A_1141, %parallel_loop3A_1142 : i32
      %parallel_loop3A_1144 = arith.constant 0 : i32
      %parallel_loop3A_1145 = tpu.memref_slice %arg4[%parallel_loop3A_53, %parallel_loop3A_1144] : memref<2x32768xf32, #tpu.memory_space<vmem>> -> memref<1x32768xf32, #tpu.memory_space<vmem>>
      %parallel_loop3A_1146 = tpu.memref_squeeze %parallel_loop3A_1145 : memref<1x32768xf32, #tpu.memory_space<vmem>> -> memref<32768xf32, #tpu.memory_space<vmem>>
      %parallel_loop3A_1147 = arith.index_cast %parallel_loop3A_1143 : i32 to index
      %parallel_loop3A_1148 = tpu.vector_load %parallel_loop3A_1146[%parallel_loop3A_1147] {strides = array<i32>} : memref<32768xf32, #tpu.memory_space<vmem>>, vector<16xf32>,
      %parallel_loop3A_1149 = vector.shape_cast %parallel_loop3A_1148 : vector<16xf32> to vector<16xf32>
      %parallel_loop3A_1150 = arith.constant 8 : i32
      %parallel_loop3A_1151 = arith.muli %parallel_loop3A_1113, %parallel_loop3A_1150 : i32
      %parallel_loop3A_1152 = arith.constant 3 : i32
      %parallel_loop3A_1153 = arith.addi %parallel_loop3A_1151, %parallel_loop3A_1152 : i32
      %parallel_loop3A_1154 = arith.constant 16 : i32
      %parallel_loop3A_1155 = arith.muli %parallel_loop3A_1153, %parallel_loop3A_1154 : i32
      %parallel_loop3A_1156 = arith.constant 0 : i32
      %parallel_loop3A_1157 = tpu.memref_slice %arg4[%parallel_loop3A_53, %parallel_loop3A_1156] : memref<2x32768xf32, #tpu.memory_space<vmem>> -> memref<1x32768xf32, #tpu.memory_space<vmem>>
      %parallel_loop3A_1158 = tpu.memref_squeeze %parallel_loop3A_1157 : memref<1x32768xf32, #tpu.memory_space<vmem>> -> memref<32768xf32, #tpu.memory_space<vmem>>
      %parallel_loop3A_1159 = arith.index_cast %parallel_loop3A_1155 : i32 to index
      %parallel_loop3A_1160 = tpu.vector_load %parallel_loop3A_1158[%parallel_loop3A_1159] {strides = array<i32>} : memref<32768xf32, #tpu.memory_space<vmem>>, vector<16xf32>,
      %parallel_loop3A_1161 = vector.shape_cast %parallel_loop3A_1160 : vector<16xf32> to vector<16xf32>
      %parallel_loop3A_1162 = arith.constant 8 : i32
      %parallel_loop3A_1163 = arith.muli %parallel_loop3A_1113, %parallel_loop3A_1162 : i32
      %parallel_loop3A_1164 = arith.constant 4 : i32
      %parallel_loop3A_1165 = arith.addi %parallel_loop3A_1163, %parallel_loop3A_1164 : i32
      %parallel_loop3A_1166 = arith.constant 16 : i32
      %parallel_loop3A_1167 = arith.muli %parallel_loop3A_1165, %parallel_loop3A_1166 : i32
      %parallel_loop3A_1168 = arith.constant 0 : i32
      %parallel_loop3A_1169 = tpu.memref_slice %arg4[%parallel_loop3A_53, %parallel_loop3A_1168] : memref<2x32768xf32, #tpu.memory_space<vmem>> -> memref<1x32768xf32, #tpu.memory_space<vmem>>
      %parallel_loop3A_1170 = tpu.memref_squeeze %parallel_loop3A_1169 : memref<1x32768xf32, #tpu.memory_space<vmem>> -> memref<32768xf32, #tpu.memory_space<vmem>>
      %parallel_loop3A_1171 = arith.index_cast %parallel_loop3A_1167 : i32 to index
      %parallel_loop3A_1172 = tpu.vector_load %parallel_loop3A_1170[%parallel_loop3A_1171] {strides = array<i32>} : memref<32768xf32, #tpu.memory_space<vmem>>, vector<16xf32>,
      %parallel_loop3A_1173 = vector.shape_cast %parallel_loop3A_1172 : vector<16xf32> to vector<16xf32>
      %parallel_loop3A_1174 = arith.constant 8 : i32
      %parallel_loop3A_1175 = arith.muli %parallel_loop3A_1113, %parallel_loop3A_1174 : i32
      %parallel_loop3A_1176 = arith.constant 5 : i32
      %parallel_loop3A_1177 = arith.addi %parallel_loop3A_1175, %parallel_loop3A_1176 : i32
      %parallel_loop3A_1178 = arith.constant 16 : i32
      %parallel_loop3A_1179 = arith.muli %parallel_loop3A_1177, %parallel_loop3A_1178 : i32
      %parallel_loop3A_1180 = arith.constant 0 : i32
      %parallel_loop3A_1181 = tpu.memref_slice %arg4[%parallel_loop3A_53, %parallel_loop3A_1180] : memref<2x32768xf32, #tpu.memory_space<vmem>> -> memref<1x32768xf32, #tpu.memory_space<vmem>>
      %parallel_loop3A_1182 = tpu.memref_squeeze %parallel_loop3A_1181 : memref<1x32768xf32, #tpu.memory_space<vmem>> -> memref<32768xf32, #tpu.memory_space<vmem>>
      %parallel_loop3A_1183 = arith.index_cast %parallel_loop3A_1179 : i32 to index
      %parallel_loop3A_1184 = tpu.vector_load %parallel_loop3A_1182[%parallel_loop3A_1183] {strides = array<i32>} : memref<32768xf32, #tpu.memory_space<vmem>>, vector<16xf32>,
      %parallel_loop3A_1185 = vector.shape_cast %parallel_loop3A_1184 : vector<16xf32> to vector<16xf32>
      %parallel_loop3A_1186 = arith.constant 8 : i32
      %parallel_loop3A_1187 = arith.muli %parallel_loop3A_1113, %parallel_loop3A_1186 : i32
      %parallel_loop3A_1188 = arith.constant 6 : i32
      %parallel_loop3A_1189 = arith.addi %parallel_loop3A_1187, %parallel_loop3A_1188 : i32
      %parallel_loop3A_1190 = arith.constant 16 : i32
      %parallel_loop3A_1191 = arith.muli %parallel_loop3A_1189, %parallel_loop3A_1190 : i32
      %parallel_loop3A_1192 = arith.constant 0 : i32
      %parallel_loop3A_1193 = tpu.memref_slice %arg4[%parallel_loop3A_53, %parallel_loop3A_1192] : memref<2x32768xf32, #tpu.memory_space<vmem>> -> memref<1x32768xf32, #tpu.memory_space<vmem>>
      %parallel_loop3A_1194 = tpu.memref_squeeze %parallel_loop3A_1193 : memref<1x32768xf32, #tpu.memory_space<vmem>> -> memref<32768xf32, #tpu.memory_space<vmem>>
      %parallel_loop3A_1195 = arith.index_cast %parallel_loop3A_1191 : i32 to index
      %parallel_loop3A_1196 = tpu.vector_load %parallel_loop3A_1194[%parallel_loop3A_1195] {strides = array<i32>} : memref<32768xf32, #tpu.memory_space<vmem>>, vector<16xf32>,
      %parallel_loop3A_1197 = vector.shape_cast %parallel_loop3A_1196 : vector<16xf32> to vector<16xf32>
      %parallel_loop3A_1198 = arith.constant 8 : i32
      %parallel_loop3A_1199 = arith.muli %parallel_loop3A_1113, %parallel_loop3A_1198 : i32
      %parallel_loop3A_1200 = arith.constant 7 : i32
      %parallel_loop3A_1201 = arith.addi %parallel_loop3A_1199, %parallel_loop3A_1200 : i32
      %parallel_loop3A_1202 = arith.constant 16 : i32
      %parallel_loop3A_1203 = arith.muli %parallel_loop3A_1201, %parallel_loop3A_1202 : i32
      %parallel_loop3A_1204 = arith.constant 0 : i32
      %parallel_loop3A_1205 = tpu.memref_slice %arg4[%parallel_loop3A_53, %parallel_loop3A_1204] : memref<2x32768xf32, #tpu.memory_space<vmem>> -> memref<1x32768xf32, #tpu.memory_space<vmem>>
      %parallel_loop3A_1206 = tpu.memref_squeeze %parallel_loop3A_1205 : memref<1x32768xf32, #tpu.memory_space<vmem>> -> memref<32768xf32, #tpu.memory_space<vmem>>
      %parallel_loop3A_1207 = arith.index_cast %parallel_loop3A_1203 : i32 to index
      %parallel_loop3A_1208 = tpu.vector_load %parallel_loop3A_1206[%parallel_loop3A_1207] {strides = array<i32>} : memref<32768xf32, #tpu.memory_space<vmem>>, vector<16xf32>,
      %parallel_loop3A_1209 = vector.shape_cast %parallel_loop3A_1208 : vector<16xf32> to vector<16xf32>
      %parallel_loop3A_1210 = arith.maximumf %parallel_loop3A_1125, %parallel_loop3A_1137 : vector<16xf32>
      %parallel_loop3A_1211 = arith.maximumf %parallel_loop3A_1149, %parallel_loop3A_1161 : vector<16xf32>
      %parallel_loop3A_1212 = arith.maximumf %parallel_loop3A_1173, %parallel_loop3A_1185 : vector<16xf32>
      %parallel_loop3A_1213 = arith.maximumf %parallel_loop3A_1197, %parallel_loop3A_1209 : vector<16xf32>
      %parallel_loop3A_1214 = arith.maximumf %parallel_loop3A_1210, %parallel_loop3A_1211 : vector<16xf32>
      %parallel_loop3A_1215 = arith.maximumf %parallel_loop3A_1212, %parallel_loop3A_1213 : vector<16xf32>
      %parallel_loop3A_1216 = arith.maximumf %parallel_loop3A_1214, %parallel_loop3A_1215 : vector<16xf32>
      %parallel_loop3A_1217 = arith.cmpf ogt, %parallel_loop3A_1216, %parallel_loop3A_888 : vector<16xf32>
      %parallel_loop3A_1218 = arith.select %parallel_loop3A_1217, %parallel_loop3A_1216, %parallel_loop3A_888 : vector<16xi1>, vector<16xf32>
      %parallel_loop3A_1219 = vector.broadcast %parallel_loop3A_1113 : i32 to vector<16xi32>
      %parallel_loop3A_1220 = arith.select %parallel_loop3A_1217, %parallel_loop3A_1219, %parallel_loop3A_892 : vector<16xi1>, vector<16xi32>
      %parallel_loop3A_1221 = arith.constant 3 : i32
      %parallel_loop3A_1222 = arith.addi %parallel_loop3A_885, %parallel_loop3A_1221 : i32
      %parallel_loop3A_1223 = arith.constant 8 : i32
      %parallel_loop3A_1224 = arith.muli %parallel_loop3A_1222, %parallel_loop3A_1223 : i32
      %parallel_loop3A_1225 = arith.constant 0 : i32
      %parallel_loop3A_1226 = arith.addi %parallel_loop3A_1224, %parallel_loop3A_1225 : i32
      %parallel_loop3A_1227 = arith.constant 16 : i32
      %parallel_loop3A_1228 = arith.muli %parallel_loop3A_1226, %parallel_loop3A_1227 : i32
      %parallel_loop3A_1229 = arith.constant 0 : i32
      %parallel_loop3A_1230 = tpu.memref_slice %arg4[%parallel_loop3A_53, %parallel_loop3A_1229] : memref<2x32768xf32, #tpu.memory_space<vmem>> -> memref<1x32768xf32, #tpu.memory_space<vmem>>
      %parallel_loop3A_1231 = tpu.memref_squeeze %parallel_loop3A_1230 : memref<1x32768xf32, #tpu.memory_space<vmem>> -> memref<32768xf32, #tpu.memory_space<vmem>>
      %parallel_loop3A_1232 = arith.index_cast %parallel_loop3A_1228 : i32 to index
      %parallel_loop3A_1233 = tpu.vector_load %parallel_loop3A_1231[%parallel_loop3A_1232] {strides = array<i32>} : memref<32768xf32, #tpu.memory_space<vmem>>, vector<16xf32>,
      %parallel_loop3A_1234 = vector.shape_cast %parallel_loop3A_1233 : vector<16xf32> to vector<16xf32>
      %parallel_loop3A_1235 = arith.constant 8 : i32
      %parallel_loop3A_1236 = arith.muli %parallel_loop3A_1222, %parallel_loop3A_1235 : i32
      %parallel_loop3A_1237 = arith.constant 1 : i32
      %parallel_loop3A_1238 = arith.addi %parallel_loop3A_1236, %parallel_loop3A_1237 : i32
      %parallel_loop3A_1239 = arith.constant 16 : i32
      %parallel_loop3A_1240 = arith.muli %parallel_loop3A_1238, %parallel_loop3A_1239 : i32
      %parallel_loop3A_1241 = arith.constant 0 : i32
      %parallel_loop3A_1242 = tpu.memref_slice %arg4[%parallel_loop3A_53, %parallel_loop3A_1241] : memref<2x32768xf32, #tpu.memory_space<vmem>> -> memref<1x32768xf32, #tpu.memory_space<vmem>>
      %parallel_loop3A_1243 = tpu.memref_squeeze %parallel_loop3A_1242 : memref<1x32768xf32, #tpu.memory_space<vmem>> -> memref<32768xf32, #tpu.memory_space<vmem>>
      %parallel_loop3A_1244 = arith.index_cast %parallel_loop3A_1240 : i32 to index
      %parallel_loop3A_1245 = tpu.vector_load %parallel_loop3A_1243[%parallel_loop3A_1244] {strides = array<i32>} : memref<32768xf32, #tpu.memory_space<vmem>>, vector<16xf32>,
      %parallel_loop3A_1246 = vector.shape_cast %parallel_loop3A_1245 : vector<16xf32> to vector<16xf32>
      %parallel_loop3A_1247 = arith.constant 8 : i32
      %parallel_loop3A_1248 = arith.muli %parallel_loop3A_1222, %parallel_loop3A_1247 : i32
      %parallel_loop3A_1249 = arith.constant 2 : i32
      %parallel_loop3A_1250 = arith.addi %parallel_loop3A_1248, %parallel_loop3A_1249 : i32
      %parallel_loop3A_1251 = arith.constant 16 : i32
      %parallel_loop3A_1252 = arith.muli %parallel_loop3A_1250, %parallel_loop3A_1251 : i32
      %parallel_loop3A_1253 = arith.constant 0 : i32
      %parallel_loop3A_1254 = tpu.memref_slice %arg4[%parallel_loop3A_53, %parallel_loop3A_1253] : memref<2x32768xf32, #tpu.memory_space<vmem>> -> memref<1x32768xf32, #tpu.memory_space<vmem>>
      %parallel_loop3A_1255 = tpu.memref_squeeze %parallel_loop3A_1254 : memref<1x32768xf32, #tpu.memory_space<vmem>> -> memref<32768xf32, #tpu.memory_space<vmem>>
      %parallel_loop3A_1256 = arith.index_cast %parallel_loop3A_1252 : i32 to index
      %parallel_loop3A_1257 = tpu.vector_load %parallel_loop3A_1255[%parallel_loop3A_1256] {strides = array<i32>} : memref<32768xf32, #tpu.memory_space<vmem>>, vector<16xf32>,
      %parallel_loop3A_1258 = vector.shape_cast %parallel_loop3A_1257 : vector<16xf32> to vector<16xf32>
      %parallel_loop3A_1259 = arith.constant 8 : i32
      %parallel_loop3A_1260 = arith.muli %parallel_loop3A_1222, %parallel_loop3A_1259 : i32
      %parallel_loop3A_1261 = arith.constant 3 : i32
      %parallel_loop3A_1262 = arith.addi %parallel_loop3A_1260, %parallel_loop3A_1261 : i32
      %parallel_loop3A_1263 = arith.constant 16 : i32
      %parallel_loop3A_1264 = arith.muli %parallel_loop3A_1262, %parallel_loop3A_1263 : i32
      %parallel_loop3A_1265 = arith.constant 0 : i32
      %parallel_loop3A_1266 = tpu.memref_slice %arg4[%parallel_loop3A_53, %parallel_loop3A_1265] : memref<2x32768xf32, #tpu.memory_space<vmem>> -> memref<1x32768xf32, #tpu.memory_space<vmem>>
      %parallel_loop3A_1267 = tpu.memref_squeeze %parallel_loop3A_1266 : memref<1x32768xf32, #tpu.memory_space<vmem>> -> memref<32768xf32, #tpu.memory_space<vmem>>
      %parallel_loop3A_1268 = arith.index_cast %parallel_loop3A_1264 : i32 to index
      %parallel_loop3A_1269 = tpu.vector_load %parallel_loop3A_1267[%parallel_loop3A_1268] {strides = array<i32>} : memref<32768xf32, #tpu.memory_space<vmem>>, vector<16xf32>,
      %parallel_loop3A_1270 = vector.shape_cast %parallel_loop3A_1269 : vector<16xf32> to vector<16xf32>
      %parallel_loop3A_1271 = arith.constant 8 : i32
      %parallel_loop3A_1272 = arith.muli %parallel_loop3A_1222, %parallel_loop3A_1271 : i32
      %parallel_loop3A_1273 = arith.constant 4 : i32
      %parallel_loop3A_1274 = arith.addi %parallel_loop3A_1272, %parallel_loop3A_1273 : i32
      %parallel_loop3A_1275 = arith.constant 16 : i32
      %parallel_loop3A_1276 = arith.muli %parallel_loop3A_1274, %parallel_loop3A_1275 : i32
      %parallel_loop3A_1277 = arith.constant 0 : i32
      %parallel_loop3A_1278 = tpu.memref_slice %arg4[%parallel_loop3A_53, %parallel_loop3A_1277] : memref<2x32768xf32, #tpu.memory_space<vmem>> -> memref<1x32768xf32, #tpu.memory_space<vmem>>
      %parallel_loop3A_1279 = tpu.memref_squeeze %parallel_loop3A_1278 : memref<1x32768xf32, #tpu.memory_space<vmem>> -> memref<32768xf32, #tpu.memory_space<vmem>>
      %parallel_loop3A_1280 = arith.index_cast %parallel_loop3A_1276 : i32 to index
      %parallel_loop3A_1281 = tpu.vector_load %parallel_loop3A_1279[%parallel_loop3A_1280] {strides = array<i32>} : memref<32768xf32, #tpu.memory_space<vmem>>, vector<16xf32>,
      %parallel_loop3A_1282 = vector.shape_cast %parallel_loop3A_1281 : vector<16xf32> to vector<16xf32>
      %parallel_loop3A_1283 = arith.constant 8 : i32
      %parallel_loop3A_1284 = arith.muli %parallel_loop3A_1222, %parallel_loop3A_1283 : i32
      %parallel_loop3A_1285 = arith.constant 5 : i32
      %parallel_loop3A_1286 = arith.addi %parallel_loop3A_1284, %parallel_loop3A_1285 : i32
      %parallel_loop3A_1287 = arith.constant 16 : i32
      %parallel_loop3A_1288 = arith.muli %parallel_loop3A_1286, %parallel_loop3A_1287 : i32
      %parallel_loop3A_1289 = arith.constant 0 : i32
      %parallel_loop3A_1290 = tpu.memref_slice %arg4[%parallel_loop3A_53, %parallel_loop3A_1289] : memref<2x32768xf32, #tpu.memory_space<vmem>> -> memref<1x32768xf32, #tpu.memory_space<vmem>>
      %parallel_loop3A_1291 = tpu.memref_squeeze %parallel_loop3A_1290 : memref<1x32768xf32, #tpu.memory_space<vmem>> -> memref<32768xf32, #tpu.memory_space<vmem>>
      %parallel_loop3A_1292 = arith.index_cast %parallel_loop3A_1288 : i32 to index
      %parallel_loop3A_1293 = tpu.vector_load %parallel_loop3A_1291[%parallel_loop3A_1292] {strides = array<i32>} : memref<32768xf32, #tpu.memory_space<vmem>>, vector<16xf32>,
      %parallel_loop3A_1294 = vector.shape_cast %parallel_loop3A_1293 : vector<16xf32> to vector<16xf32>
      %parallel_loop3A_1295 = arith.constant 8 : i32
      %parallel_loop3A_1296 = arith.muli %parallel_loop3A_1222, %parallel_loop3A_1295 : i32
      %parallel_loop3A_1297 = arith.constant 6 : i32
      %parallel_loop3A_1298 = arith.addi %parallel_loop3A_1296, %parallel_loop3A_1297 : i32
      %parallel_loop3A_1299 = arith.constant 16 : i32
      %parallel_loop3A_1300 = arith.muli %parallel_loop3A_1298, %parallel_loop3A_1299 : i32
      %parallel_loop3A_1301 = arith.constant 0 : i32
      %parallel_loop3A_1302 = tpu.memref_slice %arg4[%parallel_loop3A_53, %parallel_loop3A_1301] : memref<2x32768xf32, #tpu.memory_space<vmem>> -> memref<1x32768xf32, #tpu.memory_space<vmem>>
      %parallel_loop3A_1303 = tpu.memref_squeeze %parallel_loop3A_1302 : memref<1x32768xf32, #tpu.memory_space<vmem>> -> memref<32768xf32, #tpu.memory_space<vmem>>
      %parallel_loop3A_1304 = arith.index_cast %parallel_loop3A_1300 : i32 to index
      %parallel_loop3A_1305 = tpu.vector_load %parallel_loop3A_1303[%parallel_loop3A_1304] {strides = array<i32>} : memref<32768xf32, #tpu.memory_space<vmem>>, vector<16xf32>,
      %parallel_loop3A_1306 = vector.shape_cast %parallel_loop3A_1305 : vector<16xf32> to vector<16xf32>
      %parallel_loop3A_1307 = arith.constant 8 : i32
      %parallel_loop3A_1308 = arith.muli %parallel_loop3A_1222, %parallel_loop3A_1307 : i32
      %parallel_loop3A_1309 = arith.constant 7 : i32
      %parallel_loop3A_1310 = arith.addi %parallel_loop3A_1308, %parallel_loop3A_1309 : i32
      %parallel_loop3A_1311 = arith.constant 16 : i32
      %parallel_loop3A_1312 = arith.muli %parallel_loop3A_1310, %parallel_loop3A_1311 : i32
      %parallel_loop3A_1313 = arith.constant 0 : i32
      %parallel_loop3A_1314 = tpu.memref_slice %arg4[%parallel_loop3A_53, %parallel_loop3A_1313] : memref<2x32768xf32, #tpu.memory_space<vmem>> -> memref<1x32768xf32, #tpu.memory_space<vmem>>
      %parallel_loop3A_1315 = tpu.memref_squeeze %parallel_loop3A_1314 : memref<1x32768xf32, #tpu.memory_space<vmem>> -> memref<32768xf32, #tpu.memory_space<vmem>>
      %parallel_loop3A_1316 = arith.index_cast %parallel_loop3A_1312 : i32 to index
      %parallel_loop3A_1317 = tpu.vector_load %parallel_loop3A_1315[%parallel_loop3A_1316] {strides = array<i32>} : memref<32768xf32, #tpu.memory_space<vmem>>, vector<16xf32>,
      %parallel_loop3A_1318 = vector.shape_cast %parallel_loop3A_1317 : vector<16xf32> to vector<16xf32>
      %parallel_loop3A_1319 = arith.maximumf %parallel_loop3A_1234, %parallel_loop3A_1246 : vector<16xf32>
      %parallel_loop3A_1320 = arith.maximumf %parallel_loop3A_1258, %parallel_loop3A_1270 : vector<16xf32>
      %parallel_loop3A_1321 = arith.maximumf %parallel_loop3A_1282, %parallel_loop3A_1294 : vector<16xf32>
      %parallel_loop3A_1322 = arith.maximumf %parallel_loop3A_1306, %parallel_loop3A_1318 : vector<16xf32>
      %parallel_loop3A_1323 = arith.maximumf %parallel_loop3A_1319, %parallel_loop3A_1320 : vector<16xf32>
      %parallel_loop3A_1324 = arith.maximumf %parallel_loop3A_1321, %parallel_loop3A_1322 : vector<16xf32>
      %parallel_loop3A_1325 = arith.maximumf %parallel_loop3A_1323, %parallel_loop3A_1324 : vector<16xf32>
      %parallel_loop3A_1326 = arith.cmpf ogt, %parallel_loop3A_1325, %parallel_loop3A_889 : vector<16xf32>
      %parallel_loop3A_1327 = arith.select %parallel_loop3A_1326, %parallel_loop3A_1325, %parallel_loop3A_889 : vector<16xi1>, vector<16xf32>
      %parallel_loop3A_1328 = vector.broadcast %parallel_loop3A_1222 : i32 to vector<16xi32>
      %parallel_loop3A_1329 = arith.select %parallel_loop3A_1326, %parallel_loop3A_1328, %parallel_loop3A_893 : vector<16xi1>, vector<16xi32>
      scf.yield %parallel_loop3A_1000, %parallel_loop3A_1109, %parallel_loop3A_1218, %parallel_loop3A_1327, %parallel_loop3A_1002, %parallel_loop3A_1111, %parallel_loop3A_1220, %parallel_loop3A_1329 : vector<16xf32>, vector<16xf32>, vector<16xf32>, vector<16xf32>, vector<16xi32>, vector<16xi32>, vector<16xi32>, vector<16xi32>
    } {sc.loop_unroll_factor = 1 : i64, sc.parallel_access}
    %gt3A = arith.cmpf ogt, %parallel_loop3A_54#1, %parallel_loop3A_54#0 : vector<16xf32>
    %eq3A = arith.cmpf oeq, %parallel_loop3A_54#1, %parallel_loop3A_54#0 : vector<16xf32>
    %lt3A = arith.cmpi slt, %parallel_loop3A_54#5, %parallel_loop3A_54#4 : vector<16xi32>
    %and3A = arith.andi %eq3A, %lt3A : vector<16xi1>
    %or3A = arith.ori %gt3A, %and3A : vector<16xi1>
    %select_n3A = arith.select %or3A, %parallel_loop3A_54#1, %parallel_loop3A_54#0 : vector<16xi1>, vector<16xf32>
    %select_n3A_55 = arith.select %or3A, %parallel_loop3A_54#5, %parallel_loop3A_54#4 : vector<16xi1>, vector<16xi32>
    %gt3A_56 = arith.cmpf ogt, %parallel_loop3A_54#2, %select_n3A : vector<16xf32>
    %eq3A_57 = arith.cmpf oeq, %parallel_loop3A_54#2, %select_n3A : vector<16xf32>
    %lt3A_58 = arith.cmpi slt, %parallel_loop3A_54#6, %select_n3A_55 : vector<16xi32>
    %and3A_59 = arith.andi %eq3A_57, %lt3A_58 : vector<16xi1>
    %or3A_60 = arith.ori %gt3A_56, %and3A_59 : vector<16xi1>
    %select_n3A_61 = arith.select %or3A_60, %parallel_loop3A_54#2, %select_n3A : vector<16xi1>, vector<16xf32>
    %select_n3A_62 = arith.select %or3A_60, %parallel_loop3A_54#6, %select_n3A_55 : vector<16xi1>, vector<16xi32>
    %gt3A_63 = arith.cmpf ogt, %parallel_loop3A_54#3, %select_n3A_61 : vector<16xf32>
    %eq3A_64 = arith.cmpf oeq, %parallel_loop3A_54#3, %select_n3A_61 : vector<16xf32>
    %lt3A_65 = arith.cmpi slt, %parallel_loop3A_54#7, %select_n3A_62 : vector<16xi32>
    %and3A_66 = arith.andi %eq3A_64, %lt3A_65 : vector<16xi1>
    %or3A_67 = arith.ori %gt3A_63, %and3A_66 : vector<16xi1>
    %select_n3A_68 = arith.select %or3A_67, %parallel_loop3A_54#3, %select_n3A_61 : vector<16xi1>, vector<16xf32>
    %select_n3A_69 = arith.select %or3A_67, %parallel_loop3A_54#7, %select_n3A_62 : vector<16xi1>, vector<16xi32>
    %xor3A = arith.constant 8 : i32
    %xor3A_70 = vector.broadcast %xor3A : i32 to vector<16xi32>
    %xor3A_71 = arith.xori %iota3A, %xor3A_70 : vector<16xi32>
    %lt3A_72 = arith.constant 0 : i32
    %lt3A_73 = vector.broadcast %lt3A_72 : i32 to vector<16xi32>
    %lt3A_74 = arith.cmpi slt, %xor3A_71, %lt3A_73 : vector<16xi32>
    %add3A_75 = arith.constant 16 : i32
    %add3A_76 = vector.broadcast %add3A_75 : i32 to vector<16xi32>
    %add3A_77 = arith.addi %xor3A_71, %add3A_76 : vector<16xi32>
    %select_n3A_78 = arith.select %lt3A_74, %add3A_77, %xor3A_71 : vector<16xi1>, vector<16xi32>
    %broadcast_in_dim3A_79 = vector.shape_cast %select_n3A_78 : vector<16xi32> to vector<16x1xi32>
    %gather3A = vector.shape_cast %broadcast_in_dim3A_79 : vector<16x1xi32> to vector<16xi32>
    %gather3A_80 = tpu.dynamic_gather %select_n3A_68[%gather3A] in [0] : vector<16xf32>, vector<16xi32> -> vector<16xf32>
    %lt3A_81 = arith.constant 0 : i32
    %lt3A_82 = vector.broadcast %lt3A_81 : i32 to vector<16xi32>
    %lt3A_83 = arith.cmpi slt, %xor3A_71, %lt3A_82 : vector<16xi32>
    %add3A_84 = arith.constant 16 : i32
    %add3A_85 = vector.broadcast %add3A_84 : i32 to vector<16xi32>
    %add3A_86 = arith.addi %xor3A_71, %add3A_85 : vector<16xi32>
    %select_n3A_87 = arith.select %lt3A_83, %add3A_86, %xor3A_71 : vector<16xi1>, vector<16xi32>
    %broadcast_in_dim3A_88 = vector.shape_cast %select_n3A_87 : vector<16xi32> to vector<16x1xi32>
    %gather3A_89 = vector.shape_cast %broadcast_in_dim3A_88 : vector<16x1xi32> to vector<16xi32>
    %gather3A_90 = tpu.dynamic_gather %select_n3A_69[%gather3A_89] in [0] : vector<16xi32>, vector<16xi32> -> vector<16xi32>
    %gt3A_91 = arith.cmpf ogt, %gather3A_80, %select_n3A_68 : vector<16xf32>
    %eq3A_92 = arith.cmpf oeq, %gather3A_80, %select_n3A_68 : vector<16xf32>
    %lt3A_93 = arith.cmpi slt, %gather3A_90, %select_n3A_69 : vector<16xi32>
    %and3A_94 = arith.andi %eq3A_92, %lt3A_93 : vector<16xi1>
    %or3A_95 = arith.ori %gt3A_91, %and3A_94 : vector<16xi1>
    %select_n3A_96 = arith.select %or3A_95, %gather3A_80, %select_n3A_68 : vector<16xi1>, vector<16xf32>
    %select_n3A_97 = arith.select %or3A_95, %gather3A_90, %select_n3A_69 : vector<16xi1>, vector<16xi32>
    %xor3A_98 = arith.constant 4 : i32
    %xor3A_99 = vector.broadcast %xor3A_98 : i32 to vector<16xi32>
    %xor3A_100 = arith.xori %iota3A, %xor3A_99 : vector<16xi32>
    %lt3A_101 = arith.constant 0 : i32
    %lt3A_102 = vector.broadcast %lt3A_101 : i32 to vector<16xi32>
    %lt3A_103 = arith.cmpi slt, %xor3A_100, %lt3A_102 : vector<16xi32>
    %add3A_104 = arith.constant 16 : i32
    %add3A_105 = vector.broadcast %add3A_104 : i32 to vector<16xi32>
    %add3A_106 = arith.addi %xor3A_100, %add3A_105 : vector<16xi32>
    %select_n3A_107 = arith.select %lt3A_103, %add3A_106, %xor3A_100 : vector<16xi1>, vector<16xi32>
    %broadcast_in_dim3A_108 = vector.shape_cast %select_n3A_107 : vector<16xi32> to vector<16x1xi32>
    %gather3A_109 = vector.shape_cast %broadcast_in_dim3A_108 : vector<16x1xi32> to vector<16xi32>
    %gather3A_110 = tpu.dynamic_gather %select_n3A_96[%gather3A_109] in [0] : vector<16xf32>, vector<16xi32> -> vector<16xf32>
    %lt3A_111 = arith.constant 0 : i32
    %lt3A_112 = vector.broadcast %lt3A_111 : i32 to vector<16xi32>
    %lt3A_113 = arith.cmpi slt, %xor3A_100, %lt3A_112 : vector<16xi32>
    %add3A_114 = arith.constant 16 : i32
    %add3A_115 = vector.broadcast %add3A_114 : i32 to vector<16xi32>
    %add3A_116 = arith.addi %xor3A_100, %add3A_115 : vector<16xi32>
    %select_n3A_117 = arith.select %lt3A_113, %add3A_116, %xor3A_100 : vector<16xi1>, vector<16xi32>
    %broadcast_in_dim3A_118 = vector.shape_cast %select_n3A_117 : vector<16xi32> to vector<16x1xi32>
    %gather3A_119 = vector.shape_cast %broadcast_in_dim3A_118 : vector<16x1xi32> to vector<16xi32>
    %gather3A_120 = tpu.dynamic_gather %select_n3A_97[%gather3A_119] in [0] : vector<16xi32>, vector<16xi32> -> vector<16xi32>
    %gt3A_121 = arith.cmpf ogt, %gather3A_110, %select_n3A_96 : vector<16xf32>
    %eq3A_122 = arith.cmpf oeq, %gather3A_110, %select_n3A_96 : vector<16xf32>
    %lt3A_123 = arith.cmpi slt, %gather3A_120, %select_n3A_97 : vector<16xi32>
    %and3A_124 = arith.andi %eq3A_122, %lt3A_123 : vector<16xi1>
    %or3A_125 = arith.ori %gt3A_121, %and3A_124 : vector<16xi1>
    %select_n3A_126 = arith.select %or3A_125, %gather3A_110, %select_n3A_96 : vector<16xi1>, vector<16xf32>
    %select_n3A_127 = arith.select %or3A_125, %gather3A_120, %select_n3A_97 : vector<16xi1>, vector<16xi32>
    %xor3A_128 = arith.constant 2 : i32
    %xor3A_129 = vector.broadcast %xor3A_128 : i32 to vector<16xi32>
    %xor3A_130 = arith.xori %iota3A, %xor3A_129 : vector<16xi32>
    %lt3A_131 = arith.constant 0 : i32
    %lt3A_132 = vector.broadcast %lt3A_131 : i32 to vector<16xi32>
    %lt3A_133 = arith.cmpi slt, %xor3A_130, %lt3A_132 : vector<16xi32>
    %add3A_134 = arith.constant 16 : i32
    %add3A_135 = vector.broadcast %add3A_134 : i32 to vector<16xi32>
    %add3A_136 = arith.addi %xor3A_130, %add3A_135 : vector<16xi32>
    %select_n3A_137 = arith.select %lt3A_133, %add3A_136, %xor3A_130 : vector<16xi1>, vector<16xi32>
    %broadcast_in_dim3A_138 = vector.shape_cast %select_n3A_137 : vector<16xi32> to vector<16x1xi32>
    %gather3A_139 = vector.shape_cast %broadcast_in_dim3A_138 : vector<16x1xi32> to vector<16xi32>
    %gather3A_140 = tpu.dynamic_gather %select_n3A_126[%gather3A_139] in [0] : vector<16xf32>, vector<16xi32> -> vector<16xf32>
    %lt3A_141 = arith.constant 0 : i32
    %lt3A_142 = vector.broadcast %lt3A_141 : i32 to vector<16xi32>
    %lt3A_143 = arith.cmpi slt, %xor3A_130, %lt3A_142 : vector<16xi32>
    %add3A_144 = arith.constant 16 : i32
    %add3A_145 = vector.broadcast %add3A_144 : i32 to vector<16xi32>
    %add3A_146 = arith.addi %xor3A_130, %add3A_145 : vector<16xi32>
    %select_n3A_147 = arith.select %lt3A_143, %add3A_146, %xor3A_130 : vector<16xi1>, vector<16xi32>
    %broadcast_in_dim3A_148 = vector.shape_cast %select_n3A_147 : vector<16xi32> to vector<16x1xi32>
    %gather3A_149 = vector.shape_cast %broadcast_in_dim3A_148 : vector<16x1xi32> to vector<16xi32>
    %gather3A_150 = tpu.dynamic_gather %select_n3A_127[%gather3A_149] in [0] : vector<16xi32>, vector<16xi32> -> vector<16xi32>
    %gt3A_151 = arith.cmpf ogt, %gather3A_140, %select_n3A_126 : vector<16xf32>
    %eq3A_152 = arith.cmpf oeq, %gather3A_140, %select_n3A_126 : vector<16xf32>
    %lt3A_153 = arith.cmpi slt, %gather3A_150, %select_n3A_127 : vector<16xi32>
    %and3A_154 = arith.andi %eq3A_152, %lt3A_153 : vector<16xi1>
    %or3A_155 = arith.ori %gt3A_151, %and3A_154 : vector<16xi1>
    %select_n3A_156 = arith.select %or3A_155, %gather3A_140, %select_n3A_126 : vector<16xi1>, vector<16xf32>
    %select_n3A_157 = arith.select %or3A_155, %gather3A_150, %select_n3A_127 : vector<16xi1>, vector<16xi32>
    %xor3A_158 = arith.constant 1 : i32
    %xor3A_159 = vector.broadcast %xor3A_158 : i32 to vector<16xi32>
    %xor3A_160 = arith.xori %iota3A, %xor3A_159 : vector<16xi32>
    %lt3A_161 = arith.constant 0 : i32
    %lt3A_162 = vector.broadcast %lt3A_161 : i32 to vector<16xi32>
    %lt3A_163 = arith.cmpi slt, %xor3A_160, %lt3A_162 : vector<16xi32>
    %add3A_164 = arith.constant 16 : i32
    %add3A_165 = vector.broadcast %add3A_164 : i32 to vector<16xi32>
    %add3A_166 = arith.addi %xor3A_160, %add3A_165 : vector<16xi32>
    %select_n3A_167 = arith.select %lt3A_163, %add3A_166, %xor3A_160 : vector<16xi1>, vector<16xi32>
    %broadcast_in_dim3A_168 = vector.shape_cast %select_n3A_167 : vector<16xi32> to vector<16x1xi32>
    %gather3A_169 = vector.shape_cast %broadcast_in_dim3A_168 : vector<16x1xi32> to vector<16xi32>
    %gather3A_170 = tpu.dynamic_gather %select_n3A_156[%gather3A_169] in [0] : vector<16xf32>, vector<16xi32> -> vector<16xf32>
    %lt3A_171 = arith.constant 0 : i32
    %lt3A_172 = vector.broadcast %lt3A_171 : i32 to vector<16xi32>
    %lt3A_173 = arith.cmpi slt, %xor3A_160, %lt3A_172 : vector<16xi32>
    %add3A_174 = arith.constant 16 : i32
    %add3A_175 = vector.broadcast %add3A_174 : i32 to vector<16xi32>
    %add3A_176 = arith.addi %xor3A_160, %add3A_175 : vector<16xi32>
    %select_n3A_177 = arith.select %lt3A_173, %add3A_176, %xor3A_160 : vector<16xi1>, vector<16xi32>
    %broadcast_in_dim3A_178 = vector.shape_cast %select_n3A_177 : vector<16xi32> to vector<16x1xi32>
    %gather3A_179 = vector.shape_cast %broadcast_in_dim3A_178 : vector<16x1xi32> to vector<16xi32>
    %gather3A_180 = tpu.dynamic_gather %select_n3A_157[%gather3A_179] in [0] : vector<16xi32>, vector<16xi32> -> vector<16xi32>
    %gt3A_181 = arith.cmpf ogt, %gather3A_170, %select_n3A_156 : vector<16xf32>
    %eq3A_182 = arith.cmpf oeq, %gather3A_170, %select_n3A_156 : vector<16xf32>
    %lt3A_183 = arith.cmpi slt, %gather3A_180, %select_n3A_157 : vector<16xi32>
    %and3A_184 = arith.andi %eq3A_182, %lt3A_183 : vector<16xi1>
    %or3A_185 = arith.ori %gt3A_181, %and3A_184 : vector<16xi1>
    %select_n3A_186 = arith.select %or3A_185, %gather3A_170, %select_n3A_156 : vector<16xi1>, vector<16xf32>
    %select_n3A_187 = arith.select %or3A_185, %gather3A_180, %select_n3A_157 : vector<16xi1>, vector<16xi32>
    %slice3A = vector.extract_strided_slice %select_n3A_187 {offsets = [0], sizes = [1], strides = [1]} : vector<16xi32> to vector<1xi32>
    %squeeze3A = vector.extract %slice3A[0] : i32 from vector<1xi32>
    %broadcast_in_dim3A_188 = arith.constant 0 : i32
    %broadcast_in_dim3A_189 = vector.broadcast %broadcast_in_dim3A_188 : i32 to vector<16xi32>
    %mul3A_190 = arith.constant 8 : i32
    %mul3A_191 = arith.muli %squeeze3A, %mul3A_190 : i32
    %add3A_192 = arith.constant 0 : i32
    %add3A_193 = arith.addi %mul3A_191, %add3A_192 : i32
    %mul3A_194 = arith.constant 16 : i32
    %mul3A_195 = arith.muli %add3A_193, %mul3A_194 : i32
    %get3A = arith.constant 0 : i32
    %get3A_196 = arith.constant 0 : i32
    %get3A_197 = tpu.memref_slice %arg4[%get3A, %get3A_196] : memref<2x32768xf32, #tpu.memory_space<vmem>> -> memref<1x32768xf32, #tpu.memory_space<vmem>>
    %get3A_198 = tpu.memref_squeeze %get3A_197 : memref<1x32768xf32, #tpu.memory_space<vmem>> -> memref<32768xf32, #tpu.memory_space<vmem>>
    %get3A_199 = arith.index_cast %mul3A_195 : i32 to index
    %get3A_200 = tpu.vector_load %get3A_198[%get3A_199] {strides = array<i32>} : memref<32768xf32, #tpu.memory_space<vmem>>, vector<16xf32>,
    %get3A_201 = vector.shape_cast %get3A_200 : vector<16xf32> to vector<16xf32>
    %gt3A_202 = arith.cmpf ogt, %get3A_201, %broadcast_in_dim3A_1 : vector<16xf32>
    %select_n3A_203 = arith.select %gt3A_202, %get3A_201, %broadcast_in_dim3A_1 : vector<16xi1>, vector<16xf32>
    %broadcast_in_dim3A_204 = vector.broadcast %add3A_193 : i32 to vector<16xi32>
    %select_n3A_205 = arith.select %gt3A_202, %broadcast_in_dim3A_204, %broadcast_in_dim3A_189 : vector<16xi1>, vector<16xi32>
    %mul3A_206 = arith.constant 8 : i32
    %mul3A_207 = arith.muli %squeeze3A, %mul3A_206 : i32
    %add3A_208 = arith.constant 1 : i32
    %add3A_209 = arith.addi %mul3A_207, %add3A_208 : i32
    %mul3A_210 = arith.constant 16 : i32
    %mul3A_211 = arith.muli %add3A_209, %mul3A_210 : i32
    %get3A_212 = arith.constant 0 : i32
    %get3A_213 = arith.constant 0 : i32
    %get3A_214 = tpu.memref_slice %arg4[%get3A_212, %get3A_213] : memref<2x32768xf32, #tpu.memory_space<vmem>> -> memref<1x32768xf32, #tpu.memory_space<vmem>>
    %get3A_215 = tpu.memref_squeeze %get3A_214 : memref<1x32768xf32, #tpu.memory_space<vmem>> -> memref<32768xf32, #tpu.memory_space<vmem>>
    %get3A_216 = arith.index_cast %mul3A_211 : i32 to index
    %get3A_217 = tpu.vector_load %get3A_215[%get3A_216] {strides = array<i32>} : memref<32768xf32, #tpu.memory_space<vmem>>, vector<16xf32>,
    %get3A_218 = vector.shape_cast %get3A_217 : vector<16xf32> to vector<16xf32>
    %gt3A_219 = arith.cmpf ogt, %get3A_218, %select_n3A_203 : vector<16xf32>
    %select_n3A_220 = arith.select %gt3A_219, %get3A_218, %select_n3A_203 : vector<16xi1>, vector<16xf32>
    %broadcast_in_dim3A_221 = vector.broadcast %add3A_209 : i32 to vector<16xi32>
    %select_n3A_222 = arith.select %gt3A_219, %broadcast_in_dim3A_221, %select_n3A_205 : vector<16xi1>, vector<16xi32>
    %mul3A_223 = arith.constant 8 : i32
    %mul3A_224 = arith.muli %squeeze3A, %mul3A_223 : i32
    %add3A_225 = arith.constant 2 : i32
    %add3A_226 = arith.addi %mul3A_224, %add3A_225 : i32
    %mul3A_227 = arith.constant 16 : i32
    %mul3A_228 = arith.muli %add3A_226, %mul3A_227 : i32
    %get3A_229 = arith.constant 0 : i32
    %get3A_230 = arith.constant 0 : i32
    %get3A_231 = tpu.memref_slice %arg4[%get3A_229, %get3A_230] : memref<2x32768xf32, #tpu.memory_space<vmem>> -> memref<1x32768xf32, #tpu.memory_space<vmem>>
    %get3A_232 = tpu.memref_squeeze %get3A_231 : memref<1x32768xf32, #tpu.memory_space<vmem>> -> memref<32768xf32, #tpu.memory_space<vmem>>
    %get3A_233 = arith.index_cast %mul3A_228 : i32 to index
    %get3A_234 = tpu.vector_load %get3A_232[%get3A_233] {strides = array<i32>} : memref<32768xf32, #tpu.memory_space<vmem>>, vector<16xf32>,
    %get3A_235 = vector.shape_cast %get3A_234 : vector<16xf32> to vector<16xf32>
    %gt3A_236 = arith.cmpf ogt, %get3A_235, %select_n3A_220 : vector<16xf32>
    %select_n3A_237 = arith.select %gt3A_236, %get3A_235, %select_n3A_220 : vector<16xi1>, vector<16xf32>
    %broadcast_in_dim3A_238 = vector.broadcast %add3A_226 : i32 to vector<16xi32>
    %select_n3A_239 = arith.select %gt3A_236, %broadcast_in_dim3A_238, %select_n3A_222 : vector<16xi1>, vector<16xi32>
    %mul3A_240 = arith.constant 8 : i32
    %mul3A_241 = arith.muli %squeeze3A, %mul3A_240 : i32
    %add3A_242 = arith.constant 3 : i32
    %add3A_243 = arith.addi %mul3A_241, %add3A_242 : i32
    %mul3A_244 = arith.constant 16 : i32
    %mul3A_245 = arith.muli %add3A_243, %mul3A_244 : i32
    %get3A_246 = arith.constant 0 : i32
    %get3A_247 = arith.constant 0 : i32
    %get3A_248 = tpu.memref_slice %arg4[%get3A_246, %get3A_247] : memref<2x32768xf32, #tpu.memory_space<vmem>> -> memref<1x32768xf32, #tpu.memory_space<vmem>>
    %get3A_249 = tpu.memref_squeeze %get3A_248 : memref<1x32768xf32, #tpu.memory_space<vmem>> -> memref<32768xf32, #tpu.memory_space<vmem>>
    %get3A_250 = arith.index_cast %mul3A_245 : i32 to index
    %get3A_251 = tpu.vector_load %get3A_249[%get3A_250] {strides = array<i32>} : memref<32768xf32, #tpu.memory_space<vmem>>, vector<16xf32>,
    %get3A_252 = vector.shape_cast %get3A_251 : vector<16xf32> to vector<16xf32>
    %gt3A_253 = arith.cmpf ogt, %get3A_252, %select_n3A_237 : vector<16xf32>
    %select_n3A_254 = arith.select %gt3A_253, %get3A_252, %select_n3A_237 : vector<16xi1>, vector<16xf32>
    %broadcast_in_dim3A_255 = vector.broadcast %add3A_243 : i32 to vector<16xi32>
    %select_n3A_256 = arith.select %gt3A_253, %broadcast_in_dim3A_255, %select_n3A_239 : vector<16xi1>, vector<16xi32>
    %mul3A_257 = arith.constant 8 : i32
    %mul3A_258 = arith.muli %squeeze3A, %mul3A_257 : i32
    %add3A_259 = arith.constant 4 : i32
    %add3A_260 = arith.addi %mul3A_258, %add3A_259 : i32
    %mul3A_261 = arith.constant 16 : i32
    %mul3A_262 = arith.muli %add3A_260, %mul3A_261 : i32
    %get3A_263 = arith.constant 0 : i32
    %get3A_264 = arith.constant 0 : i32
    %get3A_265 = tpu.memref_slice %arg4[%get3A_263, %get3A_264] : memref<2x32768xf32, #tpu.memory_space<vmem>> -> memref<1x32768xf32, #tpu.memory_space<vmem>>
    %get3A_266 = tpu.memref_squeeze %get3A_265 : memref<1x32768xf32, #tpu.memory_space<vmem>> -> memref<32768xf32, #tpu.memory_space<vmem>>
    %get3A_267 = arith.index_cast %mul3A_262 : i32 to index
    %get3A_268 = tpu.vector_load %get3A_266[%get3A_267] {strides = array<i32>} : memref<32768xf32, #tpu.memory_space<vmem>>, vector<16xf32>,
    %get3A_269 = vector.shape_cast %get3A_268 : vector<16xf32> to vector<16xf32>
    %gt3A_270 = arith.cmpf ogt, %get3A_269, %select_n3A_254 : vector<16xf32>
    %select_n3A_271 = arith.select %gt3A_270, %get3A_269, %select_n3A_254 : vector<16xi1>, vector<16xf32>
    %broadcast_in_dim3A_272 = vector.broadcast %add3A_260 : i32 to vector<16xi32>
    %select_n3A_273 = arith.select %gt3A_270, %broadcast_in_dim3A_272, %select_n3A_256 : vector<16xi1>, vector<16xi32>
    %mul3A_274 = arith.constant 8 : i32
    %mul3A_275 = arith.muli %squeeze3A, %mul3A_274 : i32
    %add3A_276 = arith.constant 5 : i32
    %add3A_277 = arith.addi %mul3A_275, %add3A_276 : i32
    %mul3A_278 = arith.constant 16 : i32
    %mul3A_279 = arith.muli %add3A_277, %mul3A_278 : i32
    %get3A_280 = arith.constant 0 : i32
    %get3A_281 = arith.constant 0 : i32
    %get3A_282 = tpu.memref_slice %arg4[%get3A_280, %get3A_281] : memref<2x32768xf32, #tpu.memory_space<vmem>> -> memref<1x32768xf32, #tpu.memory_space<vmem>>
    %get3A_283 = tpu.memref_squeeze %get3A_282 : memref<1x32768xf32, #tpu.memory_space<vmem>> -> memref<32768xf32, #tpu.memory_space<vmem>>
    %get3A_284 = arith.index_cast %mul3A_279 : i32 to index
    %get3A_285 = tpu.vector_load %get3A_283[%get3A_284] {strides = array<i32>} : memref<32768xf32, #tpu.memory_space<vmem>>, vector<16xf32>,
    %get3A_286 = vector.shape_cast %get3A_285 : vector<16xf32> to vector<16xf32>
    %gt3A_287 = arith.cmpf ogt, %get3A_286, %select_n3A_271 : vector<16xf32>
    %select_n3A_288 = arith.select %gt3A_287, %get3A_286, %select_n3A_271 : vector<16xi1>, vector<16xf32>
    %broadcast_in_dim3A_289 = vector.broadcast %add3A_277 : i32 to vector<16xi32>
    %select_n3A_290 = arith.select %gt3A_287, %broadcast_in_dim3A_289, %select_n3A_273 : vector<16xi1>, vector<16xi32>
    %mul3A_291 = arith.constant 8 : i32
    %mul3A_292 = arith.muli %squeeze3A, %mul3A_291 : i32
    %add3A_293 = arith.constant 6 : i32
    %add3A_294 = arith.addi %mul3A_292, %add3A_293 : i32
    %mul3A_295 = arith.constant 16 : i32
    %mul3A_296 = arith.muli %add3A_294, %mul3A_295 : i32
    %get3A_297 = arith.constant 0 : i32
    %get3A_298 = arith.constant 0 : i32
    %get3A_299 = tpu.memref_slice %arg4[%get3A_297, %get3A_298] : memref<2x32768xf32, #tpu.memory_space<vmem>> -> memref<1x32768xf32, #tpu.memory_space<vmem>>
    %get3A_300 = tpu.memref_squeeze %get3A_299 : memref<1x32768xf32, #tpu.memory_space<vmem>> -> memref<32768xf32, #tpu.memory_space<vmem>>
    %get3A_301 = arith.index_cast %mul3A_296 : i32 to index
    %get3A_302 = tpu.vector_load %get3A_300[%get3A_301] {strides = array<i32>} : memref<32768xf32, #tpu.memory_space<vmem>>, vector<16xf32>,
    %get3A_303 = vector.shape_cast %get3A_302 : vector<16xf32> to vector<16xf32>
    %gt3A_304 = arith.cmpf ogt, %get3A_303, %select_n3A_288 : vector<16xf32>
    %select_n3A_305 = arith.select %gt3A_304, %get3A_303, %select_n3A_288 : vector<16xi1>, vector<16xf32>
    %broadcast_in_dim3A_306 = vector.broadcast %add3A_294 : i32 to vector<16xi32>
    %select_n3A_307 = arith.select %gt3A_304, %broadcast_in_dim3A_306, %select_n3A_290 : vector<16xi1>, vector<16xi32>
    %mul3A_308 = arith.constant 8 : i32
    %mul3A_309 = arith.muli %squeeze3A, %mul3A_308 : i32
    %add3A_310 = arith.constant 7 : i32
    %add3A_311 = arith.addi %mul3A_309, %add3A_310 : i32
    %mul3A_312 = arith.constant 16 : i32
    %mul3A_313 = arith.muli %add3A_311, %mul3A_312 : i32
    %get3A_314 = arith.constant 0 : i32
    %get3A_315 = arith.constant 0 : i32
    %get3A_316 = tpu.memref_slice %arg4[%get3A_314, %get3A_315] : memref<2x32768xf32, #tpu.memory_space<vmem>> -> memref<1x32768xf32, #tpu.memory_space<vmem>>
    %get3A_317 = tpu.memref_squeeze %get3A_316 : memref<1x32768xf32, #tpu.memory_space<vmem>> -> memref<32768xf32, #tpu.memory_space<vmem>>
    %get3A_318 = arith.index_cast %mul3A_313 : i32 to index
    %get3A_319 = tpu.vector_load %get3A_317[%get3A_318] {strides = array<i32>} : memref<32768xf32, #tpu.memory_space<vmem>>, vector<16xf32>,
    %get3A_320 = vector.shape_cast %get3A_319 : vector<16xf32> to vector<16xf32>
    %gt3A_321 = arith.cmpf ogt, %get3A_320, %select_n3A_305 : vector<16xf32>
    %select_n3A_322 = arith.select %gt3A_321, %get3A_320, %select_n3A_305 : vector<16xi1>, vector<16xf32>
    %broadcast_in_dim3A_323 = vector.broadcast %add3A_311 : i32 to vector<16xi32>
    %select_n3A_324 = arith.select %gt3A_321, %broadcast_in_dim3A_323, %select_n3A_307 : vector<16xi1>, vector<16xi32>
    %mul3A_325 = arith.constant 16 : i32
    %mul3A_326 = vector.broadcast %mul3A_325 : i32 to vector<16xi32>
    %mul3A_327 = arith.muli %select_n3A_324, %mul3A_326 : vector<16xi32>
    %add3A_328 = arith.addi %mul3A_327, %iota3A : vector<16xi32>
    %xor3A_329 = arith.constant 8 : i32
    %xor3A_330 = vector.broadcast %xor3A_329 : i32 to vector<16xi32>
    %xor3A_331 = arith.xori %iota3A, %xor3A_330 : vector<16xi32>
    %lt3A_332 = arith.constant 0 : i32
    %lt3A_333 = vector.broadcast %lt3A_332 : i32 to vector<16xi32>
    %lt3A_334 = arith.cmpi slt, %xor3A_331, %lt3A_333 : vector<16xi32>
    %add3A_335 = arith.constant 16 : i32
    %add3A_336 = vector.broadcast %add3A_335 : i32 to vector<16xi32>
    %add3A_337 = arith.addi %xor3A_331, %add3A_336 : vector<16xi32>
    %select_n3A_338 = arith.select %lt3A_334, %add3A_337, %xor3A_331 : vector<16xi1>, vector<16xi32>
    %broadcast_in_dim3A_339 = vector.shape_cast %select_n3A_338 : vector<16xi32> to vector<16x1xi32>
    %gather3A_340 = vector.shape_cast %broadcast_in_dim3A_339 : vector<16x1xi32> to vector<16xi32>
    %gather3A_341 = tpu.dynamic_gather %select_n3A_322[%gather3A_340] in [0] : vector<16xf32>, vector<16xi32> -> vector<16xf32>
    %lt3A_342 = arith.constant 0 : i32
    %lt3A_343 = vector.broadcast %lt3A_342 : i32 to vector<16xi32>
    %lt3A_344 = arith.cmpi slt, %xor3A_331, %lt3A_343 : vector<16xi32>
    %add3A_345 = arith.constant 16 : i32
    %add3A_346 = vector.broadcast %add3A_345 : i32 to vector<16xi32>
    %add3A_347 = arith.addi %xor3A_331, %add3A_346 : vector<16xi32>
    %select_n3A_348 = arith.select %lt3A_344, %add3A_347, %xor3A_331 : vector<16xi1>, vector<16xi32>
    %broadcast_in_dim3A_349 = vector.shape_cast %select_n3A_348 : vector<16xi32> to vector<16x1xi32>
    %gather3A_350 = vector.shape_cast %broadcast_in_dim3A_349 : vector<16x1xi32> to vector<16xi32>
    %gather3A_351 = tpu.dynamic_gather %add3A_328[%gather3A_350] in [0] : vector<16xi32>, vector<16xi32> -> vector<16xi32>
    %gt3A_352 = arith.cmpf ogt, %gather3A_341, %select_n3A_322 : vector<16xf32>
    %eq3A_353 = arith.cmpf oeq, %gather3A_341, %select_n3A_322 : vector<16xf32>
    %lt3A_354 = arith.cmpi slt, %gather3A_351, %add3A_328 : vector<16xi32>
    %and3A_355 = arith.andi %eq3A_353, %lt3A_354 : vector<16xi1>
    %or3A_356 = arith.ori %gt3A_352, %and3A_355 : vector<16xi1>
    %select_n3A_357 = arith.select %or3A_356, %gather3A_341, %select_n3A_322 : vector<16xi1>, vector<16xf32>
    %select_n3A_358 = arith.select %or3A_356, %gather3A_351, %add3A_328 : vector<16xi1>, vector<16xi32>
    %xor3A_359 = arith.constant 4 : i32
    %xor3A_360 = vector.broadcast %xor3A_359 : i32 to vector<16xi32>
    %xor3A_361 = arith.xori %iota3A, %xor3A_360 : vector<16xi32>
    %lt3A_362 = arith.constant 0 : i32
    %lt3A_363 = vector.broadcast %lt3A_362 : i32 to vector<16xi32>
    %lt3A_364 = arith.cmpi slt, %xor3A_361, %lt3A_363 : vector<16xi32>
    %add3A_365 = arith.constant 16 : i32
    %add3A_366 = vector.broadcast %add3A_365 : i32 to vector<16xi32>
    %add3A_367 = arith.addi %xor3A_361, %add3A_366 : vector<16xi32>
    %select_n3A_368 = arith.select %lt3A_364, %add3A_367, %xor3A_361 : vector<16xi1>, vector<16xi32>
    %broadcast_in_dim3A_369 = vector.shape_cast %select_n3A_368 : vector<16xi32> to vector<16x1xi32>
    %gather3A_370 = vector.shape_cast %broadcast_in_dim3A_369 : vector<16x1xi32> to vector<16xi32>
    %gather3A_371 = tpu.dynamic_gather %select_n3A_357[%gather3A_370] in [0] : vector<16xf32>, vector<16xi32> -> vector<16xf32>
    %lt3A_372 = arith.constant 0 : i32
    %lt3A_373 = vector.broadcast %lt3A_372 : i32 to vector<16xi32>
    %lt3A_374 = arith.cmpi slt, %xor3A_361, %lt3A_373 : vector<16xi32>
    %add3A_375 = arith.constant 16 : i32
    %add3A_376 = vector.broadcast %add3A_375 : i32 to vector<16xi32>
    %add3A_377 = arith.addi %xor3A_361, %add3A_376 : vector<16xi32>
    %select_n3A_378 = arith.select %lt3A_374, %add3A_377, %xor3A_361 : vector<16xi1>, vector<16xi32>
    %broadcast_in_dim3A_379 = vector.shape_cast %select_n3A_378 : vector<16xi32> to vector<16x1xi32>
    %gather3A_380 = vector.shape_cast %broadcast_in_dim3A_379 : vector<16x1xi32> to vector<16xi32>
    %gather3A_381 = tpu.dynamic_gather %select_n3A_358[%gather3A_380] in [0] : vector<16xi32>, vector<16xi32> -> vector<16xi32>
    %gt3A_382 = arith.cmpf ogt, %gather3A_371, %select_n3A_357 : vector<16xf32>
    %eq3A_383 = arith.cmpf oeq, %gather3A_371, %select_n3A_357 : vector<16xf32>
    %lt3A_384 = arith.cmpi slt, %gather3A_381, %select_n3A_358 : vector<16xi32>
    %and3A_385 = arith.andi %eq3A_383, %lt3A_384 : vector<16xi1>
    %or3A_386 = arith.ori %gt3A_382, %and3A_385 : vector<16xi1>
    %select_n3A_387 = arith.select %or3A_386, %gather3A_371, %select_n3A_357 : vector<16xi1>, vector<16xf32>
    %select_n3A_388 = arith.select %or3A_386, %gather3A_381, %select_n3A_358 : vector<16xi1>, vector<16xi32>
    %xor3A_389 = arith.constant 2 : i32
    %xor3A_390 = vector.broadcast %xor3A_389 : i32 to vector<16xi32>
    %xor3A_391 = arith.xori %iota3A, %xor3A_390 : vector<16xi32>
    %lt3A_392 = arith.constant 0 : i32
    %lt3A_393 = vector.broadcast %lt3A_392 : i32 to vector<16xi32>
    %lt3A_394 = arith.cmpi slt, %xor3A_391, %lt3A_393 : vector<16xi32>
    %add3A_395 = arith.constant 16 : i32
    %add3A_396 = vector.broadcast %add3A_395 : i32 to vector<16xi32>
    %add3A_397 = arith.addi %xor3A_391, %add3A_396 : vector<16xi32>
    %select_n3A_398 = arith.select %lt3A_394, %add3A_397, %xor3A_391 : vector<16xi1>, vector<16xi32>
    %broadcast_in_dim3A_399 = vector.shape_cast %select_n3A_398 : vector<16xi32> to vector<16x1xi32>
    %gather3A_400 = vector.shape_cast %broadcast_in_dim3A_399 : vector<16x1xi32> to vector<16xi32>
    %gather3A_401 = tpu.dynamic_gather %select_n3A_387[%gather3A_400] in [0] : vector<16xf32>, vector<16xi32> -> vector<16xf32>
    %lt3A_402 = arith.constant 0 : i32
    %lt3A_403 = vector.broadcast %lt3A_402 : i32 to vector<16xi32>
    %lt3A_404 = arith.cmpi slt, %xor3A_391, %lt3A_403 : vector<16xi32>
    %add3A_405 = arith.constant 16 : i32
    %add3A_406 = vector.broadcast %add3A_405 : i32 to vector<16xi32>
    %add3A_407 = arith.addi %xor3A_391, %add3A_406 : vector<16xi32>
    %select_n3A_408 = arith.select %lt3A_404, %add3A_407, %xor3A_391 : vector<16xi1>, vector<16xi32>
    %broadcast_in_dim3A_409 = vector.shape_cast %select_n3A_408 : vector<16xi32> to vector<16x1xi32>
    %gather3A_410 = vector.shape_cast %broadcast_in_dim3A_409 : vector<16x1xi32> to vector<16xi32>
    %gather3A_411 = tpu.dynamic_gather %select_n3A_388[%gather3A_410] in [0] : vector<16xi32>, vector<16xi32> -> vector<16xi32>
    %gt3A_412 = arith.cmpf ogt, %gather3A_401, %select_n3A_387 : vector<16xf32>
    %eq3A_413 = arith.cmpf oeq, %gather3A_401, %select_n3A_387 : vector<16xf32>
    %lt3A_414 = arith.cmpi slt, %gather3A_411, %select_n3A_388 : vector<16xi32>
    %and3A_415 = arith.andi %eq3A_413, %lt3A_414 : vector<16xi1>
    %or3A_416 = arith.ori %gt3A_412, %and3A_415 : vector<16xi1>
    %select_n3A_417 = arith.select %or3A_416, %gather3A_401, %select_n3A_387 : vector<16xi1>, vector<16xf32>
    %select_n3A_418 = arith.select %or3A_416, %gather3A_411, %select_n3A_388 : vector<16xi1>, vector<16xi32>
    %xor3A_419 = arith.constant 1 : i32
    %xor3A_420 = vector.broadcast %xor3A_419 : i32 to vector<16xi32>
    %xor3A_421 = arith.xori %iota3A, %xor3A_420 : vector<16xi32>
    %lt3A_422 = arith.constant 0 : i32
    %lt3A_423 = vector.broadcast %lt3A_422 : i32 to vector<16xi32>
    %lt3A_424 = arith.cmpi slt, %xor3A_421, %lt3A_423 : vector<16xi32>
    %add3A_425 = arith.constant 16 : i32
    %add3A_426 = vector.broadcast %add3A_425 : i32 to vector<16xi32>
    %add3A_427 = arith.addi %xor3A_421, %add3A_426 : vector<16xi32>
    %select_n3A_428 = arith.select %lt3A_424, %add3A_427, %xor3A_421 : vector<16xi1>, vector<16xi32>
    %broadcast_in_dim3A_429 = vector.shape_cast %select_n3A_428 : vector<16xi32> to vector<16x1xi32>
    %gather3A_430 = vector.shape_cast %broadcast_in_dim3A_429 : vector<16x1xi32> to vector<16xi32>
    %gather3A_431 = tpu.dynamic_gather %select_n3A_417[%gather3A_430] in [0] : vector<16xf32>, vector<16xi32> -> vector<16xf32>
    %lt3A_432 = arith.constant 0 : i32
    %lt3A_433 = vector.broadcast %lt3A_432 : i32 to vector<16xi32>
    %lt3A_434 = arith.cmpi slt, %xor3A_421, %lt3A_433 : vector<16xi32>
    %add3A_435 = arith.constant 16 : i32
    %add3A_436 = vector.broadcast %add3A_435 : i32 to vector<16xi32>
    %add3A_437 = arith.addi %xor3A_421, %add3A_436 : vector<16xi32>
    %select_n3A_438 = arith.select %lt3A_434, %add3A_437, %xor3A_421 : vector<16xi1>, vector<16xi32>
    %broadcast_in_dim3A_439 = vector.shape_cast %select_n3A_438 : vector<16xi32> to vector<16x1xi32>
    %gather3A_440 = vector.shape_cast %broadcast_in_dim3A_439 : vector<16x1xi32> to vector<16xi32>
    %gather3A_441 = tpu.dynamic_gather %select_n3A_418[%gather3A_440] in [0] : vector<16xi32>, vector<16xi32> -> vector<16xi32>
    %gt3A_442 = arith.cmpf ogt, %gather3A_431, %select_n3A_417 : vector<16xf32>
    %eq3A_443 = arith.cmpf oeq, %gather3A_431, %select_n3A_417 : vector<16xf32>
    %lt3A_444 = arith.cmpi slt, %gather3A_441, %select_n3A_418 : vector<16xi32>
    %and3A_445 = arith.andi %eq3A_443, %lt3A_444 : vector<16xi1>
    %or3A_446 = arith.ori %gt3A_442, %and3A_445 : vector<16xi1>
    %select_n3A_447 = arith.select %or3A_446, %gather3A_431, %select_n3A_417 : vector<16xi1>, vector<16xf32>
    %select_n3A_448 = arith.select %or3A_446, %gather3A_441, %select_n3A_418 : vector<16xi1>, vector<16xi32>
    %eq3A_449 = arith.constant 0 : i32
    %eq3A_450 = vector.broadcast %eq3A_449 : i32 to vector<16xi32>
    %eq3A_451 = arith.cmpi eq, %iota3A, %eq3A_450 : vector<16xi32>
    %select_n3A_452 = arith.select %eq3A_451, %select_n3A_448, %broadcast_in_dim3A_3 : vector<16xi1>, vector<16xi32>
    %dma_wait3A_453 = arith.constant 1 : i32
    %dma_wait3A_454 = arith.constant 0 : i32
    %dma_wait3A_455 = tpu.memref_slice %arg4[%dma_wait3A_453, %dma_wait3A_454] : memref<2x32768xf32, #tpu.memory_space<vmem>> -> memref<1x32768xf32, #tpu.memory_space<vmem>>
    %dma_wait3A_456 = tpu.memref_squeeze %dma_wait3A_455 : memref<1x32768xf32, #tpu.memory_space<vmem>> -> memref<32768xf32, #tpu.memory_space<vmem>>
    %dma_wait3A_457 = arith.constant 0 : i32
    %dma_wait3A_458 = tpu.memref_slice %arg2[%add3A_35, %dma_wait3A_457] : memref<128x32768xf32, #tpu.memory_space<hbm>> -> memref<1x32768xf32, #tpu.memory_space<hbm>>
    %dma_wait3A_459 = tpu.memref_squeeze %dma_wait3A_458 : memref<1x32768xf32, #tpu.memory_space<hbm>> -> memref<32768xf32, #tpu.memory_space<hbm>>
    %dma_wait3A_460 = arith.constant 0 : i32
    %dma_wait3A_461 = tpu.memref_slice %arg4[%dma_wait3A_453, %dma_wait3A_460] : memref<2x32768xf32, #tpu.memory_space<vmem>> -> memref<1x32768xf32, #tpu.memory_space<vmem>>
    %dma_wait3A_462 = tpu.memref_squeeze %dma_wait3A_461 : memref<1x32768xf32, #tpu.memory_space<vmem>> -> memref<32768xf32, #tpu.memory_space<vmem>>
    %dma_wait3A_463 = arith.constant 0 : i32
    %dma_wait3A_464 = tpu.memref_slice %arg2[%add3A_35, %dma_wait3A_463] : memref<128x32768xf32, #tpu.memory_space<hbm>> -> memref<1x32768xf32, #tpu.memory_space<hbm>>
    %dma_wait3A_465 = tpu.memref_squeeze %dma_wait3A_464 : memref<1x32768xf32, #tpu.memory_space<hbm>> -> memref<32768xf32, #tpu.memory_space<hbm>>
    tpu.wait_dma2 semaphore(%arg7 : memref<!tpu.dma_semaphore, #tpu.memory_space<semaphore_mem>>) src(%dma_wait3A_465 : memref<32768xf32, #tpu.memory_space<hbm>>) dst(%dma_wait3A_462 : memref<32768xf32, #tpu.memory_space<vmem>>)
    %broadcast_in_dim3A_466 = arith.constant 0 : i32
    %broadcast_in_dim3A_467 = vector.broadcast %broadcast_in_dim3A_466 : i32 to vector<16xi32>
    %parallel_loop3A_468 = arith.constant 0 : i32
    %parallel_loop3A_469 = arith.constant 256 : i32
    %parallel_loop3A_470 = arith.constant 4 : i32
    %parallel_loop3A_471 = arith.constant 1 : i32
    %parallel_loop3A_472:8 = scf.for %parallel_loop3A_885 = %parallel_loop3A_468 to %parallel_loop3A_469 step %parallel_loop3A_470 iter_args(%parallel_loop3A_886 = %broadcast_in_dim3A_1, %parallel_loop3A_887 = %broadcast_in_dim3A_1, %parallel_loop3A_888 = %broadcast_in_dim3A_1, %parallel_loop3A_889 = %broadcast_in_dim3A_1, %parallel_loop3A_890 = %broadcast_in_dim3A_467, %parallel_loop3A_891 = %broadcast_in_dim3A_467, %parallel_loop3A_892 = %broadcast_in_dim3A_467, %parallel_loop3A_893 = %broadcast_in_dim3A_467) -> (vector<16xf32>, vector<16xf32>, vector<16xf32>, vector<16xf32>, vector<16xi32>, vector<16xi32>, vector<16xi32>, vector<16xi32>)  : i32 {
      %parallel_loop3A_894 = arith.constant 0 : i32
      %parallel_loop3A_895 = arith.addi %parallel_loop3A_885, %parallel_loop3A_894 : i32
      %parallel_loop3A_896 = arith.constant 8 : i32
      %parallel_loop3A_897 = arith.muli %parallel_loop3A_895, %parallel_loop3A_896 : i32
      %parallel_loop3A_898 = arith.constant 0 : i32
      %parallel_loop3A_899 = arith.addi %parallel_loop3A_897, %parallel_loop3A_898 : i32
      %parallel_loop3A_900 = arith.constant 16 : i32
      %parallel_loop3A_901 = arith.muli %parallel_loop3A_899, %parallel_loop3A_900 : i32
      %parallel_loop3A_902 = arith.constant 0 : i32
      %parallel_loop3A_903 = tpu.memref_slice %arg4[%parallel_loop3A_471, %parallel_loop3A_902] : memref<2x32768xf32, #tpu.memory_space<vmem>> -> memref<1x32768xf32, #tpu.memory_space<vmem>>
      %parallel_loop3A_904 = tpu.memref_squeeze %parallel_loop3A_903 : memref<1x32768xf32, #tpu.memory_space<vmem>> -> memref<32768xf32, #tpu.memory_space<vmem>>
      %parallel_loop3A_905 = arith.index_cast %parallel_loop3A_901 : i32 to index
      %parallel_loop3A_906 = tpu.vector_load %parallel_loop3A_904[%parallel_loop3A_905] {strides = array<i32>} : memref<32768xf32, #tpu.memory_space<vmem>>, vector<16xf32>,
      %parallel_loop3A_907 = vector.shape_cast %parallel_loop3A_906 : vector<16xf32> to vector<16xf32>
      %parallel_loop3A_908 = arith.constant 8 : i32
      %parallel_loop3A_909 = arith.muli %parallel_loop3A_895, %parallel_loop3A_908 : i32
      %parallel_loop3A_910 = arith.constant 1 : i32
      %parallel_loop3A_911 = arith.addi %parallel_loop3A_909, %parallel_loop3A_910 : i32
      %parallel_loop3A_912 = arith.constant 16 : i32
      %parallel_loop3A_913 = arith.muli %parallel_loop3A_911, %parallel_loop3A_912 : i32
      %parallel_loop3A_914 = arith.constant 0 : i32
      %parallel_loop3A_915 = tpu.memref_slice %arg4[%parallel_loop3A_471, %parallel_loop3A_914] : memref<2x32768xf32, #tpu.memory_space<vmem>> -> memref<1x32768xf32, #tpu.memory_space<vmem>>
      %parallel_loop3A_916 = tpu.memref_squeeze %parallel_loop3A_915 : memref<1x32768xf32, #tpu.memory_space<vmem>> -> memref<32768xf32, #tpu.memory_space<vmem>>
      %parallel_loop3A_917 = arith.index_cast %parallel_loop3A_913 : i32 to index
      %parallel_loop3A_918 = tpu.vector_load %parallel_loop3A_916[%parallel_loop3A_917] {strides = array<i32>} : memref<32768xf32, #tpu.memory_space<vmem>>, vector<16xf32>,
      %parallel_loop3A_919 = vector.shape_cast %parallel_loop3A_918 : vector<16xf32> to vector<16xf32>
      %parallel_loop3A_920 = arith.constant 8 : i32
      %parallel_loop3A_921 = arith.muli %parallel_loop3A_895, %parallel_loop3A_920 : i32
      %parallel_loop3A_922 = arith.constant 2 : i32
      %parallel_loop3A_923 = arith.addi %parallel_loop3A_921, %parallel_loop3A_922 : i32
      %parallel_loop3A_924 = arith.constant 16 : i32
      %parallel_loop3A_925 = arith.muli %parallel_loop3A_923, %parallel_loop3A_924 : i32
      %parallel_loop3A_926 = arith.constant 0 : i32
      %parallel_loop3A_927 = tpu.memref_slice %arg4[%parallel_loop3A_471, %parallel_loop3A_926] : memref<2x32768xf32, #tpu.memory_space<vmem>> -> memref<1x32768xf32, #tpu.memory_space<vmem>>
      %parallel_loop3A_928 = tpu.memref_squeeze %parallel_loop3A_927 : memref<1x32768xf32, #tpu.memory_space<vmem>> -> memref<32768xf32, #tpu.memory_space<vmem>>
      %parallel_loop3A_929 = arith.index_cast %parallel_loop3A_925 : i32 to index
      %parallel_loop3A_930 = tpu.vector_load %parallel_loop3A_928[%parallel_loop3A_929] {strides = array<i32>} : memref<32768xf32, #tpu.memory_space<vmem>>, vector<16xf32>,
      %parallel_loop3A_931 = vector.shape_cast %parallel_loop3A_930 : vector<16xf32> to vector<16xf32>
      %parallel_loop3A_932 = arith.constant 8 : i32
      %parallel_loop3A_933 = arith.muli %parallel_loop3A_895, %parallel_loop3A_932 : i32
      %parallel_loop3A_934 = arith.constant 3 : i32
      %parallel_loop3A_935 = arith.addi %parallel_loop3A_933, %parallel_loop3A_934 : i32
      %parallel_loop3A_936 = arith.constant 16 : i32
      %parallel_loop3A_937 = arith.muli %parallel_loop3A_935, %parallel_loop3A_936 : i32
      %parallel_loop3A_938 = arith.constant 0 : i32
      %parallel_loop3A_939 = tpu.memref_slice %arg4[%parallel_loop3A_471, %parallel_loop3A_938] : memref<2x32768xf32, #tpu.memory_space<vmem>> -> memref<1x32768xf32, #tpu.memory_space<vmem>>
      %parallel_loop3A_940 = tpu.memref_squeeze %parallel_loop3A_939 : memref<1x32768xf32, #tpu.memory_space<vmem>> -> memref<32768xf32, #tpu.memory_space<vmem>>
      %parallel_loop3A_941 = arith.index_cast %parallel_loop3A_937 : i32 to index
      %parallel_loop3A_942 = tpu.vector_load %parallel_loop3A_940[%parallel_loop3A_941] {strides = array<i32>} : memref<32768xf32, #tpu.memory_space<vmem>>, vector<16xf32>,
      %parallel_loop3A_943 = vector.shape_cast %parallel_loop3A_942 : vector<16xf32> to vector<16xf32>
      %parallel_loop3A_944 = arith.constant 8 : i32
      %parallel_loop3A_945 = arith.muli %parallel_loop3A_895, %parallel_loop3A_944 : i32
      %parallel_loop3A_946 = arith.constant 4 : i32
      %parallel_loop3A_947 = arith.addi %parallel_loop3A_945, %parallel_loop3A_946 : i32
      %parallel_loop3A_948 = arith.constant 16 : i32
      %parallel_loop3A_949 = arith.muli %parallel_loop3A_947, %parallel_loop3A_948 : i32
      %parallel_loop3A_950 = arith.constant 0 : i32
      %parallel_loop3A_951 = tpu.memref_slice %arg4[%parallel_loop3A_471, %parallel_loop3A_950] : memref<2x32768xf32, #tpu.memory_space<vmem>> -> memref<1x32768xf32, #tpu.memory_space<vmem>>
      %parallel_loop3A_952 = tpu.memref_squeeze %parallel_loop3A_951 : memref<1x32768xf32, #tpu.memory_space<vmem>> -> memref<32768xf32, #tpu.memory_space<vmem>>
      %parallel_loop3A_953 = arith.index_cast %parallel_loop3A_949 : i32 to index
      %parallel_loop3A_954 = tpu.vector_load %parallel_loop3A_952[%parallel_loop3A_953] {strides = array<i32>} : memref<32768xf32, #tpu.memory_space<vmem>>, vector<16xf32>,
      %parallel_loop3A_955 = vector.shape_cast %parallel_loop3A_954 : vector<16xf32> to vector<16xf32>
      %parallel_loop3A_956 = arith.constant 8 : i32
      %parallel_loop3A_957 = arith.muli %parallel_loop3A_895, %parallel_loop3A_956 : i32
      %parallel_loop3A_958 = arith.constant 5 : i32
      %parallel_loop3A_959 = arith.addi %parallel_loop3A_957, %parallel_loop3A_958 : i32
      %parallel_loop3A_960 = arith.constant 16 : i32
      %parallel_loop3A_961 = arith.muli %parallel_loop3A_959, %parallel_loop3A_960 : i32
      %parallel_loop3A_962 = arith.constant 0 : i32
      %parallel_loop3A_963 = tpu.memref_slice %arg4[%parallel_loop3A_471, %parallel_loop3A_962] : memref<2x32768xf32, #tpu.memory_space<vmem>> -> memref<1x32768xf32, #tpu.memory_space<vmem>>
      %parallel_loop3A_964 = tpu.memref_squeeze %parallel_loop3A_963 : memref<1x32768xf32, #tpu.memory_space<vmem>> -> memref<32768xf32, #tpu.memory_space<vmem>>
      %parallel_loop3A_965 = arith.index_cast %parallel_loop3A_961 : i32 to index
      %parallel_loop3A_966 = tpu.vector_load %parallel_loop3A_964[%parallel_loop3A_965] {strides = array<i32>} : memref<32768xf32, #tpu.memory_space<vmem>>, vector<16xf32>,
      %parallel_loop3A_967 = vector.shape_cast %parallel_loop3A_966 : vector<16xf32> to vector<16xf32>
      %parallel_loop3A_968 = arith.constant 8 : i32
      %parallel_loop3A_969 = arith.muli %parallel_loop3A_895, %parallel_loop3A_968 : i32
      %parallel_loop3A_970 = arith.constant 6 : i32
      %parallel_loop3A_971 = arith.addi %parallel_loop3A_969, %parallel_loop3A_970 : i32
      %parallel_loop3A_972 = arith.constant 16 : i32
      %parallel_loop3A_973 = arith.muli %parallel_loop3A_971, %parallel_loop3A_972 : i32
      %parallel_loop3A_974 = arith.constant 0 : i32
      %parallel_loop3A_975 = tpu.memref_slice %arg4[%parallel_loop3A_471, %parallel_loop3A_974] : memref<2x32768xf32, #tpu.memory_space<vmem>> -> memref<1x32768xf32, #tpu.memory_space<vmem>>
      %parallel_loop3A_976 = tpu.memref_squeeze %parallel_loop3A_975 : memref<1x32768xf32, #tpu.memory_space<vmem>> -> memref<32768xf32, #tpu.memory_space<vmem>>
      %parallel_loop3A_977 = arith.index_cast %parallel_loop3A_973 : i32 to index
      %parallel_loop3A_978 = tpu.vector_load %parallel_loop3A_976[%parallel_loop3A_977] {strides = array<i32>} : memref<32768xf32, #tpu.memory_space<vmem>>, vector<16xf32>,
      %parallel_loop3A_979 = vector.shape_cast %parallel_loop3A_978 : vector<16xf32> to vector<16xf32>
      %parallel_loop3A_980 = arith.constant 8 : i32
      %parallel_loop3A_981 = arith.muli %parallel_loop3A_895, %parallel_loop3A_980 : i32
      %parallel_loop3A_982 = arith.constant 7 : i32
      %parallel_loop3A_983 = arith.addi %parallel_loop3A_981, %parallel_loop3A_982 : i32
      %parallel_loop3A_984 = arith.constant 16 : i32
      %parallel_loop3A_985 = arith.muli %parallel_loop3A_983, %parallel_loop3A_984 : i32
      %parallel_loop3A_986 = arith.constant 0 : i32
      %parallel_loop3A_987 = tpu.memref_slice %arg4[%parallel_loop3A_471, %parallel_loop3A_986] : memref<2x32768xf32, #tpu.memory_space<vmem>> -> memref<1x32768xf32, #tpu.memory_space<vmem>>
      %parallel_loop3A_988 = tpu.memref_squeeze %parallel_loop3A_987 : memref<1x32768xf32, #tpu.memory_space<vmem>> -> memref<32768xf32, #tpu.memory_space<vmem>>
      %parallel_loop3A_989 = arith.index_cast %parallel_loop3A_985 : i32 to index
      %parallel_loop3A_990 = tpu.vector_load %parallel_loop3A_988[%parallel_loop3A_989] {strides = array<i32>} : memref<32768xf32, #tpu.memory_space<vmem>>, vector<16xf32>,
      %parallel_loop3A_991 = vector.shape_cast %parallel_loop3A_990 : vector<16xf32> to vector<16xf32>
      %parallel_loop3A_992 = arith.maximumf %parallel_loop3A_907, %parallel_loop3A_919 : vector<16xf32>
      %parallel_loop3A_993 = arith.maximumf %parallel_loop3A_931, %parallel_loop3A_943 : vector<16xf32>
      %parallel_loop3A_994 = arith.maximumf %parallel_loop3A_955, %parallel_loop3A_967 : vector<16xf32>
      %parallel_loop3A_995 = arith.maximumf %parallel_loop3A_979, %parallel_loop3A_991 : vector<16xf32>
      %parallel_loop3A_996 = arith.maximumf %parallel_loop3A_992, %parallel_loop3A_993 : vector<16xf32>
      %parallel_loop3A_997 = arith.maximumf %parallel_loop3A_994, %parallel_loop3A_995 : vector<16xf32>
      %parallel_loop3A_998 = arith.maximumf %parallel_loop3A_996, %parallel_loop3A_997 : vector<16xf32>
      %parallel_loop3A_999 = arith.cmpf ogt, %parallel_loop3A_998, %parallel_loop3A_886 : vector<16xf32>
      %parallel_loop3A_1000 = arith.select %parallel_loop3A_999, %parallel_loop3A_998, %parallel_loop3A_886 : vector<16xi1>, vector<16xf32>
      %parallel_loop3A_1001 = vector.broadcast %parallel_loop3A_895 : i32 to vector<16xi32>
      %parallel_loop3A_1002 = arith.select %parallel_loop3A_999, %parallel_loop3A_1001, %parallel_loop3A_890 : vector<16xi1>, vector<16xi32>
      %parallel_loop3A_1003 = arith.constant 1 : i32
      %parallel_loop3A_1004 = arith.addi %parallel_loop3A_885, %parallel_loop3A_1003 : i32
      %parallel_loop3A_1005 = arith.constant 8 : i32
      %parallel_loop3A_1006 = arith.muli %parallel_loop3A_1004, %parallel_loop3A_1005 : i32
      %parallel_loop3A_1007 = arith.constant 0 : i32
      %parallel_loop3A_1008 = arith.addi %parallel_loop3A_1006, %parallel_loop3A_1007 : i32
      %parallel_loop3A_1009 = arith.constant 16 : i32
      %parallel_loop3A_1010 = arith.muli %parallel_loop3A_1008, %parallel_loop3A_1009 : i32
      %parallel_loop3A_1011 = arith.constant 0 : i32
      %parallel_loop3A_1012 = tpu.memref_slice %arg4[%parallel_loop3A_471, %parallel_loop3A_1011] : memref<2x32768xf32, #tpu.memory_space<vmem>> -> memref<1x32768xf32, #tpu.memory_space<vmem>>
      %parallel_loop3A_1013 = tpu.memref_squeeze %parallel_loop3A_1012 : memref<1x32768xf32, #tpu.memory_space<vmem>> -> memref<32768xf32, #tpu.memory_space<vmem>>
      %parallel_loop3A_1014 = arith.index_cast %parallel_loop3A_1010 : i32 to index
      %parallel_loop3A_1015 = tpu.vector_load %parallel_loop3A_1013[%parallel_loop3A_1014] {strides = array<i32>} : memref<32768xf32, #tpu.memory_space<vmem>>, vector<16xf32>,
      %parallel_loop3A_1016 = vector.shape_cast %parallel_loop3A_1015 : vector<16xf32> to vector<16xf32>
      %parallel_loop3A_1017 = arith.constant 8 : i32
      %parallel_loop3A_1018 = arith.muli %parallel_loop3A_1004, %parallel_loop3A_1017 : i32
      %parallel_loop3A_1019 = arith.constant 1 : i32
      %parallel_loop3A_1020 = arith.addi %parallel_loop3A_1018, %parallel_loop3A_1019 : i32
      %parallel_loop3A_1021 = arith.constant 16 : i32
      %parallel_loop3A_1022 = arith.muli %parallel_loop3A_1020, %parallel_loop3A_1021 : i32
      %parallel_loop3A_1023 = arith.constant 0 : i32
      %parallel_loop3A_1024 = tpu.memref_slice %arg4[%parallel_loop3A_471, %parallel_loop3A_1023] : memref<2x32768xf32, #tpu.memory_space<vmem>> -> memref<1x32768xf32, #tpu.memory_space<vmem>>
      %parallel_loop3A_1025 = tpu.memref_squeeze %parallel_loop3A_1024 : memref<1x32768xf32, #tpu.memory_space<vmem>> -> memref<32768xf32, #tpu.memory_space<vmem>>
      %parallel_loop3A_1026 = arith.index_cast %parallel_loop3A_1022 : i32 to index
      %parallel_loop3A_1027 = tpu.vector_load %parallel_loop3A_1025[%parallel_loop3A_1026] {strides = array<i32>} : memref<32768xf32, #tpu.memory_space<vmem>>, vector<16xf32>,
      %parallel_loop3A_1028 = vector.shape_cast %parallel_loop3A_1027 : vector<16xf32> to vector<16xf32>
      %parallel_loop3A_1029 = arith.constant 8 : i32
      %parallel_loop3A_1030 = arith.muli %parallel_loop3A_1004, %parallel_loop3A_1029 : i32
      %parallel_loop3A_1031 = arith.constant 2 : i32
      %parallel_loop3A_1032 = arith.addi %parallel_loop3A_1030, %parallel_loop3A_1031 : i32
      %parallel_loop3A_1033 = arith.constant 16 : i32
      %parallel_loop3A_1034 = arith.muli %parallel_loop3A_1032, %parallel_loop3A_1033 : i32
      %parallel_loop3A_1035 = arith.constant 0 : i32
      %parallel_loop3A_1036 = tpu.memref_slice %arg4[%parallel_loop3A_471, %parallel_loop3A_1035] : memref<2x32768xf32, #tpu.memory_space<vmem>> -> memref<1x32768xf32, #tpu.memory_space<vmem>>
      %parallel_loop3A_1037 = tpu.memref_squeeze %parallel_loop3A_1036 : memref<1x32768xf32, #tpu.memory_space<vmem>> -> memref<32768xf32, #tpu.memory_space<vmem>>
      %parallel_loop3A_1038 = arith.index_cast %parallel_loop3A_1034 : i32 to index
      %parallel_loop3A_1039 = tpu.vector_load %parallel_loop3A_1037[%parallel_loop3A_1038] {strides = array<i32>} : memref<32768xf32, #tpu.memory_space<vmem>>, vector<16xf32>,
      %parallel_loop3A_1040 = vector.shape_cast %parallel_loop3A_1039 : vector<16xf32> to vector<16xf32>
      %parallel_loop3A_1041 = arith.constant 8 : i32
      %parallel_loop3A_1042 = arith.muli %parallel_loop3A_1004, %parallel_loop3A_1041 : i32
      %parallel_loop3A_1043 = arith.constant 3 : i32
      %parallel_loop3A_1044 = arith.addi %parallel_loop3A_1042, %parallel_loop3A_1043 : i32
      %parallel_loop3A_1045 = arith.constant 16 : i32
      %parallel_loop3A_1046 = arith.muli %parallel_loop3A_1044, %parallel_loop3A_1045 : i32
      %parallel_loop3A_1047 = arith.constant 0 : i32
      %parallel_loop3A_1048 = tpu.memref_slice %arg4[%parallel_loop3A_471, %parallel_loop3A_1047] : memref<2x32768xf32, #tpu.memory_space<vmem>> -> memref<1x32768xf32, #tpu.memory_space<vmem>>
      %parallel_loop3A_1049 = tpu.memref_squeeze %parallel_loop3A_1048 : memref<1x32768xf32, #tpu.memory_space<vmem>> -> memref<32768xf32, #tpu.memory_space<vmem>>
      %parallel_loop3A_1050 = arith.index_cast %parallel_loop3A_1046 : i32 to index
      %parallel_loop3A_1051 = tpu.vector_load %parallel_loop3A_1049[%parallel_loop3A_1050] {strides = array<i32>} : memref<32768xf32, #tpu.memory_space<vmem>>, vector<16xf32>,
      %parallel_loop3A_1052 = vector.shape_cast %parallel_loop3A_1051 : vector<16xf32> to vector<16xf32>
      %parallel_loop3A_1053 = arith.constant 8 : i32
      %parallel_loop3A_1054 = arith.muli %parallel_loop3A_1004, %parallel_loop3A_1053 : i32
      %parallel_loop3A_1055 = arith.constant 4 : i32
      %parallel_loop3A_1056 = arith.addi %parallel_loop3A_1054, %parallel_loop3A_1055 : i32
      %parallel_loop3A_1057 = arith.constant 16 : i32
      %parallel_loop3A_1058 = arith.muli %parallel_loop3A_1056, %parallel_loop3A_1057 : i32
      %parallel_loop3A_1059 = arith.constant 0 : i32
      %parallel_loop3A_1060 = tpu.memref_slice %arg4[%parallel_loop3A_471, %parallel_loop3A_1059] : memref<2x32768xf32, #tpu.memory_space<vmem>> -> memref<1x32768xf32, #tpu.memory_space<vmem>>
      %parallel_loop3A_1061 = tpu.memref_squeeze %parallel_loop3A_1060 : memref<1x32768xf32, #tpu.memory_space<vmem>> -> memref<32768xf32, #tpu.memory_space<vmem>>
      %parallel_loop3A_1062 = arith.index_cast %parallel_loop3A_1058 : i32 to index
      %parallel_loop3A_1063 = tpu.vector_load %parallel_loop3A_1061[%parallel_loop3A_1062] {strides = array<i32>} : memref<32768xf32, #tpu.memory_space<vmem>>, vector<16xf32>,
      %parallel_loop3A_1064 = vector.shape_cast %parallel_loop3A_1063 : vector<16xf32> to vector<16xf32>
      %parallel_loop3A_1065 = arith.constant 8 : i32
      %parallel_loop3A_1066 = arith.muli %parallel_loop3A_1004, %parallel_loop3A_1065 : i32
      %parallel_loop3A_1067 = arith.constant 5 : i32
      %parallel_loop3A_1068 = arith.addi %parallel_loop3A_1066, %parallel_loop3A_1067 : i32
      %parallel_loop3A_1069 = arith.constant 16 : i32
      %parallel_loop3A_1070 = arith.muli %parallel_loop3A_1068, %parallel_loop3A_1069 : i32
      %parallel_loop3A_1071 = arith.constant 0 : i32
      %parallel_loop3A_1072 = tpu.memref_slice %arg4[%parallel_loop3A_471, %parallel_loop3A_1071] : memref<2x32768xf32, #tpu.memory_space<vmem>> -> memref<1x32768xf32, #tpu.memory_space<vmem>>
      %parallel_loop3A_1073 = tpu.memref_squeeze %parallel_loop3A_1072 : memref<1x32768xf32, #tpu.memory_space<vmem>> -> memref<32768xf32, #tpu.memory_space<vmem>>
      %parallel_loop3A_1074 = arith.index_cast %parallel_loop3A_1070 : i32 to index
      %parallel_loop3A_1075 = tpu.vector_load %parallel_loop3A_1073[%parallel_loop3A_1074] {strides = array<i32>} : memref<32768xf32, #tpu.memory_space<vmem>>, vector<16xf32>,
      %parallel_loop3A_1076 = vector.shape_cast %parallel_loop3A_1075 : vector<16xf32> to vector<16xf32>
      %parallel_loop3A_1077 = arith.constant 8 : i32
      %parallel_loop3A_1078 = arith.muli %parallel_loop3A_1004, %parallel_loop3A_1077 : i32
      %parallel_loop3A_1079 = arith.constant 6 : i32
      %parallel_loop3A_1080 = arith.addi %parallel_loop3A_1078, %parallel_loop3A_1079 : i32
      %parallel_loop3A_1081 = arith.constant 16 : i32
      %parallel_loop3A_1082 = arith.muli %parallel_loop3A_1080, %parallel_loop3A_1081 : i32
      %parallel_loop3A_1083 = arith.constant 0 : i32
      %parallel_loop3A_1084 = tpu.memref_slice %arg4[%parallel_loop3A_471, %parallel_loop3A_1083] : memref<2x32768xf32, #tpu.memory_space<vmem>> -> memref<1x32768xf32, #tpu.memory_space<vmem>>
      %parallel_loop3A_1085 = tpu.memref_squeeze %parallel_loop3A_1084 : memref<1x32768xf32, #tpu.memory_space<vmem>> -> memref<32768xf32, #tpu.memory_space<vmem>>
      %parallel_loop3A_1086 = arith.index_cast %parallel_loop3A_1082 : i32 to index
      %parallel_loop3A_1087 = tpu.vector_load %parallel_loop3A_1085[%parallel_loop3A_1086] {strides = array<i32>} : memref<32768xf32, #tpu.memory_space<vmem>>, vector<16xf32>,
      %parallel_loop3A_1088 = vector.shape_cast %parallel_loop3A_1087 : vector<16xf32> to vector<16xf32>
      %parallel_loop3A_1089 = arith.constant 8 : i32
      %parallel_loop3A_1090 = arith.muli %parallel_loop3A_1004, %parallel_loop3A_1089 : i32
      %parallel_loop3A_1091 = arith.constant 7 : i32
      %parallel_loop3A_1092 = arith.addi %parallel_loop3A_1090, %parallel_loop3A_1091 : i32
      %parallel_loop3A_1093 = arith.constant 16 : i32
      %parallel_loop3A_1094 = arith.muli %parallel_loop3A_1092, %parallel_loop3A_1093 : i32
      %parallel_loop3A_1095 = arith.constant 0 : i32
      %parallel_loop3A_1096 = tpu.memref_slice %arg4[%parallel_loop3A_471, %parallel_loop3A_1095] : memref<2x32768xf32, #tpu.memory_space<vmem>> -> memref<1x32768xf32, #tpu.memory_space<vmem>>
      %parallel_loop3A_1097 = tpu.memref_squeeze %parallel_loop3A_1096 : memref<1x32768xf32, #tpu.memory_space<vmem>> -> memref<32768xf32, #tpu.memory_space<vmem>>
      %parallel_loop3A_1098 = arith.index_cast %parallel_loop3A_1094 : i32 to index
      %parallel_loop3A_1099 = tpu.vector_load %parallel_loop3A_1097[%parallel_loop3A_1098] {strides = array<i32>} : memref<32768xf32, #tpu.memory_space<vmem>>, vector<16xf32>,
      %parallel_loop3A_1100 = vector.shape_cast %parallel_loop3A_1099 : vector<16xf32> to vector<16xf32>
      %parallel_loop3A_1101 = arith.maximumf %parallel_loop3A_1016, %parallel_loop3A_1028 : vector<16xf32>
      %parallel_loop3A_1102 = arith.maximumf %parallel_loop3A_1040, %parallel_loop3A_1052 : vector<16xf32>
      %parallel_loop3A_1103 = arith.maximumf %parallel_loop3A_1064, %parallel_loop3A_1076 : vector<16xf32>
      %parallel_loop3A_1104 = arith.maximumf %parallel_loop3A_1088, %parallel_loop3A_1100 : vector<16xf32>
      %parallel_loop3A_1105 = arith.maximumf %parallel_loop3A_1101, %parallel_loop3A_1102 : vector<16xf32>
      %parallel_loop3A_1106 = arith.maximumf %parallel_loop3A_1103, %parallel_loop3A_1104 : vector<16xf32>
      %parallel_loop3A_1107 = arith.maximumf %parallel_loop3A_1105, %parallel_loop3A_1106 : vector<16xf32>
      %parallel_loop3A_1108 = arith.cmpf ogt, %parallel_loop3A_1107, %parallel_loop3A_887 : vector<16xf32>
      %parallel_loop3A_1109 = arith.select %parallel_loop3A_1108, %parallel_loop3A_1107, %parallel_loop3A_887 : vector<16xi1>, vector<16xf32>
      %parallel_loop3A_1110 = vector.broadcast %parallel_loop3A_1004 : i32 to vector<16xi32>
      %parallel_loop3A_1111 = arith.select %parallel_loop3A_1108, %parallel_loop3A_1110, %parallel_loop3A_891 : vector<16xi1>, vector<16xi32>
      %parallel_loop3A_1112 = arith.constant 2 : i32
      %parallel_loop3A_1113 = arith.addi %parallel_loop3A_885, %parallel_loop3A_1112 : i32
      %parallel_loop3A_1114 = arith.constant 8 : i32
      %parallel_loop3A_1115 = arith.muli %parallel_loop3A_1113, %parallel_loop3A_1114 : i32
      %parallel_loop3A_1116 = arith.constant 0 : i32
      %parallel_loop3A_1117 = arith.addi %parallel_loop3A_1115, %parallel_loop3A_1116 : i32
      %parallel_loop3A_1118 = arith.constant 16 : i32
      %parallel_loop3A_1119 = arith.muli %parallel_loop3A_1117, %parallel_loop3A_1118 : i32
      %parallel_loop3A_1120 = arith.constant 0 : i32
      %parallel_loop3A_1121 = tpu.memref_slice %arg4[%parallel_loop3A_471, %parallel_loop3A_1120] : memref<2x32768xf32, #tpu.memory_space<vmem>> -> memref<1x32768xf32, #tpu.memory_space<vmem>>
      %parallel_loop3A_1122 = tpu.memref_squeeze %parallel_loop3A_1121 : memref<1x32768xf32, #tpu.memory_space<vmem>> -> memref<32768xf32, #tpu.memory_space<vmem>>
      %parallel_loop3A_1123 = arith.index_cast %parallel_loop3A_1119 : i32 to index
      %parallel_loop3A_1124 = tpu.vector_load %parallel_loop3A_1122[%parallel_loop3A_1123] {strides = array<i32>} : memref<32768xf32, #tpu.memory_space<vmem>>, vector<16xf32>,
      %parallel_loop3A_1125 = vector.shape_cast %parallel_loop3A_1124 : vector<16xf32> to vector<16xf32>
      %parallel_loop3A_1126 = arith.constant 8 : i32
      %parallel_loop3A_1127 = arith.muli %parallel_loop3A_1113, %parallel_loop3A_1126 : i32
      %parallel_loop3A_1128 = arith.constant 1 : i32
      %parallel_loop3A_1129 = arith.addi %parallel_loop3A_1127, %parallel_loop3A_1128 : i32
      %parallel_loop3A_1130 = arith.constant 16 : i32
      %parallel_loop3A_1131 = arith.muli %parallel_loop3A_1129, %parallel_loop3A_1130 : i32
      %parallel_loop3A_1132 = arith.constant 0 : i32
      %parallel_loop3A_1133 = tpu.memref_slice %arg4[%parallel_loop3A_471, %parallel_loop3A_1132] : memref<2x32768xf32, #tpu.memory_space<vmem>> -> memref<1x32768xf32, #tpu.memory_space<vmem>>
      %parallel_loop3A_1134 = tpu.memref_squeeze %parallel_loop3A_1133 : memref<1x32768xf32, #tpu.memory_space<vmem>> -> memref<32768xf32, #tpu.memory_space<vmem>>
      %parallel_loop3A_1135 = arith.index_cast %parallel_loop3A_1131 : i32 to index
      %parallel_loop3A_1136 = tpu.vector_load %parallel_loop3A_1134[%parallel_loop3A_1135] {strides = array<i32>} : memref<32768xf32, #tpu.memory_space<vmem>>, vector<16xf32>,
      %parallel_loop3A_1137 = vector.shape_cast %parallel_loop3A_1136 : vector<16xf32> to vector<16xf32>
      %parallel_loop3A_1138 = arith.constant 8 : i32
      %parallel_loop3A_1139 = arith.muli %parallel_loop3A_1113, %parallel_loop3A_1138 : i32
      %parallel_loop3A_1140 = arith.constant 2 : i32
      %parallel_loop3A_1141 = arith.addi %parallel_loop3A_1139, %parallel_loop3A_1140 : i32
      %parallel_loop3A_1142 = arith.constant 16 : i32
      %parallel_loop3A_1143 = arith.muli %parallel_loop3A_1141, %parallel_loop3A_1142 : i32
      %parallel_loop3A_1144 = arith.constant 0 : i32
      %parallel_loop3A_1145 = tpu.memref_slice %arg4[%parallel_loop3A_471, %parallel_loop3A_1144] : memref<2x32768xf32, #tpu.memory_space<vmem>> -> memref<1x32768xf32, #tpu.memory_space<vmem>>
      %parallel_loop3A_1146 = tpu.memref_squeeze %parallel_loop3A_1145 : memref<1x32768xf32, #tpu.memory_space<vmem>> -> memref<32768xf32, #tpu.memory_space<vmem>>
      %parallel_loop3A_1147 = arith.index_cast %parallel_loop3A_1143 : i32 to index
      %parallel_loop3A_1148 = tpu.vector_load %parallel_loop3A_1146[%parallel_loop3A_1147] {strides = array<i32>} : memref<32768xf32, #tpu.memory_space<vmem>>, vector<16xf32>,
      %parallel_loop3A_1149 = vector.shape_cast %parallel_loop3A_1148 : vector<16xf32> to vector<16xf32>
      %parallel_loop3A_1150 = arith.constant 8 : i32
      %parallel_loop3A_1151 = arith.muli %parallel_loop3A_1113, %parallel_loop3A_1150 : i32
      %parallel_loop3A_1152 = arith.constant 3 : i32
      %parallel_loop3A_1153 = arith.addi %parallel_loop3A_1151, %parallel_loop3A_1152 : i32
      %parallel_loop3A_1154 = arith.constant 16 : i32
      %parallel_loop3A_1155 = arith.muli %parallel_loop3A_1153, %parallel_loop3A_1154 : i32
      %parallel_loop3A_1156 = arith.constant 0 : i32
      %parallel_loop3A_1157 = tpu.memref_slice %arg4[%parallel_loop3A_471, %parallel_loop3A_1156] : memref<2x32768xf32, #tpu.memory_space<vmem>> -> memref<1x32768xf32, #tpu.memory_space<vmem>>
      %parallel_loop3A_1158 = tpu.memref_squeeze %parallel_loop3A_1157 : memref<1x32768xf32, #tpu.memory_space<vmem>> -> memref<32768xf32, #tpu.memory_space<vmem>>
      %parallel_loop3A_1159 = arith.index_cast %parallel_loop3A_1155 : i32 to index
      %parallel_loop3A_1160 = tpu.vector_load %parallel_loop3A_1158[%parallel_loop3A_1159] {strides = array<i32>} : memref<32768xf32, #tpu.memory_space<vmem>>, vector<16xf32>,
      %parallel_loop3A_1161 = vector.shape_cast %parallel_loop3A_1160 : vector<16xf32> to vector<16xf32>
      %parallel_loop3A_1162 = arith.constant 8 : i32
      %parallel_loop3A_1163 = arith.muli %parallel_loop3A_1113, %parallel_loop3A_1162 : i32
      %parallel_loop3A_1164 = arith.constant 4 : i32
      %parallel_loop3A_1165 = arith.addi %parallel_loop3A_1163, %parallel_loop3A_1164 : i32
      %parallel_loop3A_1166 = arith.constant 16 : i32
      %parallel_loop3A_1167 = arith.muli %parallel_loop3A_1165, %parallel_loop3A_1166 : i32
      %parallel_loop3A_1168 = arith.constant 0 : i32
      %parallel_loop3A_1169 = tpu.memref_slice %arg4[%parallel_loop3A_471, %parallel_loop3A_1168] : memref<2x32768xf32, #tpu.memory_space<vmem>> -> memref<1x32768xf32, #tpu.memory_space<vmem>>
      %parallel_loop3A_1170 = tpu.memref_squeeze %parallel_loop3A_1169 : memref<1x32768xf32, #tpu.memory_space<vmem>> -> memref<32768xf32, #tpu.memory_space<vmem>>
      %parallel_loop3A_1171 = arith.index_cast %parallel_loop3A_1167 : i32 to index
      %parallel_loop3A_1172 = tpu.vector_load %parallel_loop3A_1170[%parallel_loop3A_1171] {strides = array<i32>} : memref<32768xf32, #tpu.memory_space<vmem>>, vector<16xf32>,
      %parallel_loop3A_1173 = vector.shape_cast %parallel_loop3A_1172 : vector<16xf32> to vector<16xf32>
      %parallel_loop3A_1174 = arith.constant 8 : i32
      %parallel_loop3A_1175 = arith.muli %parallel_loop3A_1113, %parallel_loop3A_1174 : i32
      %parallel_loop3A_1176 = arith.constant 5 : i32
      %parallel_loop3A_1177 = arith.addi %parallel_loop3A_1175, %parallel_loop3A_1176 : i32
      %parallel_loop3A_1178 = arith.constant 16 : i32
      %parallel_loop3A_1179 = arith.muli %parallel_loop3A_1177, %parallel_loop3A_1178 : i32
      %parallel_loop3A_1180 = arith.constant 0 : i32
      %parallel_loop3A_1181 = tpu.memref_slice %arg4[%parallel_loop3A_471, %parallel_loop3A_1180] : memref<2x32768xf32, #tpu.memory_space<vmem>> -> memref<1x32768xf32, #tpu.memory_space<vmem>>
      %parallel_loop3A_1182 = tpu.memref_squeeze %parallel_loop3A_1181 : memref<1x32768xf32, #tpu.memory_space<vmem>> -> memref<32768xf32, #tpu.memory_space<vmem>>
      %parallel_loop3A_1183 = arith.index_cast %parallel_loop3A_1179 : i32 to index
      %parallel_loop3A_1184 = tpu.vector_load %parallel_loop3A_1182[%parallel_loop3A_1183] {strides = array<i32>} : memref<32768xf32, #tpu.memory_space<vmem>>, vector<16xf32>,
      %parallel_loop3A_1185 = vector.shape_cast %parallel_loop3A_1184 : vector<16xf32> to vector<16xf32>
      %parallel_loop3A_1186 = arith.constant 8 : i32
      %parallel_loop3A_1187 = arith.muli %parallel_loop3A_1113, %parallel_loop3A_1186 : i32
      %parallel_loop3A_1188 = arith.constant 6 : i32
      %parallel_loop3A_1189 = arith.addi %parallel_loop3A_1187, %parallel_loop3A_1188 : i32
      %parallel_loop3A_1190 = arith.constant 16 : i32
      %parallel_loop3A_1191 = arith.muli %parallel_loop3A_1189, %parallel_loop3A_1190 : i32
      %parallel_loop3A_1192 = arith.constant 0 : i32
      %parallel_loop3A_1193 = tpu.memref_slice %arg4[%parallel_loop3A_471, %parallel_loop3A_1192] : memref<2x32768xf32, #tpu.memory_space<vmem>> -> memref<1x32768xf32, #tpu.memory_space<vmem>>
      %parallel_loop3A_1194 = tpu.memref_squeeze %parallel_loop3A_1193 : memref<1x32768xf32, #tpu.memory_space<vmem>> -> memref<32768xf32, #tpu.memory_space<vmem>>
      %parallel_loop3A_1195 = arith.index_cast %parallel_loop3A_1191 : i32 to index
      %parallel_loop3A_1196 = tpu.vector_load %parallel_loop3A_1194[%parallel_loop3A_1195] {strides = array<i32>} : memref<32768xf32, #tpu.memory_space<vmem>>, vector<16xf32>,
      %parallel_loop3A_1197 = vector.shape_cast %parallel_loop3A_1196 : vector<16xf32> to vector<16xf32>
      %parallel_loop3A_1198 = arith.constant 8 : i32
      %parallel_loop3A_1199 = arith.muli %parallel_loop3A_1113, %parallel_loop3A_1198 : i32
      %parallel_loop3A_1200 = arith.constant 7 : i32
      %parallel_loop3A_1201 = arith.addi %parallel_loop3A_1199, %parallel_loop3A_1200 : i32
      %parallel_loop3A_1202 = arith.constant 16 : i32
      %parallel_loop3A_1203 = arith.muli %parallel_loop3A_1201, %parallel_loop3A_1202 : i32
      %parallel_loop3A_1204 = arith.constant 0 : i32
      %parallel_loop3A_1205 = tpu.memref_slice %arg4[%parallel_loop3A_471, %parallel_loop3A_1204] : memref<2x32768xf32, #tpu.memory_space<vmem>> -> memref<1x32768xf32, #tpu.memory_space<vmem>>
      %parallel_loop3A_1206 = tpu.memref_squeeze %parallel_loop3A_1205 : memref<1x32768xf32, #tpu.memory_space<vmem>> -> memref<32768xf32, #tpu.memory_space<vmem>>
      %parallel_loop3A_1207 = arith.index_cast %parallel_loop3A_1203 : i32 to index
      %parallel_loop3A_1208 = tpu.vector_load %parallel_loop3A_1206[%parallel_loop3A_1207] {strides = array<i32>} : memref<32768xf32, #tpu.memory_space<vmem>>, vector<16xf32>,
      %parallel_loop3A_1209 = vector.shape_cast %parallel_loop3A_1208 : vector<16xf32> to vector<16xf32>
      %parallel_loop3A_1210 = arith.maximumf %parallel_loop3A_1125, %parallel_loop3A_1137 : vector<16xf32>
      %parallel_loop3A_1211 = arith.maximumf %parallel_loop3A_1149, %parallel_loop3A_1161 : vector<16xf32>
      %parallel_loop3A_1212 = arith.maximumf %parallel_loop3A_1173, %parallel_loop3A_1185 : vector<16xf32>
      %parallel_loop3A_1213 = arith.maximumf %parallel_loop3A_1197, %parallel_loop3A_1209 : vector<16xf32>
      %parallel_loop3A_1214 = arith.maximumf %parallel_loop3A_1210, %parallel_loop3A_1211 : vector<16xf32>
      %parallel_loop3A_1215 = arith.maximumf %parallel_loop3A_1212, %parallel_loop3A_1213 : vector<16xf32>
      %parallel_loop3A_1216 = arith.maximumf %parallel_loop3A_1214, %parallel_loop3A_1215 : vector<16xf32>
      %parallel_loop3A_1217 = arith.cmpf ogt, %parallel_loop3A_1216, %parallel_loop3A_888 : vector<16xf32>
      %parallel_loop3A_1218 = arith.select %parallel_loop3A_1217, %parallel_loop3A_1216, %parallel_loop3A_888 : vector<16xi1>, vector<16xf32>
      %parallel_loop3A_1219 = vector.broadcast %parallel_loop3A_1113 : i32 to vector<16xi32>
      %parallel_loop3A_1220 = arith.select %parallel_loop3A_1217, %parallel_loop3A_1219, %parallel_loop3A_892 : vector<16xi1>, vector<16xi32>
      %parallel_loop3A_1221 = arith.constant 3 : i32
      %parallel_loop3A_1222 = arith.addi %parallel_loop3A_885, %parallel_loop3A_1221 : i32
      %parallel_loop3A_1223 = arith.constant 8 : i32
      %parallel_loop3A_1224 = arith.muli %parallel_loop3A_1222, %parallel_loop3A_1223 : i32
      %parallel_loop3A_1225 = arith.constant 0 : i32
      %parallel_loop3A_1226 = arith.addi %parallel_loop3A_1224, %parallel_loop3A_1225 : i32
      %parallel_loop3A_1227 = arith.constant 16 : i32
      %parallel_loop3A_1228 = arith.muli %parallel_loop3A_1226, %parallel_loop3A_1227 : i32
      %parallel_loop3A_1229 = arith.constant 0 : i32
      %parallel_loop3A_1230 = tpu.memref_slice %arg4[%parallel_loop3A_471, %parallel_loop3A_1229] : memref<2x32768xf32, #tpu.memory_space<vmem>> -> memref<1x32768xf32, #tpu.memory_space<vmem>>
      %parallel_loop3A_1231 = tpu.memref_squeeze %parallel_loop3A_1230 : memref<1x32768xf32, #tpu.memory_space<vmem>> -> memref<32768xf32, #tpu.memory_space<vmem>>
      %parallel_loop3A_1232 = arith.index_cast %parallel_loop3A_1228 : i32 to index
      %parallel_loop3A_1233 = tpu.vector_load %parallel_loop3A_1231[%parallel_loop3A_1232] {strides = array<i32>} : memref<32768xf32, #tpu.memory_space<vmem>>, vector<16xf32>,
      %parallel_loop3A_1234 = vector.shape_cast %parallel_loop3A_1233 : vector<16xf32> to vector<16xf32>
      %parallel_loop3A_1235 = arith.constant 8 : i32
      %parallel_loop3A_1236 = arith.muli %parallel_loop3A_1222, %parallel_loop3A_1235 : i32
      %parallel_loop3A_1237 = arith.constant 1 : i32
      %parallel_loop3A_1238 = arith.addi %parallel_loop3A_1236, %parallel_loop3A_1237 : i32
      %parallel_loop3A_1239 = arith.constant 16 : i32
      %parallel_loop3A_1240 = arith.muli %parallel_loop3A_1238, %parallel_loop3A_1239 : i32
      %parallel_loop3A_1241 = arith.constant 0 : i32
      %parallel_loop3A_1242 = tpu.memref_slice %arg4[%parallel_loop3A_471, %parallel_loop3A_1241] : memref<2x32768xf32, #tpu.memory_space<vmem>> -> memref<1x32768xf32, #tpu.memory_space<vmem>>
      %parallel_loop3A_1243 = tpu.memref_squeeze %parallel_loop3A_1242 : memref<1x32768xf32, #tpu.memory_space<vmem>> -> memref<32768xf32, #tpu.memory_space<vmem>>
      %parallel_loop3A_1244 = arith.index_cast %parallel_loop3A_1240 : i32 to index
      %parallel_loop3A_1245 = tpu.vector_load %parallel_loop3A_1243[%parallel_loop3A_1244] {strides = array<i32>} : memref<32768xf32, #tpu.memory_space<vmem>>, vector<16xf32>,
      %parallel_loop3A_1246 = vector.shape_cast %parallel_loop3A_1245 : vector<16xf32> to vector<16xf32>
      %parallel_loop3A_1247 = arith.constant 8 : i32
      %parallel_loop3A_1248 = arith.muli %parallel_loop3A_1222, %parallel_loop3A_1247 : i32
      %parallel_loop3A_1249 = arith.constant 2 : i32
      %parallel_loop3A_1250 = arith.addi %parallel_loop3A_1248, %parallel_loop3A_1249 : i32
      %parallel_loop3A_1251 = arith.constant 16 : i32
      %parallel_loop3A_1252 = arith.muli %parallel_loop3A_1250, %parallel_loop3A_1251 : i32
      %parallel_loop3A_1253 = arith.constant 0 : i32
      %parallel_loop3A_1254 = tpu.memref_slice %arg4[%parallel_loop3A_471, %parallel_loop3A_1253] : memref<2x32768xf32, #tpu.memory_space<vmem>> -> memref<1x32768xf32, #tpu.memory_space<vmem>>
      %parallel_loop3A_1255 = tpu.memref_squeeze %parallel_loop3A_1254 : memref<1x32768xf32, #tpu.memory_space<vmem>> -> memref<32768xf32, #tpu.memory_space<vmem>>
      %parallel_loop3A_1256 = arith.index_cast %parallel_loop3A_1252 : i32 to index
      %parallel_loop3A_1257 = tpu.vector_load %parallel_loop3A_1255[%parallel_loop3A_1256] {strides = array<i32>} : memref<32768xf32, #tpu.memory_space<vmem>>, vector<16xf32>,
      %parallel_loop3A_1258 = vector.shape_cast %parallel_loop3A_1257 : vector<16xf32> to vector<16xf32>
      %parallel_loop3A_1259 = arith.constant 8 : i32
      %parallel_loop3A_1260 = arith.muli %parallel_loop3A_1222, %parallel_loop3A_1259 : i32
      %parallel_loop3A_1261 = arith.constant 3 : i32
      %parallel_loop3A_1262 = arith.addi %parallel_loop3A_1260, %parallel_loop3A_1261 : i32
      %parallel_loop3A_1263 = arith.constant 16 : i32
      %parallel_loop3A_1264 = arith.muli %parallel_loop3A_1262, %parallel_loop3A_1263 : i32
      %parallel_loop3A_1265 = arith.constant 0 : i32
      %parallel_loop3A_1266 = tpu.memref_slice %arg4[%parallel_loop3A_471, %parallel_loop3A_1265] : memref<2x32768xf32, #tpu.memory_space<vmem>> -> memref<1x32768xf32, #tpu.memory_space<vmem>>
      %parallel_loop3A_1267 = tpu.memref_squeeze %parallel_loop3A_1266 : memref<1x32768xf32, #tpu.memory_space<vmem>> -> memref<32768xf32, #tpu.memory_space<vmem>>
      %parallel_loop3A_1268 = arith.index_cast %parallel_loop3A_1264 : i32 to index
      %parallel_loop3A_1269 = tpu.vector_load %parallel_loop3A_1267[%parallel_loop3A_1268] {strides = array<i32>} : memref<32768xf32, #tpu.memory_space<vmem>>, vector<16xf32>,
      %parallel_loop3A_1270 = vector.shape_cast %parallel_loop3A_1269 : vector<16xf32> to vector<16xf32>
      %parallel_loop3A_1271 = arith.constant 8 : i32
      %parallel_loop3A_1272 = arith.muli %parallel_loop3A_1222, %parallel_loop3A_1271 : i32
      %parallel_loop3A_1273 = arith.constant 4 : i32
      %parallel_loop3A_1274 = arith.addi %parallel_loop3A_1272, %parallel_loop3A_1273 : i32
      %parallel_loop3A_1275 = arith.constant 16 : i32
      %parallel_loop3A_1276 = arith.muli %parallel_loop3A_1274, %parallel_loop3A_1275 : i32
      %parallel_loop3A_1277 = arith.constant 0 : i32
      %parallel_loop3A_1278 = tpu.memref_slice %arg4[%parallel_loop3A_471, %parallel_loop3A_1277] : memref<2x32768xf32, #tpu.memory_space<vmem>> -> memref<1x32768xf32, #tpu.memory_space<vmem>>
      %parallel_loop3A_1279 = tpu.memref_squeeze %parallel_loop3A_1278 : memref<1x32768xf32, #tpu.memory_space<vmem>> -> memref<32768xf32, #tpu.memory_space<vmem>>
      %parallel_loop3A_1280 = arith.index_cast %parallel_loop3A_1276 : i32 to index
      %parallel_loop3A_1281 = tpu.vector_load %parallel_loop3A_1279[%parallel_loop3A_1280] {strides = array<i32>} : memref<32768xf32, #tpu.memory_space<vmem>>, vector<16xf32>,
      %parallel_loop3A_1282 = vector.shape_cast %parallel_loop3A_1281 : vector<16xf32> to vector<16xf32>
      %parallel_loop3A_1283 = arith.constant 8 : i32
      %parallel_loop3A_1284 = arith.muli %parallel_loop3A_1222, %parallel_loop3A_1283 : i32
      %parallel_loop3A_1285 = arith.constant 5 : i32
      %parallel_loop3A_1286 = arith.addi %parallel_loop3A_1284, %parallel_loop3A_1285 : i32
      %parallel_loop3A_1287 = arith.constant 16 : i32
      %parallel_loop3A_1288 = arith.muli %parallel_loop3A_1286, %parallel_loop3A_1287 : i32
      %parallel_loop3A_1289 = arith.constant 0 : i32
      %parallel_loop3A_1290 = tpu.memref_slice %arg4[%parallel_loop3A_471, %parallel_loop3A_1289] : memref<2x32768xf32, #tpu.memory_space<vmem>> -> memref<1x32768xf32, #tpu.memory_space<vmem>>
      %parallel_loop3A_1291 = tpu.memref_squeeze %parallel_loop3A_1290 : memref<1x32768xf32, #tpu.memory_space<vmem>> -> memref<32768xf32, #tpu.memory_space<vmem>>
      %parallel_loop3A_1292 = arith.index_cast %parallel_loop3A_1288 : i32 to index
      %parallel_loop3A_1293 = tpu.vector_load %parallel_loop3A_1291[%parallel_loop3A_1292] {strides = array<i32>} : memref<32768xf32, #tpu.memory_space<vmem>>, vector<16xf32>,
      %parallel_loop3A_1294 = vector.shape_cast %parallel_loop3A_1293 : vector<16xf32> to vector<16xf32>
      %parallel_loop3A_1295 = arith.constant 8 : i32
      %parallel_loop3A_1296 = arith.muli %parallel_loop3A_1222, %parallel_loop3A_1295 : i32
      %parallel_loop3A_1297 = arith.constant 6 : i32
      %parallel_loop3A_1298 = arith.addi %parallel_loop3A_1296, %parallel_loop3A_1297 : i32
      %parallel_loop3A_1299 = arith.constant 16 : i32
      %parallel_loop3A_1300 = arith.muli %parallel_loop3A_1298, %parallel_loop3A_1299 : i32
      %parallel_loop3A_1301 = arith.constant 0 : i32
      %parallel_loop3A_1302 = tpu.memref_slice %arg4[%parallel_loop3A_471, %parallel_loop3A_1301] : memref<2x32768xf32, #tpu.memory_space<vmem>> -> memref<1x32768xf32, #tpu.memory_space<vmem>>
      %parallel_loop3A_1303 = tpu.memref_squeeze %parallel_loop3A_1302 : memref<1x32768xf32, #tpu.memory_space<vmem>> -> memref<32768xf32, #tpu.memory_space<vmem>>
      %parallel_loop3A_1304 = arith.index_cast %parallel_loop3A_1300 : i32 to index
      %parallel_loop3A_1305 = tpu.vector_load %parallel_loop3A_1303[%parallel_loop3A_1304] {strides = array<i32>} : memref<32768xf32, #tpu.memory_space<vmem>>, vector<16xf32>,
      %parallel_loop3A_1306 = vector.shape_cast %parallel_loop3A_1305 : vector<16xf32> to vector<16xf32>
      %parallel_loop3A_1307 = arith.constant 8 : i32
      %parallel_loop3A_1308 = arith.muli %parallel_loop3A_1222, %parallel_loop3A_1307 : i32
      %parallel_loop3A_1309 = arith.constant 7 : i32
      %parallel_loop3A_1310 = arith.addi %parallel_loop3A_1308, %parallel_loop3A_1309 : i32
      %parallel_loop3A_1311 = arith.constant 16 : i32
      %parallel_loop3A_1312 = arith.muli %parallel_loop3A_1310, %parallel_loop3A_1311 : i32
      %parallel_loop3A_1313 = arith.constant 0 : i32
      %parallel_loop3A_1314 = tpu.memref_slice %arg4[%parallel_loop3A_471, %parallel_loop3A_1313] : memref<2x32768xf32, #tpu.memory_space<vmem>> -> memref<1x32768xf32, #tpu.memory_space<vmem>>
      %parallel_loop3A_1315 = tpu.memref_squeeze %parallel_loop3A_1314 : memref<1x32768xf32, #tpu.memory_space<vmem>> -> memref<32768xf32, #tpu.memory_space<vmem>>
      %parallel_loop3A_1316 = arith.index_cast %parallel_loop3A_1312 : i32 to index
      %parallel_loop3A_1317 = tpu.vector_load %parallel_loop3A_1315[%parallel_loop3A_1316] {strides = array<i32>} : memref<32768xf32, #tpu.memory_space<vmem>>, vector<16xf32>,
      %parallel_loop3A_1318 = vector.shape_cast %parallel_loop3A_1317 : vector<16xf32> to vector<16xf32>
      %parallel_loop3A_1319 = arith.maximumf %parallel_loop3A_1234, %parallel_loop3A_1246 : vector<16xf32>
      %parallel_loop3A_1320 = arith.maximumf %parallel_loop3A_1258, %parallel_loop3A_1270 : vector<16xf32>
      %parallel_loop3A_1321 = arith.maximumf %parallel_loop3A_1282, %parallel_loop3A_1294 : vector<16xf32>
      %parallel_loop3A_1322 = arith.maximumf %parallel_loop3A_1306, %parallel_loop3A_1318 : vector<16xf32>
      %parallel_loop3A_1323 = arith.maximumf %parallel_loop3A_1319, %parallel_loop3A_1320 : vector<16xf32>
      %parallel_loop3A_1324 = arith.maximumf %parallel_loop3A_1321, %parallel_loop3A_1322 : vector<16xf32>
      %parallel_loop3A_1325 = arith.maximumf %parallel_loop3A_1323, %parallel_loop3A_1324 : vector<16xf32>
      %parallel_loop3A_1326 = arith.cmpf ogt, %parallel_loop3A_1325, %parallel_loop3A_889 : vector<16xf32>
      %parallel_loop3A_1327 = arith.select %parallel_loop3A_1326, %parallel_loop3A_1325, %parallel_loop3A_889 : vector<16xi1>, vector<16xf32>
      %parallel_loop3A_1328 = vector.broadcast %parallel_loop3A_1222 : i32 to vector<16xi32>
      %parallel_loop3A_1329 = arith.select %parallel_loop3A_1326, %parallel_loop3A_1328, %parallel_loop3A_893 : vector<16xi1>, vector<16xi32>
      scf.yield %parallel_loop3A_1000, %parallel_loop3A_1109, %parallel_loop3A_1218, %parallel_loop3A_1327, %parallel_loop3A_1002, %parallel_loop3A_1111, %parallel_loop3A_1220, %parallel_loop3A_1329 : vector<16xf32>, vector<16xf32>, vector<16xf32>, vector<16xf32>, vector<16xi32>, vector<16xi32>, vector<16xi32>, vector<16xi32>
    } {sc.loop_unroll_factor = 1 : i64, sc.parallel_access}
    %gt3A_473 = arith.cmpf ogt, %parallel_loop3A_472#1, %parallel_loop3A_472#0 : vector<16xf32>
    %eq3A_474 = arith.cmpf oeq, %parallel_loop3A_472#1, %parallel_loop3A_472#0 : vector<16xf32>
    %lt3A_475 = arith.cmpi slt, %parallel_loop3A_472#5, %parallel_loop3A_472#4 : vector<16xi32>
    %and3A_476 = arith.andi %eq3A_474, %lt3A_475 : vector<16xi1>
    %or3A_477 = arith.ori %gt3A_473, %and3A_476 : vector<16xi1>
    %select_n3A_478 = arith.select %or3A_477, %parallel_loop3A_472#1, %parallel_loop3A_472#0 : vector<16xi1>, vector<16xf32>
    %select_n3A_479 = arith.select %or3A_477, %parallel_loop3A_472#5, %parallel_loop3A_472#4 : vector<16xi1>, vector<16xi32>
    %gt3A_480 = arith.cmpf ogt, %parallel_loop3A_472#2, %select_n3A_478 : vector<16xf32>
    %eq3A_481 = arith.cmpf oeq, %parallel_loop3A_472#2, %select_n3A_478 : vector<16xf32>
    %lt3A_482 = arith.cmpi slt, %parallel_loop3A_472#6, %select_n3A_479 : vector<16xi32>
    %and3A_483 = arith.andi %eq3A_481, %lt3A_482 : vector<16xi1>
    %or3A_484 = arith.ori %gt3A_480, %and3A_483 : vector<16xi1>
    %select_n3A_485 = arith.select %or3A_484, %parallel_loop3A_472#2, %select_n3A_478 : vector<16xi1>, vector<16xf32>
    %select_n3A_486 = arith.select %or3A_484, %parallel_loop3A_472#6, %select_n3A_479 : vector<16xi1>, vector<16xi32>
    %gt3A_487 = arith.cmpf ogt, %parallel_loop3A_472#3, %select_n3A_485 : vector<16xf32>
    %eq3A_488 = arith.cmpf oeq, %parallel_loop3A_472#3, %select_n3A_485 : vector<16xf32>
    %lt3A_489 = arith.cmpi slt, %parallel_loop3A_472#7, %select_n3A_486 : vector<16xi32>
    %and3A_490 = arith.andi %eq3A_488, %lt3A_489 : vector<16xi1>
    %or3A_491 = arith.ori %gt3A_487, %and3A_490 : vector<16xi1>
    %select_n3A_492 = arith.select %or3A_491, %parallel_loop3A_472#3, %select_n3A_485 : vector<16xi1>, vector<16xf32>
    %select_n3A_493 = arith.select %or3A_491, %parallel_loop3A_472#7, %select_n3A_486 : vector<16xi1>, vector<16xi32>
    %xor3A_494 = arith.constant 8 : i32
    %xor3A_495 = vector.broadcast %xor3A_494 : i32 to vector<16xi32>
    %xor3A_496 = arith.xori %iota3A, %xor3A_495 : vector<16xi32>
    %lt3A_497 = arith.constant 0 : i32
    %lt3A_498 = vector.broadcast %lt3A_497 : i32 to vector<16xi32>
    %lt3A_499 = arith.cmpi slt, %xor3A_496, %lt3A_498 : vector<16xi32>
    %add3A_500 = arith.constant 16 : i32
    %add3A_501 = vector.broadcast %add3A_500 : i32 to vector<16xi32>
    %add3A_502 = arith.addi %xor3A_496, %add3A_501 : vector<16xi32>
    %select_n3A_503 = arith.select %lt3A_499, %add3A_502, %xor3A_496 : vector<16xi1>, vector<16xi32>
    %broadcast_in_dim3A_504 = vector.shape_cast %select_n3A_503 : vector<16xi32> to vector<16x1xi32>
    %gather3A_505 = vector.shape_cast %broadcast_in_dim3A_504 : vector<16x1xi32> to vector<16xi32>
    %gather3A_506 = tpu.dynamic_gather %select_n3A_492[%gather3A_505] in [0] : vector<16xf32>, vector<16xi32> -> vector<16xf32>
    %lt3A_507 = arith.constant 0 : i32
    %lt3A_508 = vector.broadcast %lt3A_507 : i32 to vector<16xi32>
    %lt3A_509 = arith.cmpi slt, %xor3A_496, %lt3A_508 : vector<16xi32>
    %add3A_510 = arith.constant 16 : i32
    %add3A_511 = vector.broadcast %add3A_510 : i32 to vector<16xi32>
    %add3A_512 = arith.addi %xor3A_496, %add3A_511 : vector<16xi32>
    %select_n3A_513 = arith.select %lt3A_509, %add3A_512, %xor3A_496 : vector<16xi1>, vector<16xi32>
    %broadcast_in_dim3A_514 = vector.shape_cast %select_n3A_513 : vector<16xi32> to vector<16x1xi32>
    %gather3A_515 = vector.shape_cast %broadcast_in_dim3A_514 : vector<16x1xi32> to vector<16xi32>
    %gather3A_516 = tpu.dynamic_gather %select_n3A_493[%gather3A_515] in [0] : vector<16xi32>, vector<16xi32> -> vector<16xi32>
    %gt3A_517 = arith.cmpf ogt, %gather3A_506, %select_n3A_492 : vector<16xf32>
    %eq3A_518 = arith.cmpf oeq, %gather3A_506, %select_n3A_492 : vector<16xf32>
    %lt3A_519 = arith.cmpi slt, %gather3A_516, %select_n3A_493 : vector<16xi32>
    %and3A_520 = arith.andi %eq3A_518, %lt3A_519 : vector<16xi1>
    %or3A_521 = arith.ori %gt3A_517, %and3A_520 : vector<16xi1>
    %select_n3A_522 = arith.select %or3A_521, %gather3A_506, %select_n3A_492 : vector<16xi1>, vector<16xf32>
    %select_n3A_523 = arith.select %or3A_521, %gather3A_516, %select_n3A_493 : vector<16xi1>, vector<16xi32>
    %xor3A_524 = arith.constant 4 : i32
    %xor3A_525 = vector.broadcast %xor3A_524 : i32 to vector<16xi32>
    %xor3A_526 = arith.xori %iota3A, %xor3A_525 : vector<16xi32>
    %lt3A_527 = arith.constant 0 : i32
    %lt3A_528 = vector.broadcast %lt3A_527 : i32 to vector<16xi32>
    %lt3A_529 = arith.cmpi slt, %xor3A_526, %lt3A_528 : vector<16xi32>
    %add3A_530 = arith.constant 16 : i32
    %add3A_531 = vector.broadcast %add3A_530 : i32 to vector<16xi32>
    %add3A_532 = arith.addi %xor3A_526, %add3A_531 : vector<16xi32>
    %select_n3A_533 = arith.select %lt3A_529, %add3A_532, %xor3A_526 : vector<16xi1>, vector<16xi32>
    %broadcast_in_dim3A_534 = vector.shape_cast %select_n3A_533 : vector<16xi32> to vector<16x1xi32>
    %gather3A_535 = vector.shape_cast %broadcast_in_dim3A_534 : vector<16x1xi32> to vector<16xi32>
    %gather3A_536 = tpu.dynamic_gather %select_n3A_522[%gather3A_535] in [0] : vector<16xf32>, vector<16xi32> -> vector<16xf32>
    %lt3A_537 = arith.constant 0 : i32
    %lt3A_538 = vector.broadcast %lt3A_537 : i32 to vector<16xi32>
    %lt3A_539 = arith.cmpi slt, %xor3A_526, %lt3A_538 : vector<16xi32>
    %add3A_540 = arith.constant 16 : i32
    %add3A_541 = vector.broadcast %add3A_540 : i32 to vector<16xi32>
    %add3A_542 = arith.addi %xor3A_526, %add3A_541 : vector<16xi32>
    %select_n3A_543 = arith.select %lt3A_539, %add3A_542, %xor3A_526 : vector<16xi1>, vector<16xi32>
    %broadcast_in_dim3A_544 = vector.shape_cast %select_n3A_543 : vector<16xi32> to vector<16x1xi32>
    %gather3A_545 = vector.shape_cast %broadcast_in_dim3A_544 : vector<16x1xi32> to vector<16xi32>
    %gather3A_546 = tpu.dynamic_gather %select_n3A_523[%gather3A_545] in [0] : vector<16xi32>, vector<16xi32> -> vector<16xi32>
    %gt3A_547 = arith.cmpf ogt, %gather3A_536, %select_n3A_522 : vector<16xf32>
    %eq3A_548 = arith.cmpf oeq, %gather3A_536, %select_n3A_522 : vector<16xf32>
    %lt3A_549 = arith.cmpi slt, %gather3A_546, %select_n3A_523 : vector<16xi32>
    %and3A_550 = arith.andi %eq3A_548, %lt3A_549 : vector<16xi1>
    %or3A_551 = arith.ori %gt3A_547, %and3A_550 : vector<16xi1>
    %select_n3A_552 = arith.select %or3A_551, %gather3A_536, %select_n3A_522 : vector<16xi1>, vector<16xf32>
    %select_n3A_553 = arith.select %or3A_551, %gather3A_546, %select_n3A_523 : vector<16xi1>, vector<16xi32>
    %xor3A_554 = arith.constant 2 : i32
    %xor3A_555 = vector.broadcast %xor3A_554 : i32 to vector<16xi32>
    %xor3A_556 = arith.xori %iota3A, %xor3A_555 : vector<16xi32>
    %lt3A_557 = arith.constant 0 : i32
    %lt3A_558 = vector.broadcast %lt3A_557 : i32 to vector<16xi32>
    %lt3A_559 = arith.cmpi slt, %xor3A_556, %lt3A_558 : vector<16xi32>
    %add3A_560 = arith.constant 16 : i32
    %add3A_561 = vector.broadcast %add3A_560 : i32 to vector<16xi32>
    %add3A_562 = arith.addi %xor3A_556, %add3A_561 : vector<16xi32>
    %select_n3A_563 = arith.select %lt3A_559, %add3A_562, %xor3A_556 : vector<16xi1>, vector<16xi32>
    %broadcast_in_dim3A_564 = vector.shape_cast %select_n3A_563 : vector<16xi32> to vector<16x1xi32>
    %gather3A_565 = vector.shape_cast %broadcast_in_dim3A_564 : vector<16x1xi32> to vector<16xi32>
    %gather3A_566 = tpu.dynamic_gather %select_n3A_552[%gather3A_565] in [0] : vector<16xf32>, vector<16xi32> -> vector<16xf32>
    %lt3A_567 = arith.constant 0 : i32
    %lt3A_568 = vector.broadcast %lt3A_567 : i32 to vector<16xi32>
    %lt3A_569 = arith.cmpi slt, %xor3A_556, %lt3A_568 : vector<16xi32>
    %add3A_570 = arith.constant 16 : i32
    %add3A_571 = vector.broadcast %add3A_570 : i32 to vector<16xi32>
    %add3A_572 = arith.addi %xor3A_556, %add3A_571 : vector<16xi32>
    %select_n3A_573 = arith.select %lt3A_569, %add3A_572, %xor3A_556 : vector<16xi1>, vector<16xi32>
    %broadcast_in_dim3A_574 = vector.shape_cast %select_n3A_573 : vector<16xi32> to vector<16x1xi32>
    %gather3A_575 = vector.shape_cast %broadcast_in_dim3A_574 : vector<16x1xi32> to vector<16xi32>
    %gather3A_576 = tpu.dynamic_gather %select_n3A_553[%gather3A_575] in [0] : vector<16xi32>, vector<16xi32> -> vector<16xi32>
    %gt3A_577 = arith.cmpf ogt, %gather3A_566, %select_n3A_552 : vector<16xf32>
    %eq3A_578 = arith.cmpf oeq, %gather3A_566, %select_n3A_552 : vector<16xf32>
    %lt3A_579 = arith.cmpi slt, %gather3A_576, %select_n3A_553 : vector<16xi32>
    %and3A_580 = arith.andi %eq3A_578, %lt3A_579 : vector<16xi1>
    %or3A_581 = arith.ori %gt3A_577, %and3A_580 : vector<16xi1>
    %select_n3A_582 = arith.select %or3A_581, %gather3A_566, %select_n3A_552 : vector<16xi1>, vector<16xf32>
    %select_n3A_583 = arith.select %or3A_581, %gather3A_576, %select_n3A_553 : vector<16xi1>, vector<16xi32>
    %xor3A_584 = arith.constant 1 : i32
    %xor3A_585 = vector.broadcast %xor3A_584 : i32 to vector<16xi32>
    %xor3A_586 = arith.xori %iota3A, %xor3A_585 : vector<16xi32>
    %lt3A_587 = arith.constant 0 : i32
    %lt3A_588 = vector.broadcast %lt3A_587 : i32 to vector<16xi32>
    %lt3A_589 = arith.cmpi slt, %xor3A_586, %lt3A_588 : vector<16xi32>
    %add3A_590 = arith.constant 16 : i32
    %add3A_591 = vector.broadcast %add3A_590 : i32 to vector<16xi32>
    %add3A_592 = arith.addi %xor3A_586, %add3A_591 : vector<16xi32>
    %select_n3A_593 = arith.select %lt3A_589, %add3A_592, %xor3A_586 : vector<16xi1>, vector<16xi32>
    %broadcast_in_dim3A_594 = vector.shape_cast %select_n3A_593 : vector<16xi32> to vector<16x1xi32>
    %gather3A_595 = vector.shape_cast %broadcast_in_dim3A_594 : vector<16x1xi32> to vector<16xi32>
    %gather3A_596 = tpu.dynamic_gather %select_n3A_582[%gather3A_595] in [0] : vector<16xf32>, vector<16xi32> -> vector<16xf32>
    %lt3A_597 = arith.constant 0 : i32
    %lt3A_598 = vector.broadcast %lt3A_597 : i32 to vector<16xi32>
    %lt3A_599 = arith.cmpi slt, %xor3A_586, %lt3A_598 : vector<16xi32>
    %add3A_600 = arith.constant 16 : i32
    %add3A_601 = vector.broadcast %add3A_600 : i32 to vector<16xi32>
    %add3A_602 = arith.addi %xor3A_586, %add3A_601 : vector<16xi32>
    %select_n3A_603 = arith.select %lt3A_599, %add3A_602, %xor3A_586 : vector<16xi1>, vector<16xi32>
    %broadcast_in_dim3A_604 = vector.shape_cast %select_n3A_603 : vector<16xi32> to vector<16x1xi32>
    %gather3A_605 = vector.shape_cast %broadcast_in_dim3A_604 : vector<16x1xi32> to vector<16xi32>
    %gather3A_606 = tpu.dynamic_gather %select_n3A_583[%gather3A_605] in [0] : vector<16xi32>, vector<16xi32> -> vector<16xi32>
    %gt3A_607 = arith.cmpf ogt, %gather3A_596, %select_n3A_582 : vector<16xf32>
    %eq3A_608 = arith.cmpf oeq, %gather3A_596, %select_n3A_582 : vector<16xf32>
    %lt3A_609 = arith.cmpi slt, %gather3A_606, %select_n3A_583 : vector<16xi32>
    %and3A_610 = arith.andi %eq3A_608, %lt3A_609 : vector<16xi1>
    %or3A_611 = arith.ori %gt3A_607, %and3A_610 : vector<16xi1>
    %select_n3A_612 = arith.select %or3A_611, %gather3A_596, %select_n3A_582 : vector<16xi1>, vector<16xf32>
    %select_n3A_613 = arith.select %or3A_611, %gather3A_606, %select_n3A_583 : vector<16xi1>, vector<16xi32>
    %slice3A_614 = vector.extract_strided_slice %select_n3A_613 {offsets = [0], sizes = [1], strides = [1]} : vector<16xi32> to vector<1xi32>
    %squeeze3A_615 = vector.extract %slice3A_614[0] : i32 from vector<1xi32>
    %broadcast_in_dim3A_616 = arith.constant 0 : i32
    %broadcast_in_dim3A_617 = vector.broadcast %broadcast_in_dim3A_616 : i32 to vector<16xi32>
    %mul3A_618 = arith.constant 8 : i32
    %mul3A_619 = arith.muli %squeeze3A_615, %mul3A_618 : i32
    %add3A_620 = arith.constant 0 : i32
    %add3A_621 = arith.addi %mul3A_619, %add3A_620 : i32
    %mul3A_622 = arith.constant 16 : i32
    %mul3A_623 = arith.muli %add3A_621, %mul3A_622 : i32
    %get3A_624 = arith.constant 1 : i32
    %get3A_625 = arith.constant 0 : i32
    %get3A_626 = tpu.memref_slice %arg4[%get3A_624, %get3A_625] : memref<2x32768xf32, #tpu.memory_space<vmem>> -> memref<1x32768xf32, #tpu.memory_space<vmem>>
    %get3A_627 = tpu.memref_squeeze %get3A_626 : memref<1x32768xf32, #tpu.memory_space<vmem>> -> memref<32768xf32, #tpu.memory_space<vmem>>
    %get3A_628 = arith.index_cast %mul3A_623 : i32 to index
    %get3A_629 = tpu.vector_load %get3A_627[%get3A_628] {strides = array<i32>} : memref<32768xf32, #tpu.memory_space<vmem>>, vector<16xf32>,
    %get3A_630 = vector.shape_cast %get3A_629 : vector<16xf32> to vector<16xf32>
    %gt3A_631 = arith.cmpf ogt, %get3A_630, %broadcast_in_dim3A_1 : vector<16xf32>
    %select_n3A_632 = arith.select %gt3A_631, %get3A_630, %broadcast_in_dim3A_1 : vector<16xi1>, vector<16xf32>
    %broadcast_in_dim3A_633 = vector.broadcast %add3A_621 : i32 to vector<16xi32>
    %select_n3A_634 = arith.select %gt3A_631, %broadcast_in_dim3A_633, %broadcast_in_dim3A_617 : vector<16xi1>, vector<16xi32>
    %mul3A_635 = arith.constant 8 : i32
    %mul3A_636 = arith.muli %squeeze3A_615, %mul3A_635 : i32
    %add3A_637 = arith.constant 1 : i32
    %add3A_638 = arith.addi %mul3A_636, %add3A_637 : i32
    %mul3A_639 = arith.constant 16 : i32
    %mul3A_640 = arith.muli %add3A_638, %mul3A_639 : i32
    %get3A_641 = arith.constant 1 : i32
    %get3A_642 = arith.constant 0 : i32
    %get3A_643 = tpu.memref_slice %arg4[%get3A_641, %get3A_642] : memref<2x32768xf32, #tpu.memory_space<vmem>> -> memref<1x32768xf32, #tpu.memory_space<vmem>>
    %get3A_644 = tpu.memref_squeeze %get3A_643 : memref<1x32768xf32, #tpu.memory_space<vmem>> -> memref<32768xf32, #tpu.memory_space<vmem>>
    %get3A_645 = arith.index_cast %mul3A_640 : i32 to index
    %get3A_646 = tpu.vector_load %get3A_644[%get3A_645] {strides = array<i32>} : memref<32768xf32, #tpu.memory_space<vmem>>, vector<16xf32>,
    %get3A_647 = vector.shape_cast %get3A_646 : vector<16xf32> to vector<16xf32>
    %gt3A_648 = arith.cmpf ogt, %get3A_647, %select_n3A_632 : vector<16xf32>
    %select_n3A_649 = arith.select %gt3A_648, %get3A_647, %select_n3A_632 : vector<16xi1>, vector<16xf32>
    %broadcast_in_dim3A_650 = vector.broadcast %add3A_638 : i32 to vector<16xi32>
    %select_n3A_651 = arith.select %gt3A_648, %broadcast_in_dim3A_650, %select_n3A_634 : vector<16xi1>, vector<16xi32>
    %mul3A_652 = arith.constant 8 : i32
    %mul3A_653 = arith.muli %squeeze3A_615, %mul3A_652 : i32
    %add3A_654 = arith.constant 2 : i32
    %add3A_655 = arith.addi %mul3A_653, %add3A_654 : i32
    %mul3A_656 = arith.constant 16 : i32
    %mul3A_657 = arith.muli %add3A_655, %mul3A_656 : i32
    %get3A_658 = arith.constant 1 : i32
    %get3A_659 = arith.constant 0 : i32
    %get3A_660 = tpu.memref_slice %arg4[%get3A_658, %get3A_659] : memref<2x32768xf32, #tpu.memory_space<vmem>> -> memref<1x32768xf32, #tpu.memory_space<vmem>>
    %get3A_661 = tpu.memref_squeeze %get3A_660 : memref<1x32768xf32, #tpu.memory_space<vmem>> -> memref<32768xf32, #tpu.memory_space<vmem>>
    %get3A_662 = arith.index_cast %mul3A_657 : i32 to index
    %get3A_663 = tpu.vector_load %get3A_661[%get3A_662] {strides = array<i32>} : memref<32768xf32, #tpu.memory_space<vmem>>, vector<16xf32>,
    %get3A_664 = vector.shape_cast %get3A_663 : vector<16xf32> to vector<16xf32>
    %gt3A_665 = arith.cmpf ogt, %get3A_664, %select_n3A_649 : vector<16xf32>
    %select_n3A_666 = arith.select %gt3A_665, %get3A_664, %select_n3A_649 : vector<16xi1>, vector<16xf32>
    %broadcast_in_dim3A_667 = vector.broadcast %add3A_655 : i32 to vector<16xi32>
    %select_n3A_668 = arith.select %gt3A_665, %broadcast_in_dim3A_667, %select_n3A_651 : vector<16xi1>, vector<16xi32>
    %mul3A_669 = arith.constant 8 : i32
    %mul3A_670 = arith.muli %squeeze3A_615, %mul3A_669 : i32
    %add3A_671 = arith.constant 3 : i32
    %add3A_672 = arith.addi %mul3A_670, %add3A_671 : i32
    %mul3A_673 = arith.constant 16 : i32
    %mul3A_674 = arith.muli %add3A_672, %mul3A_673 : i32
    %get3A_675 = arith.constant 1 : i32
    %get3A_676 = arith.constant 0 : i32
    %get3A_677 = tpu.memref_slice %arg4[%get3A_675, %get3A_676] : memref<2x32768xf32, #tpu.memory_space<vmem>> -> memref<1x32768xf32, #tpu.memory_space<vmem>>
    %get3A_678 = tpu.memref_squeeze %get3A_677 : memref<1x32768xf32, #tpu.memory_space<vmem>> -> memref<32768xf32, #tpu.memory_space<vmem>>
    %get3A_679 = arith.index_cast %mul3A_674 : i32 to index
    %get3A_680 = tpu.vector_load %get3A_678[%get3A_679] {strides = array<i32>} : memref<32768xf32, #tpu.memory_space<vmem>>, vector<16xf32>,
    %get3A_681 = vector.shape_cast %get3A_680 : vector<16xf32> to vector<16xf32>
    %gt3A_682 = arith.cmpf ogt, %get3A_681, %select_n3A_666 : vector<16xf32>
    %select_n3A_683 = arith.select %gt3A_682, %get3A_681, %select_n3A_666 : vector<16xi1>, vector<16xf32>
    %broadcast_in_dim3A_684 = vector.broadcast %add3A_672 : i32 to vector<16xi32>
    %select_n3A_685 = arith.select %gt3A_682, %broadcast_in_dim3A_684, %select_n3A_668 : vector<16xi1>, vector<16xi32>
    %mul3A_686 = arith.constant 8 : i32
    %mul3A_687 = arith.muli %squeeze3A_615, %mul3A_686 : i32
    %add3A_688 = arith.constant 4 : i32
    %add3A_689 = arith.addi %mul3A_687, %add3A_688 : i32
    %mul3A_690 = arith.constant 16 : i32
    %mul3A_691 = arith.muli %add3A_689, %mul3A_690 : i32
    %get3A_692 = arith.constant 1 : i32
    %get3A_693 = arith.constant 0 : i32
    %get3A_694 = tpu.memref_slice %arg4[%get3A_692, %get3A_693] : memref<2x32768xf32, #tpu.memory_space<vmem>> -> memref<1x32768xf32, #tpu.memory_space<vmem>>
    %get3A_695 = tpu.memref_squeeze %get3A_694 : memref<1x32768xf32, #tpu.memory_space<vmem>> -> memref<32768xf32, #tpu.memory_space<vmem>>
    %get3A_696 = arith.index_cast %mul3A_691 : i32 to index
    %get3A_697 = tpu.vector_load %get3A_695[%get3A_696] {strides = array<i32>} : memref<32768xf32, #tpu.memory_space<vmem>>, vector<16xf32>,
    %get3A_698 = vector.shape_cast %get3A_697 : vector<16xf32> to vector<16xf32>
    %gt3A_699 = arith.cmpf ogt, %get3A_698, %select_n3A_683 : vector<16xf32>
    %select_n3A_700 = arith.select %gt3A_699, %get3A_698, %select_n3A_683 : vector<16xi1>, vector<16xf32>
    %broadcast_in_dim3A_701 = vector.broadcast %add3A_689 : i32 to vector<16xi32>
    %select_n3A_702 = arith.select %gt3A_699, %broadcast_in_dim3A_701, %select_n3A_685 : vector<16xi1>, vector<16xi32>
    %mul3A_703 = arith.constant 8 : i32
    %mul3A_704 = arith.muli %squeeze3A_615, %mul3A_703 : i32
    %add3A_705 = arith.constant 5 : i32
    %add3A_706 = arith.addi %mul3A_704, %add3A_705 : i32
    %mul3A_707 = arith.constant 16 : i32
    %mul3A_708 = arith.muli %add3A_706, %mul3A_707 : i32
    %get3A_709 = arith.constant 1 : i32
    %get3A_710 = arith.constant 0 : i32
    %get3A_711 = tpu.memref_slice %arg4[%get3A_709, %get3A_710] : memref<2x32768xf32, #tpu.memory_space<vmem>> -> memref<1x32768xf32, #tpu.memory_space<vmem>>
    %get3A_712 = tpu.memref_squeeze %get3A_711 : memref<1x32768xf32, #tpu.memory_space<vmem>> -> memref<32768xf32, #tpu.memory_space<vmem>>
    %get3A_713 = arith.index_cast %mul3A_708 : i32 to index
    %get3A_714 = tpu.vector_load %get3A_712[%get3A_713] {strides = array<i32>} : memref<32768xf32, #tpu.memory_space<vmem>>, vector<16xf32>,
    %get3A_715 = vector.shape_cast %get3A_714 : vector<16xf32> to vector<16xf32>
    %gt3A_716 = arith.cmpf ogt, %get3A_715, %select_n3A_700 : vector<16xf32>
    %select_n3A_717 = arith.select %gt3A_716, %get3A_715, %select_n3A_700 : vector<16xi1>, vector<16xf32>
    %broadcast_in_dim3A_718 = vector.broadcast %add3A_706 : i32 to vector<16xi32>
    %select_n3A_719 = arith.select %gt3A_716, %broadcast_in_dim3A_718, %select_n3A_702 : vector<16xi1>, vector<16xi32>
    %mul3A_720 = arith.constant 8 : i32
    %mul3A_721 = arith.muli %squeeze3A_615, %mul3A_720 : i32
    %add3A_722 = arith.constant 6 : i32
    %add3A_723 = arith.addi %mul3A_721, %add3A_722 : i32
    %mul3A_724 = arith.constant 16 : i32
    %mul3A_725 = arith.muli %add3A_723, %mul3A_724 : i32
    %get3A_726 = arith.constant 1 : i32
    %get3A_727 = arith.constant 0 : i32
    %get3A_728 = tpu.memref_slice %arg4[%get3A_726, %get3A_727] : memref<2x32768xf32, #tpu.memory_space<vmem>> -> memref<1x32768xf32, #tpu.memory_space<vmem>>
    %get3A_729 = tpu.memref_squeeze %get3A_728 : memref<1x32768xf32, #tpu.memory_space<vmem>> -> memref<32768xf32, #tpu.memory_space<vmem>>
    %get3A_730 = arith.index_cast %mul3A_725 : i32 to index
    %get3A_731 = tpu.vector_load %get3A_729[%get3A_730] {strides = array<i32>} : memref<32768xf32, #tpu.memory_space<vmem>>, vector<16xf32>,
    %get3A_732 = vector.shape_cast %get3A_731 : vector<16xf32> to vector<16xf32>
    %gt3A_733 = arith.cmpf ogt, %get3A_732, %select_n3A_717 : vector<16xf32>
    %select_n3A_734 = arith.select %gt3A_733, %get3A_732, %select_n3A_717 : vector<16xi1>, vector<16xf32>
    %broadcast_in_dim3A_735 = vector.broadcast %add3A_723 : i32 to vector<16xi32>
    %select_n3A_736 = arith.select %gt3A_733, %broadcast_in_dim3A_735, %select_n3A_719 : vector<16xi1>, vector<16xi32>
    %mul3A_737 = arith.constant 8 : i32
    %mul3A_738 = arith.muli %squeeze3A_615, %mul3A_737 : i32
    %add3A_739 = arith.constant 7 : i32
    %add3A_740 = arith.addi %mul3A_738, %add3A_739 : i32
    %mul3A_741 = arith.constant 16 : i32
    %mul3A_742 = arith.muli %add3A_740, %mul3A_741 : i32
    %get3A_743 = arith.constant 1 : i32
    %get3A_744 = arith.constant 0 : i32
    %get3A_745 = tpu.memref_slice %arg4[%get3A_743, %get3A_744] : memref<2x32768xf32, #tpu.memory_space<vmem>> -> memref<1x32768xf32, #tpu.memory_space<vmem>>
    %get3A_746 = tpu.memref_squeeze %get3A_745 : memref<1x32768xf32, #tpu.memory_space<vmem>> -> memref<32768xf32, #tpu.memory_space<vmem>>
    %get3A_747 = arith.index_cast %mul3A_742 : i32 to index
    %get3A_748 = tpu.vector_load %get3A_746[%get3A_747] {strides = array<i32>} : memref<32768xf32, #tpu.memory_space<vmem>>, vector<16xf32>,
    %get3A_749 = vector.shape_cast %get3A_748 : vector<16xf32> to vector<16xf32>
    %gt3A_750 = arith.cmpf ogt, %get3A_749, %select_n3A_734 : vector<16xf32>
    %select_n3A_751 = arith.select %gt3A_750, %get3A_749, %select_n3A_734 : vector<16xi1>, vector<16xf32>
    %broadcast_in_dim3A_752 = vector.broadcast %add3A_740 : i32 to vector<16xi32>
    %select_n3A_753 = arith.select %gt3A_750, %broadcast_in_dim3A_752, %select_n3A_736 : vector<16xi1>, vector<16xi32>
    %mul3A_754 = arith.constant 16 : i32
    %mul3A_755 = vector.broadcast %mul3A_754 : i32 to vector<16xi32>
    %mul3A_756 = arith.muli %select_n3A_753, %mul3A_755 : vector<16xi32>
    %add3A_757 = arith.addi %mul3A_756, %iota3A : vector<16xi32>
    %xor3A_758 = arith.constant 8 : i32
    %xor3A_759 = vector.broadcast %xor3A_758 : i32 to vector<16xi32>
    %xor3A_760 = arith.xori %iota3A, %xor3A_759 : vector<16xi32>
    %lt3A_761 = arith.constant 0 : i32
    %lt3A_762 = vector.broadcast %lt3A_761 : i32 to vector<16xi32>
    %lt3A_763 = arith.cmpi slt, %xor3A_760, %lt3A_762 : vector<16xi32>
    %add3A_764 = arith.constant 16 : i32
    %add3A_765 = vector.broadcast %add3A_764 : i32 to vector<16xi32>
    %add3A_766 = arith.addi %xor3A_760, %add3A_765 : vector<16xi32>
    %select_n3A_767 = arith.select %lt3A_763, %add3A_766, %xor3A_760 : vector<16xi1>, vector<16xi32>
    %broadcast_in_dim3A_768 = vector.shape_cast %select_n3A_767 : vector<16xi32> to vector<16x1xi32>
    %gather3A_769 = vector.shape_cast %broadcast_in_dim3A_768 : vector<16x1xi32> to vector<16xi32>
    %gather3A_770 = tpu.dynamic_gather %select_n3A_751[%gather3A_769] in [0] : vector<16xf32>, vector<16xi32> -> vector<16xf32>
    %lt3A_771 = arith.constant 0 : i32
    %lt3A_772 = vector.broadcast %lt3A_771 : i32 to vector<16xi32>
    %lt3A_773 = arith.cmpi slt, %xor3A_760, %lt3A_772 : vector<16xi32>
    %add3A_774 = arith.constant 16 : i32
    %add3A_775 = vector.broadcast %add3A_774 : i32 to vector<16xi32>
    %add3A_776 = arith.addi %xor3A_760, %add3A_775 : vector<16xi32>
    %select_n3A_777 = arith.select %lt3A_773, %add3A_776, %xor3A_760 : vector<16xi1>, vector<16xi32>
    %broadcast_in_dim3A_778 = vector.shape_cast %select_n3A_777 : vector<16xi32> to vector<16x1xi32>
    %gather3A_779 = vector.shape_cast %broadcast_in_dim3A_778 : vector<16x1xi32> to vector<16xi32>
    %gather3A_780 = tpu.dynamic_gather %add3A_757[%gather3A_779] in [0] : vector<16xi32>, vector<16xi32> -> vector<16xi32>
    %gt3A_781 = arith.cmpf ogt, %gather3A_770, %select_n3A_751 : vector<16xf32>
    %eq3A_782 = arith.cmpf oeq, %gather3A_770, %select_n3A_751 : vector<16xf32>
    %lt3A_783 = arith.cmpi slt, %gather3A_780, %add3A_757 : vector<16xi32>
    %and3A_784 = arith.andi %eq3A_782, %lt3A_783 : vector<16xi1>
    %or3A_785 = arith.ori %gt3A_781, %and3A_784 : vector<16xi1>
    %select_n3A_786 = arith.select %or3A_785, %gather3A_770, %select_n3A_751 : vector<16xi1>, vector<16xf32>
    %select_n3A_787 = arith.select %or3A_785, %gather3A_780, %add3A_757 : vector<16xi1>, vector<16xi32>
    %xor3A_788 = arith.constant 4 : i32
    %xor3A_789 = vector.broadcast %xor3A_788 : i32 to vector<16xi32>
    %xor3A_790 = arith.xori %iota3A, %xor3A_789 : vector<16xi32>
    %lt3A_791 = arith.constant 0 : i32
    %lt3A_792 = vector.broadcast %lt3A_791 : i32 to vector<16xi32>
    %lt3A_793 = arith.cmpi slt, %xor3A_790, %lt3A_792 : vector<16xi32>
    %add3A_794 = arith.constant 16 : i32
    %add3A_795 = vector.broadcast %add3A_794 : i32 to vector<16xi32>
    %add3A_796 = arith.addi %xor3A_790, %add3A_795 : vector<16xi32>
    %select_n3A_797 = arith.select %lt3A_793, %add3A_796, %xor3A_790 : vector<16xi1>, vector<16xi32>
    %broadcast_in_dim3A_798 = vector.shape_cast %select_n3A_797 : vector<16xi32> to vector<16x1xi32>
    %gather3A_799 = vector.shape_cast %broadcast_in_dim3A_798 : vector<16x1xi32> to vector<16xi32>
    %gather3A_800 = tpu.dynamic_gather %select_n3A_786[%gather3A_799] in [0] : vector<16xf32>, vector<16xi32> -> vector<16xf32>
    %lt3A_801 = arith.constant 0 : i32
    %lt3A_802 = vector.broadcast %lt3A_801 : i32 to vector<16xi32>
    %lt3A_803 = arith.cmpi slt, %xor3A_790, %lt3A_802 : vector<16xi32>
    %add3A_804 = arith.constant 16 : i32
    %add3A_805 = vector.broadcast %add3A_804 : i32 to vector<16xi32>
    %add3A_806 = arith.addi %xor3A_790, %add3A_805 : vector<16xi32>
    %select_n3A_807 = arith.select %lt3A_803, %add3A_806, %xor3A_790 : vector<16xi1>, vector<16xi32>
    %broadcast_in_dim3A_808 = vector.shape_cast %select_n3A_807 : vector<16xi32> to vector<16x1xi32>
    %gather3A_809 = vector.shape_cast %broadcast_in_dim3A_808 : vector<16x1xi32> to vector<16xi32>
    %gather3A_810 = tpu.dynamic_gather %select_n3A_787[%gather3A_809] in [0] : vector<16xi32>, vector<16xi32> -> vector<16xi32>
    %gt3A_811 = arith.cmpf ogt, %gather3A_800, %select_n3A_786 : vector<16xf32>
    %eq3A_812 = arith.cmpf oeq, %gather3A_800, %select_n3A_786 : vector<16xf32>
    %lt3A_813 = arith.cmpi slt, %gather3A_810, %select_n3A_787 : vector<16xi32>
    %and3A_814 = arith.andi %eq3A_812, %lt3A_813 : vector<16xi1>
    %or3A_815 = arith.ori %gt3A_811, %and3A_814 : vector<16xi1>
    %select_n3A_816 = arith.select %or3A_815, %gather3A_800, %select_n3A_786 : vector<16xi1>, vector<16xf32>
    %select_n3A_817 = arith.select %or3A_815, %gather3A_810, %select_n3A_787 : vector<16xi1>, vector<16xi32>
    %xor3A_818 = arith.constant 2 : i32
    %xor3A_819 = vector.broadcast %xor3A_818 : i32 to vector<16xi32>
    %xor3A_820 = arith.xori %iota3A, %xor3A_819 : vector<16xi32>
    %lt3A_821 = arith.constant 0 : i32
    %lt3A_822 = vector.broadcast %lt3A_821 : i32 to vector<16xi32>
    %lt3A_823 = arith.cmpi slt, %xor3A_820, %lt3A_822 : vector<16xi32>
    %add3A_824 = arith.constant 16 : i32
    %add3A_825 = vector.broadcast %add3A_824 : i32 to vector<16xi32>
    %add3A_826 = arith.addi %xor3A_820, %add3A_825 : vector<16xi32>
    %select_n3A_827 = arith.select %lt3A_823, %add3A_826, %xor3A_820 : vector<16xi1>, vector<16xi32>
    %broadcast_in_dim3A_828 = vector.shape_cast %select_n3A_827 : vector<16xi32> to vector<16x1xi32>
    %gather3A_829 = vector.shape_cast %broadcast_in_dim3A_828 : vector<16x1xi32> to vector<16xi32>
    %gather3A_830 = tpu.dynamic_gather %select_n3A_816[%gather3A_829] in [0] : vector<16xf32>, vector<16xi32> -> vector<16xf32>
    %lt3A_831 = arith.constant 0 : i32
    %lt3A_832 = vector.broadcast %lt3A_831 : i32 to vector<16xi32>
    %lt3A_833 = arith.cmpi slt, %xor3A_820, %lt3A_832 : vector<16xi32>
    %add3A_834 = arith.constant 16 : i32
    %add3A_835 = vector.broadcast %add3A_834 : i32 to vector<16xi32>
    %add3A_836 = arith.addi %xor3A_820, %add3A_835 : vector<16xi32>
    %select_n3A_837 = arith.select %lt3A_833, %add3A_836, %xor3A_820 : vector<16xi1>, vector<16xi32>
    %broadcast_in_dim3A_838 = vector.shape_cast %select_n3A_837 : vector<16xi32> to vector<16x1xi32>
    %gather3A_839 = vector.shape_cast %broadcast_in_dim3A_838 : vector<16x1xi32> to vector<16xi32>
    %gather3A_840 = tpu.dynamic_gather %select_n3A_817[%gather3A_839] in [0] : vector<16xi32>, vector<16xi32> -> vector<16xi32>
    %gt3A_841 = arith.cmpf ogt, %gather3A_830, %select_n3A_816 : vector<16xf32>
    %eq3A_842 = arith.cmpf oeq, %gather3A_830, %select_n3A_816 : vector<16xf32>
    %lt3A_843 = arith.cmpi slt, %gather3A_840, %select_n3A_817 : vector<16xi32>
    %and3A_844 = arith.andi %eq3A_842, %lt3A_843 : vector<16xi1>
    %or3A_845 = arith.ori %gt3A_841, %and3A_844 : vector<16xi1>
    %select_n3A_846 = arith.select %or3A_845, %gather3A_830, %select_n3A_816 : vector<16xi1>, vector<16xf32>
    %select_n3A_847 = arith.select %or3A_845, %gather3A_840, %select_n3A_817 : vector<16xi1>, vector<16xi32>
    %xor3A_848 = arith.constant 1 : i32
    %xor3A_849 = vector.broadcast %xor3A_848 : i32 to vector<16xi32>
    %xor3A_850 = arith.xori %iota3A, %xor3A_849 : vector<16xi32>
    %lt3A_851 = arith.constant 0 : i32
    %lt3A_852 = vector.broadcast %lt3A_851 : i32 to vector<16xi32>
    %lt3A_853 = arith.cmpi slt, %xor3A_850, %lt3A_852 : vector<16xi32>
    %add3A_854 = arith.constant 16 : i32
    %add3A_855 = vector.broadcast %add3A_854 : i32 to vector<16xi32>
    %add3A_856 = arith.addi %xor3A_850, %add3A_855 : vector<16xi32>
    %select_n3A_857 = arith.select %lt3A_853, %add3A_856, %xor3A_850 : vector<16xi1>, vector<16xi32>
    %broadcast_in_dim3A_858 = vector.shape_cast %select_n3A_857 : vector<16xi32> to vector<16x1xi32>
    %gather3A_859 = vector.shape_cast %broadcast_in_dim3A_858 : vector<16x1xi32> to vector<16xi32>
    %gather3A_860 = tpu.dynamic_gather %select_n3A_846[%gather3A_859] in [0] : vector<16xf32>, vector<16xi32> -> vector<16xf32>
    %lt3A_861 = arith.constant 0 : i32
    %lt3A_862 = vector.broadcast %lt3A_861 : i32 to vector<16xi32>
    %lt3A_863 = arith.cmpi slt, %xor3A_850, %lt3A_862 : vector<16xi32>
    %add3A_864 = arith.constant 16 : i32
    %add3A_865 = vector.broadcast %add3A_864 : i32 to vector<16xi32>
    %add3A_866 = arith.addi %xor3A_850, %add3A_865 : vector<16xi32>
    %select_n3A_867 = arith.select %lt3A_863, %add3A_866, %xor3A_850 : vector<16xi1>, vector<16xi32>
    %broadcast_in_dim3A_868 = vector.shape_cast %select_n3A_867 : vector<16xi32> to vector<16x1xi32>
    %gather3A_869 = vector.shape_cast %broadcast_in_dim3A_868 : vector<16x1xi32> to vector<16xi32>
    %gather3A_870 = tpu.dynamic_gather %select_n3A_847[%gather3A_869] in [0] : vector<16xi32>, vector<16xi32> -> vector<16xi32>
    %gt3A_871 = arith.cmpf ogt, %gather3A_860, %select_n3A_846 : vector<16xf32>
    %eq3A_872 = arith.cmpf oeq, %gather3A_860, %select_n3A_846 : vector<16xf32>
    %lt3A_873 = arith.cmpi slt, %gather3A_870, %select_n3A_847 : vector<16xi32>
    %and3A_874 = arith.andi %eq3A_872, %lt3A_873 : vector<16xi1>
    %or3A_875 = arith.ori %gt3A_871, %and3A_874 : vector<16xi1>
    %select_n3A_876 = arith.select %or3A_875, %gather3A_860, %select_n3A_846 : vector<16xi1>, vector<16xf32>
    %select_n3A_877 = arith.select %or3A_875, %gather3A_870, %select_n3A_847 : vector<16xi1>, vector<16xi32>
    %eq3A_878 = arith.constant 1 : i32
    %eq3A_879 = vector.broadcast %eq3A_878 : i32 to vector<16xi32>
    %eq3A_880 = arith.cmpi eq, %iota3A, %eq3A_879 : vector<16xi32>
    %select_n3A_881 = arith.select %eq3A_880, %select_n3A_877, %select_n3A_452 : vector<16xi1>, vector<16xi32>
    %swap3A = arith.constant 0 : index
    %swap3A_882 = tpu.vector_load %arg5[%swap3A] {strides = array<i32>} : memref<16xi32, #tpu.memory_space<vmem>>, vector<16xi32>,
    %swap3A_883 = vector.shape_cast %swap3A_882 : vector<16xi32> to vector<16xi32>
    %swap3A_884 = vector.shape_cast %select_n3A_881 : vector<16xi32> to vector<16xi32>
    tpu.vector_store %arg5[%swap3A], %swap3A_884 {strides = array<i32>} : memref<16xi32, #tpu.memory_space<vmem>>, vector<16xi32>,
    "tpu.region"() ({
      %run_scoped3A = tpu.sem_alloc : memref<!tpu.dma_semaphore, #tpu.memory_space<semaphore_mem>>
      %dma_start3A_885 = arith.constant 0 : i32
      %dma_start3A_886 = tpu.memref_slice %arg3[%add3A, %dma_start3A_885] : memref<32x16xi32, #tpu.memory_space<hbm>> -> memref<1x16xi32, #tpu.memory_space<hbm>>
      %dma_start3A_887 = tpu.memref_squeeze %dma_start3A_886 : memref<1x16xi32, #tpu.memory_space<hbm>> -> memref<16xi32, #tpu.memory_space<hbm>>
      %dma_start3A_888 = arith.constant 0 : i32
      %dma_start3A_889 = tpu.memref_slice %arg3[%add3A, %dma_start3A_888] : memref<32x16xi32, #tpu.memory_space<hbm>> -> memref<1x16xi32, #tpu.memory_space<hbm>>
      %dma_start3A_890 = tpu.memref_squeeze %dma_start3A_889 : memref<1x16xi32, #tpu.memory_space<hbm>> -> memref<16xi32, #tpu.memory_space<hbm>>
      tpu.enqueue_dma source(%arg5 : memref<16xi32, #tpu.memory_space<vmem>>) target(%dma_start3A_890 : memref<16xi32, #tpu.memory_space<hbm>>) target_semaphore(%run_scoped3A : memref<!tpu.dma_semaphore, #tpu.memory_space<semaphore_mem>>)
      %dma_wait3A_891 = arith.constant 0 : i32
      %dma_wait3A_892 = tpu.memref_slice %arg3[%add3A, %dma_wait3A_891] : memref<32x16xi32, #tpu.memory_space<hbm>> -> memref<1x16xi32, #tpu.memory_space<hbm>>
      %dma_wait3A_893 = tpu.memref_squeeze %dma_wait3A_892 : memref<1x16xi32, #tpu.memory_space<hbm>> -> memref<16xi32, #tpu.memory_space<hbm>>
      %dma_wait3A_894 = arith.constant 0 : i32
      %dma_wait3A_895 = tpu.memref_slice %arg3[%add3A, %dma_wait3A_894] : memref<32x16xi32, #tpu.memory_space<hbm>> -> memref<1x16xi32, #tpu.memory_space<hbm>>
      %dma_wait3A_896 = tpu.memref_squeeze %dma_wait3A_895 : memref<1x16xi32, #tpu.memory_space<hbm>> -> memref<16xi32, #tpu.memory_space<hbm>>
      tpu.wait_dma2 semaphore(%run_scoped3A : memref<!tpu.dma_semaphore, #tpu.memory_space<semaphore_mem>>) src(%arg5 : memref<16xi32, #tpu.memory_space<vmem>>) dst(%dma_wait3A_896 : memref<16xi32, #tpu.memory_space<hbm>>)
      tpu.yield
    }) : () -> ()
    return
  }
}

module attributes {stable_mosaic.version = 14 : i64} {
  func.func @_argmax_tc_body(%arg0: i32, %arg1: memref<16x32768xf32, #tpu.memory_space<vmem>>, %arg2: memref<1x1x16xi32, #tpu.memory_space<vmem>>) attributes {dimension_semantics = [#tpu.dimension_semantics<arbitrary>], iteration_bounds = array<i64: 4>, scalar_prefetch = 0 : i64, scratch_operands = 0 : i64, tpu.core_type = #tpu.core_type<tc>, window_params = [{transform_indices = @transform_0, window_bounds = array<i64: 16, 32768>}, {transform_indices = @transform_1, window_bounds = array<i64: 1, 1, 16>}]} {
    %broadcast_in_dim3A = arith.constant 0xFF800000 : f32
    %broadcast_in_dim3A_0 = vector.broadcast %broadcast_in_dim3A : f32 to vector<16x512xf32>
    %broadcast_in_dim3A_1 = arith.constant 0 : i32
    %broadcast_in_dim3A_2 = vector.broadcast %broadcast_in_dim3A_1 : i32 to vector<16x512xi32>
    %scan3A = arith.constant 0 : i32
    %scan3A_3 = arith.constant 64 : i32
    %scan3A_4 = arith.addi %scan3A, %scan3A_3 : i32
    %scan3A_5 = arith.constant 4 : i32
    %scan3A_6:2 = scf.for %scan3A_21 = %scan3A to %scan3A_4 step %scan3A_5 iter_args(%scan3A_22 = %broadcast_in_dim3A_0, %scan3A_23 = %broadcast_in_dim3A_2) -> (vector<16x512xf32>, vector<16x512xi32>)  : i32 {
      %mul3A_24 = arith.constant 512 : i32
      %mul3A_25 = arith.muli %scan3A_21, %mul3A_24 : i32
      %multiple_of3A = tpu.assume_multiple %mul3A_25, 512 : i32
      %get3A = arith.constant 0 : index
      %get3A_26 = arith.index_cast %multiple_of3A : i32 to index
      %get3A_27 = vector.load %arg1[%get3A, %get3A_26] : memref<16x32768xf32, #tpu.memory_space<vmem>>, vector<16x512xf32>
      %gt3A = arith.cmpf ogt, %get3A_27, %scan3A_22 : vector<16x512xf32>
      %select_n3A_28 = arith.select %gt3A, %get3A_27, %scan3A_22 : vector<16x512xi1>, vector<16x512xf32>
      %broadcast_in_dim3A_29 = vector.broadcast %scan3A_21 : i32 to vector<16x512xi32>
      %select_n3A_30 = arith.select %gt3A, %broadcast_in_dim3A_29, %scan3A_23 : vector<16x512xi1>, vector<16x512xi32>
      %scan3A_31 = arith.constant 1 : i32
      %scan3A_32 = arith.addi %scan3A_21, %scan3A_31 : i32
      %mul3A_33 = arith.constant 512 : i32
      %mul3A_34 = arith.muli %scan3A_32, %mul3A_33 : i32
      %multiple_of3A_35 = tpu.assume_multiple %mul3A_34, 512 : i32
      %get3A_36 = arith.constant 0 : index
      %get3A_37 = arith.index_cast %multiple_of3A_35 : i32 to index
      %get3A_38 = vector.load %arg1[%get3A_36, %get3A_37] : memref<16x32768xf32, #tpu.memory_space<vmem>>, vector<16x512xf32>
      %gt3A_39 = arith.cmpf ogt, %get3A_38, %select_n3A_28 : vector<16x512xf32>
      %select_n3A_40 = arith.select %gt3A_39, %get3A_38, %select_n3A_28 : vector<16x512xi1>, vector<16x512xf32>
      %broadcast_in_dim3A_41 = vector.broadcast %scan3A_32 : i32 to vector<16x512xi32>
      %select_n3A_42 = arith.select %gt3A_39, %broadcast_in_dim3A_41, %select_n3A_30 : vector<16x512xi1>, vector<16x512xi32>
      %scan3A_43 = arith.constant 2 : i32
      %scan3A_44 = arith.addi %scan3A_21, %scan3A_43 : i32
      %mul3A_45 = arith.constant 512 : i32
      %mul3A_46 = arith.muli %scan3A_44, %mul3A_45 : i32
      %multiple_of3A_47 = tpu.assume_multiple %mul3A_46, 512 : i32
      %get3A_48 = arith.constant 0 : index
      %get3A_49 = arith.index_cast %multiple_of3A_47 : i32 to index
      %get3A_50 = vector.load %arg1[%get3A_48, %get3A_49] : memref<16x32768xf32, #tpu.memory_space<vmem>>, vector<16x512xf32>
      %gt3A_51 = arith.cmpf ogt, %get3A_50, %select_n3A_40 : vector<16x512xf32>
      %select_n3A_52 = arith.select %gt3A_51, %get3A_50, %select_n3A_40 : vector<16x512xi1>, vector<16x512xf32>
      %broadcast_in_dim3A_53 = vector.broadcast %scan3A_44 : i32 to vector<16x512xi32>
      %select_n3A_54 = arith.select %gt3A_51, %broadcast_in_dim3A_53, %select_n3A_42 : vector<16x512xi1>, vector<16x512xi32>
      %scan3A_55 = arith.constant 3 : i32
      %scan3A_56 = arith.addi %scan3A_21, %scan3A_55 : i32
      %mul3A_57 = arith.constant 512 : i32
      %mul3A_58 = arith.muli %scan3A_56, %mul3A_57 : i32
      %multiple_of3A_59 = tpu.assume_multiple %mul3A_58, 512 : i32
      %get3A_60 = arith.constant 0 : index
      %get3A_61 = arith.index_cast %multiple_of3A_59 : i32 to index
      %get3A_62 = vector.load %arg1[%get3A_60, %get3A_61] : memref<16x32768xf32, #tpu.memory_space<vmem>>, vector<16x512xf32>
      %gt3A_63 = arith.cmpf ogt, %get3A_62, %select_n3A_52 : vector<16x512xf32>
      %select_n3A_64 = arith.select %gt3A_63, %get3A_62, %select_n3A_52 : vector<16x512xi1>, vector<16x512xf32>
      %broadcast_in_dim3A_65 = vector.broadcast %scan3A_56 : i32 to vector<16x512xi32>
      %select_n3A_66 = arith.select %gt3A_63, %broadcast_in_dim3A_65, %select_n3A_54 : vector<16x512xi1>, vector<16x512xi32>
      scf.yield %select_n3A_64, %select_n3A_66 : vector<16x512xf32>, vector<16x512xi32>
    }
    %scan3A_7 = arith.constant 64 : i32
    %iota3A = tpu.iota {dimensions = array<i32: 1>} : vector<16x512xi32>
    %reduce_max3A = arith.constant dense<0xFF800000> : vector<16xf32>
    %reduce_max3A_8 = vector.multi_reduction <maximumf>, %scan3A_6#0, %reduce_max3A [1] : vector<16x512xf32> to vector<16xf32>
    %broadcast_in_dim3A_9 = vector.shape_cast %reduce_max3A_8 : vector<16xf32> to vector<16x1xf32>
    %eq3A = vector.broadcast %broadcast_in_dim3A_9 : vector<16x1xf32> to vector<16x512xf32>
    %eq3A_10 = arith.cmpf oeq, %scan3A_6#0, %eq3A : vector<16x512xf32>
    %mul3A = arith.constant 512 : i32
    %mul3A_11 = vector.broadcast %mul3A : i32 to vector<16x512xi32>
    %mul3A_12 = arith.muli %scan3A_6#1, %mul3A_11 : vector<16x512xi32>
    %add3A = arith.addi %mul3A_12, %iota3A : vector<16x512xi32>
    %jit3A = arith.constant 2147483647 : i32
    %broadcast_in_dim3A_13 = vector.broadcast %jit3A : i32 to vector<16x512xi32>
    %select_n3A = arith.select %eq3A_10, %add3A, %broadcast_in_dim3A_13 : vector<16x512xi1>, vector<16x512xi32>
    %reduce_min3A = arith.constant dense<2147483647> : vector<16xi32>
    %reduce_min3A_14 = vector.multi_reduction <minsi>, %select_n3A, %reduce_min3A [1] : vector<16x512xi32> to vector<16xi32>
    %broadcast_in_dim3A_15 = vector.shape_cast %reduce_min3A_14 : vector<16xi32> to vector<16x1xi32>
    %reshape3A = vector.shape_cast %broadcast_in_dim3A_15 : vector<16x1xi32> to vector<16xi32>
    %swap3A = arith.constant 0 : index
    %swap3A_16 = arith.constant 0 : index
    %swap3A_17 = arith.constant 0 : index
    %swap3A_18 = vector.load %arg2[%swap3A, %swap3A_16, %swap3A_17] : memref<1x1x16xi32, #tpu.memory_space<vmem>>, vector<1x1x16xi32>
    %swap3A_19 = vector.shape_cast %swap3A_18 : vector<1x1x16xi32> to vector<16xi32>
    %swap3A_20 = vector.shape_cast %reshape3A : vector<16xi32> to vector<1x1x16xi32>
    tpu.vector_store %arg2[%swap3A, %swap3A_16, %swap3A_17], %swap3A_20 {strides = array<i32>} : memref<1x1x16xi32, #tpu.memory_space<vmem>>, vector<1x1x16xi32>,
    return
  }
  func.func @transform_0(%arg0: i32) -> (i32, i32) {
    %c0_i32 = arith.constant 0 : i32
    %c0_i32_0 = arith.constant 0 : i32
    return %arg0, %c0_i32 : i32, i32
  }
  func.func @transform_1(%arg0: i32) -> (i32, i32, i32) {
    %c0_i32 = arith.constant 0 : i32
    %c0_i32_0 = arith.constant 0 : i32
    %c0_i32_1 = arith.constant 0 : i32
    return %arg0, %c0_i32, %c0_i32_0 : i32, i32, i32
  }
}

</mosaic_0001>

<sc_bundles>
// kernel: kernel.4.cloned.1.call-start
scs
__scs_entry_jumppad:
0x0: {  	(pc) =	sbr.rel $0x88, $3  }
0x1: {  	(tag) =	ssettag $0x0;
	lr =	simm.s32 $0x1  }
0x2: {  	[smem:$0x3FA0] =	sst lr;
	_ =	strace $0xD0000000  }
0x3: {  	_ = 	snop  }
0x4: {  	_ = 	snop  }
0x5: {  	_ = 	snop  }
0x6: {  	_ = 	snop  }
0x7: {  	_ = 	snop  }
__scs_overlays_trampoline_lowered:
0x8: {  	[smem:$0x3FAF] =	sst s0  }
0x9: {  	[smem:$0x3FB0] =	sst s1  }
0xa: {  	[smem:$0x3FB1] =	sst s2  }
0xb: {  	[smem:$0x3FB2] =	sst s3  }
0xc: {  	[smem:$0x3FB3] =	sst s4  }
0xd: {  	[smem:$0x3FB4] =	sst s5  }
0xe: {  	[smem:$0x3FB5] =	sst s6  }
0xf: {  	[smem:$0x3FB6] =	sst s7  }
0x10: {  	[smem:$0x3FB7] =	sst s8  }
0x11: {  	[smem:$0x3FB8] =	sst s9;
	s0 =	simm.s32 @!p0 $0x0  }
0x12: {  	s1 =	sld [smem:$0x3F9E];
	s0 =	simm.s32 @p0 $0x1  }
0x13: {  	[smem:$0x3FB9] =	sst s0;
	s0 =	simm.s32 @!p1 $0x0  }
0x14: {  	s2 =	sld [smem:$0x3F9D];
	s0 =	simm.s32 @p1 $0x1  }
0x15: {  	[smem:$0x3FBA] =	sst s0;
	s0 =	simm.s32 @!p2 $0x0  }
0x16: {  	s3 =	sld [smem:$0x3FDB];
	s0 =	simm.s32 @p2 $0x1  }
0x17: {  	s4 =	simm.s32 $0x1BF5;
	[smem:$0x3FBC] =	sst s0  }
0x18: {  	s0 =	sld [smem:$0x3F9F];
	_ =	swait.ge [sflag:s4], $0x0  }
0x19: {  	s7 =	sld [smem:$0x3FA0]  }
0x1a: {  	s8 =	sadd.s32 $0xFFFFE003, lr  }
0x1b: {  	s9 =	sadd.s32 $0xFFFFFEF7, lr;
	s5 =	simm.s32 $0xFFFFFFFF;
	p2 =	slt.u32 s8, $0xFFFFF086  }
0x1c: {  	p1 =	slt.u32 s9, $0xF7A;
	s5 =	simm.s32 @!p2 $0x0  }
0x1d: {  	s5 =	simm.s32 @p1 $0x1;
	p0 =	seq.s32 s7, s2  }
0x1e: {  	s7 =	smul.u32 @!p0 $0xF7A, s2;
	p2 =	seq.s32 @!p0 s5, $0x0  }
0x1f: {  	s9 =	smul.u32 $0xF7A, s1;
	s8 =	simm.s32 @!p0 $0x1BF5;
	p2 =	por !p2, p0  }
0x20: {  	[sflag:s8] =	ssyncset.s32 @!p0 $0xFFFFF086;
	s6 =	sadd.s32 @!p0 s3, s7;
	s7 =	simm.s32 @!p0 $0x108  }
0x21: {  	s3 =	sadd.s32 s3, s9;
	s6 =	sadd.s32 @!p0 $0x88, s6;
	s7 =	simm.s32 @p2 $0x1082  }
0x22: {  	[simem:s7], [sflag:s8] =	dma.local @!p0 [hbm:s6], $0xF7A  }
0x23: {  	s9 =	sor.u32 $0xD0000000, s2;
	s6 =	simm.s32 $0x108;
	_ =	swait.ge @!p0 [sflag:s8], $0x0  }
0x24: {  	s3 =	sadd.s32 $0x88, s3;
	s6 =	simm.s32 @!p1 $0x1082;
	[sflag:s4] =	ssyncset.s32 $0xFFFFF086  }
0x25: {  	[simem:s6], [sflag:s4] =	dma.local [hbm:s3], $0xF7A  }
0x26: {  	[smem:$0x3FA0] =	sst s1;
	(tag) =	ssettag s2;
	_ =	strace s9  }
0x27: {  	s1 =	sld [smem:$0x3FB0]  }
0x28: {  	s2 =	sld [smem:$0x3FB1]  }
0x29: {  	s4 =	sld [smem:$0x3FB3]  }
0x2a: {  	p0 =	seq.s32 s5, $0x0;
	s5 =	sld [smem:$0x3FB4]  }
0x2b: {  	s6 =	sld [smem:$0x3FB5]  }
0x2c: {  	s7 =	sld [smem:$0x3FB6]  }
0x2d: {  	s3 =	simm.s32 $0x108;
	s8 =	sld [smem:$0x3FB7]  }
0x2e: {  	s3 =	simm.s32 @!p0 $0x1082;
	s9 =	sld [smem:$0x3FB8]  }
0x2f: {  	lr =	sadd.s32 s0, s3;
	s0 =	sld [smem:$0x3FAF]  }
0x30: {  	s3 =	sld [smem:$0x3FB2]  }
0x31: {  	[smem:$0x3FBB] =	sst s10  }
0x32: {  	s10 =	sld [smem:$0x3FB9];
	_ =	sdelay $0x3  }
0x33: {  	p0 =	seq.s32 s10, $0x1;
	s10 =	sld [smem:$0x3FBB];
	_ =	sdelay $0x3  }
0x34: {  	[smem:$0x3FBB] =	sst s10  }
0x35: {  	s10 =	sld [smem:$0x3FBA];
	_ =	sdelay $0x3  }
0x36: {  	p1 =	seq.s32 s10, $0x1;
	s10 =	sld [smem:$0x3FBB];
	_ =	sdelay $0x3  }
0x37: {  	[smem:$0x3FBB] =	sst s10  }
0x38: {  	s10 =	sld [smem:$0x3FBC]  }
0x39: {  	_ = 	snop;
	(pc) =	sbr.ind lr, $3  }
0x3a: {  	_ = 	snop  }
0x3b: {  	_ = 	snop  }
0x3c: {  	p2 =	seq.s32 s10, $0x1;
	s10 =	sld [smem:$0x3FBB]  }
0x3d: {  	_ =	shalt  }
0x3e: {  	_ =	shalt  }
0x3f: {  	_ =	shalt  }
0x40: {  	_ =	shalt  }
0x41: {  	_ =	shalt  }
0x42: {  	_ =	shalt  }
0x43: {  	_ =	shalt  }
0x44: {  	_ =	shalt  }
0x45: {  	_ =	shalt  }
0x46: {  	_ =	shalt  }
0x47: {  	_ =	shalt  }
0x48: {  	_ =	shalt  }
0x49: {  	_ =	shalt  }
0x4a: {  	_ =	shalt  }
0x4b: {  	_ =	shalt  }
0x4c: {  	_ =	shalt  }
0x4d: {  	_ =	shalt  }
0x4e: {  	_ =	shalt  }
0x4f: {  	_ =	shalt  }
0x50: {  	_ =	shalt  }
0x51: {  	_ =	shalt  }
0x52: {  	_ =	shalt  }
0x53: {  	_ =	shalt  }
0x54: {  	_ =	shalt  }
0x55: {  	_ =	shalt  }
0x56: {  	_ =	shalt  }
0x57: {  	_ =	shalt  }
0x58: {  	_ =	shalt  }
0x59: {  	_ =	shalt  }
0x5a: {  	_ =	shalt  }
0x5b: {  	_ =	shalt  }
0x5c: {  	_ =	shalt  }
0x5d: {  	_ =	shalt  }
0x5e: {  	_ =	shalt  }
0x5f: {  	_ =	shalt  }
0x60: {  	_ =	shalt  }
0x61: {  	_ =	shalt  }
0x62: {  	_ =	shalt  }
0x63: {  	_ =	shalt  }
0x64: {  	_ =	shalt  }
0x65: {  	_ =	shalt  }
0x66: {  	_ =	shalt  }
0x67: {  	_ =	shalt  }
0x68: {  	_ =	shalt  }
0x69: {  	_ =	shalt  }
0x6a: {  	_ =	shalt  }
0x6b: {  	_ =	shalt  }
0x6c: {  	_ =	shalt  }
0x6d: {  	_ =	shalt  }
0x6e: {  	_ =	shalt  }
0x6f: {  	_ =	shalt  }
0x70: {  	_ =	shalt  }
0x71: {  	_ =	shalt  }
0x72: {  	_ =	shalt  }
0x73: {  	_ =	shalt  }
0x74: {  	_ =	shalt  }
0x75: {  	_ =	shalt  }
0x76: {  	_ =	shalt  }
0x77: {  	_ =	shalt  }
0x78: {  	_ =	shalt  }
0x79: {  	_ =	shalt  }
0x7a: {  	_ =	shalt  }
0x7b: {  	_ =	shalt  }
0x7c: {  	_ =	shalt  }
0x7d: {  	_ =	shalt  }
0x7e: {  	_ =	shalt  }
0x7f: {  	_ =	shalt  }
0x80: {  	_ =	shalt  }
0x81: {  	_ =	shalt  }
0x82: {  	_ =	shalt  }
0x83: {  	_ =	shalt  }
0x84: {  	_ =	shalt  }
0x85: {  	_ =	shalt  }
0x86: {  	_ =	shalt  }
0x87: {  	_ =	shalt  }
.Lfunc_end0:
.L_simem_size_0:
called_computation_lowered:
.L_overlay_start_0:
0x88: {  	s2 =	sld [smem:$0x3FD9]  }
0x89: {  	s3 =	sld [smem:$0x3FFE];
	_ =	sdelay $0x1  }
0x8a: {  	s1 =	srdreg.scid  }
0x8b: {  	s0 =	sand.u32 $0x1, s1  }
0x8c: {  	s17 =	sshll.u32 s0, $0xA;
	s2 =	sadd.s32 s3, s2  }
0x8d: {  	s2 =	sadd.s32 s2, s17  }
0x8e: {  	[smem:$0x3FC7] =	sst s2  }
0x8f: {  	_ = 	snop  }
0x90: {  	s2 =	sld [smem:$0x3FC9];
	(tm) =	ssettm $0x1  }
0x91: {  	s18 =	sld [smem:$0x3FFB];
	_ =	sdelay $0x3  }
0x92: {  	_ =	strace s18  }
0x93: {  	s3 =	sld [smem:$0x3FFC];
	_ =	sdelay $0x3  }
0x94: {  	_ =	strace s3  }
0x95: {  	s3 =	sld [smem:$0x3FFD];
	_ =	sdelay $0x3  }
0x96: {  	_ =	strace s3  }
0x97: {  	_ =	strace $0x8FFFFFFF  }
0x98: {  	s19 =	sld [smem:$0x3FDB];
	_ =	sdelay $0x1  }
0x99: {  	s4 =	simm.s32 $_scs_section_size  }
0x9a: {  	s5 =	simm.s32 $_size__tile_overlayer_lowered;
	s6 =	simm.s32 $_tile_overlayer_lowered  }
0x9b: {  	s22 =	simm.s32 $0x1BFF;
	s21 =	sshll.u32 s6, $0x1;
	s3 =	sadd.s32 s4, s19  }
0x9c: {  	s7 =	simm.s32 $0x0;
	s20 =	sshll.u32 s5, $0x1;
	s5 =	sadd.s32 s21, s3  }
0x9d: {  	[timem:s7], [sflag:s22] =	dma.local [hbm:s5], s20  }
0x9e: {  	_ =	swait.ge [sflag:s22], s20  }
0x9f: {  	s4 =	ssub.s32 $0x0, s20;
	[sflag:s22] =	ssyncset.done $0x0  }
0xa0: {  	[sflag:s22] =	ssyncadd.s32 s4;
	_ =	sdelay $0x1  }
0xa1: {  	s23 =	simm.s32 $0x1B8B  }
0xa2: {  	_ =	swait.ge [sflag:s23], $0x1  }
0xa3: {  	[sflag:s23] =	ssyncset.done $0x0  }
0xa4: {  	s25 =	simm.s32 $0x1B8E;
	s24 =	sld [smem:$0x3FFE];
	[sflag:s23] =	ssyncadd.s32 $0xFFFFFFFF  }
0xa5: {  	s26 =	simm.s32 $execute0_lowered;
	[smem:$0x3FD2] =	sst s25  }
0xa6: {  	s5 =	sshll.u32 s26, $0x1;
	_ =	strace $0x80000046;
	[dreg:$0x1] =	wrdreg $0xFFFFFFFF  }
0xa7: {  	s28 =	simm.s32 $_size_execute0_lowered;
	s3 =	sadd.s32 s3, s5;
	[dreg:$0x0] =	wrdreg $0x0  }
0xa8: {  	s5 =	sshll.u32 s28, $0x1;
	[dreg:$0x2] =	wrdreg s3  }
0xa9: {  	[dreg:$0x3] =	wrdreg s5  }
0xaa: {  	[dreg:$0x4] =	wrdreg $0xC0  }
0xab: {  	_ =	task [dreg:s7], $0x5FFFF  }
0xac: {  	[dreg:$0x1] =	wrdreg $0xFFFFFFFF  }
0xad: {  	[dreg:$0x0] =	wrdreg $0x60  }
0xae: {  	[dreg:$0x2] =	wrdreg s2  }
0xaf: {  	[dreg:$0x3] =	wrdreg s24  }
0xb0: {  	[dreg:$0x4] =	wrdreg $0x9  }
0xb1: {  	_ =	task.clear_ibuf [dreg:s7], $0x5FFFF;
	_ =	strace $0x90000046  }
0xb2: {  	s29 =	simm.s32 $0x9;
	_ =	strace $0x80000048  }
0xb3: {  	_ =	swait.ge [sflag:s29], $0x1  }
0xb4: {  	[sflag:s29] =	ssyncadd.s32 $0xFFFFFFFF  }
0xb5: {  	_ =	strace $0x90000048  }
0xb6: {  	_ =	sfence  }
0xb7: {  	s30 =	sld [smem:$0x0];
	_ =	sdelay $0x2  }
0xb8: {  	s31 =	sshll.u32 s1, $0xD;
	s1 =	sshrl.u32 s1, $0x2  }
0xb9: {  	s3 =	sand.u32 $0x4000, s31;
	s1 =	sadd.s32 s1, s30  }
0xba: {  	s0 =	sor.u32 s3, s0;
	s1 =	sshll.u32 s1, $0x11  }
0xbb: {  	s0 =	sor.u32 s1, s0  }
0xbc: {  	s0 =	sadd.s32 $0x8F2B, s0  }
0xbd: {  	[sflag:s0] =	ssyncadd.remote.s32 $0x1  }
0xbe: {  	_ =	sfence.sel $0xFFFF  }
0xbf: {  	[dreg:$0x0] =	wrdreg $0xFFFFFFFF;
	(pc) =	sbr.abs _section_cstart, $3  }
0xc0: {  	[dreg:$0x1] =	wrdreg $0xFFFFFFFF  }
0xc1: {  	_ =	task.clear_ibuf [dreg:s7], $0x2FFFF;
	_ =	strace $0x9FFFFFFF  }
0xc2: {  	(tm) =	ssettm $0x7FFFFFFF  }
0xc3: {  	_ =	shalt  }
tec
execute0_lowered:
.L_overlay_start_1:
0x0: {  	(tag) =	ssettag $0x1  }
0x1: {  	s3 =	rddreg [dreg:$0x0]  }
0x2: {  	s4 =	rddreg [dreg:$0x1]  }
0x3: {  	s0 =	rddreg [dreg:$0x2];
	s5 =	srdreg.scid;
	v0 =	vimm.s32 $0x76543210;
	v1 =	vimm.s32 $0xFEDCBA98;
	v2 =	vimm.s32 $0xBA98FEDC  }
0x4: {  	s1 =	stileid.u32;
	s2 =	simm.s32 $0x0;
	v3 =	vimm.s32 $0x32107654;
	v4 =	vimm.s32 $0xDCFE98BA;
	v5 =	vimm.s32 $0x54761032;
	s11 =	simm.s32 $0x0  }
0x5: {  	v6 =	vimm.s32 $0xEFCDAB89;
	v7 =	vimm.s32 $0x67452301;
	s5 =	sand.u32 $0x1, s5;
	s6 =	sshll.u32 s1, $0x1;
	[smem:$0x7FF] =	sst s2  }
0x6: {  	v0 =	vunpack.c.l.s4.s8 v0;
	v1 =	vunpack.c.l.s4.s8 v1;
	v2 =	vunpack.c.l.s4.s8 v2;
	s9 =	sshll.u32 s1, $0xE;
	s6 =	sor.u32 s5, s6;
	s5 =	ssub.s32 $0x2, s5  }
0x7: {  	v3 =	vunpack.c.l.s4.s8 v3;
	v4 =	vunpack.c.l.s4.s8 v4;
	v5 =	vunpack.c.l.s4.s8 v5;
	_ =	strace $0x80000047;
	s7 =	sshll.u32 s6, $0x4;
	s28 =	sshrl.u32 s5, $0x1  }
0x8: {  	v6 =	vunpack.c.l.s4.s8 v6;
	v7 =	vunpack.c.l.s4.s8 v7;
	s8 =	sshll.u32 s6, $0x1;
	s6 =	sshll.u32 s6, $0x5;
	v2 =	vunpack.c.0.s8.s32 v2;
	s7 =	sadd.s32 s7, s4  }
0x9: {  	v3 =	vunpack.c.0.s8.s32 v3;
	v4 =	vunpack.c.0.s8.s32 v4;
	v5 =	vunpack.c.0.s8.s32 v5;
	s8 =	sor.u32 $0x41, s8;
	s10 =	ssub.s32 s5, s28;
	s29 =	sor.u32 s6, s9  }
0xa: {  	v1 =	vunpack.c.0.s8.s32 v1;
	v6 =	vunpack.c.0.s8.s32 v6;
	v7 =	vunpack.c.0.s8.s32 v7;
	s9 =	simm.s32 $0x10000;
	s30 =	sshll.u32 s8, $0x4;
	s4 =	sand.u32 $0x38060, s29  }
0xb: {  	v0 =	vunpack.c.0.s8.s32 v0;
	s31 =	sshll.u32 s8, $0xC;
	v2 =	vcombine.low v3, v2;
	s8 =	simm.s32 $0x2;
	s5 =	sand.u32 $0x70, s30  }
0xc: {  	v3 =	vcombine.low v5, v4;
	v4 =	vcombine.low v7, v6;
	v1 =	vand.u32 $0xF, v1;
	s4 =	sadd.s32 s4, s3;
	s6 =	sand.u32 $0x78000, s31;
	s5 =	sadd.s32 s3, s5  }
0xd: {  	vm0 =	vcmask $0x308;
	v0 =	vcombine.low v1, v0;
	s3 =	sadd.s32 $0x40000, s4;
	v1 =	vand.u32 $0xF, v2;
	s4 =	sadd.s32 s6, s5;
	s5 =	sadd.s32 $0x200, s7  }
0xe: {  	v2 =	vand.u32 $0xF, v3;
	v3 =	vand.u32 $0xF, v4;
	v4 =	vlaneseq.u32;
	s6 =	smax.u32 s10, $0x1;
	s7 =	simm.s32 $0x1;
	s10 =	simm.s32 $0x3  }
.LBB2_1:
0xf: {  	s12 =	simm.s32 $0x80  }
0x10: {  	s15 =	sadd.s32 $0x0, s3;
	s13 =	simm.s32 $0x100;
	s14 =	simm.s32 $0x0  }
.LBB2_2:
0x11: {  	[tilespmem:s14], [sflag:$0x1] =	stream.linear.gather [hbm4b:s15+s2], $0x80, $0x38;
	[tilespmem:$0x10080] =	vst v63  }
0x12: {  	s15 =	smov.u32 s12;
	s14 =	smov.u32 s13;
	p0 =	sne.s32 s12, $0x7F80  }
.Ltmp0:
0x13: {  	s12 =	sadd.s32 $0x80, s12;
	(pc) =	sbr.rel @p0 .LBB2_2-.Ltmp0, $2  }
0x14: {  	_ =	sdelay $0x2  }
0x15: {  	s13 =	sadd.s32 $0x100, s13;
	s15 =	sadd.s32 s15, s3  }
0x16: {  	[tilespmem:s14], [sflag:$0x1] =	stream.linear.gather [hbm4b:s15+s2], $0x80, $0x38;
	[tilespmem:$0x10080] =	vst v63  }
0x17: {  	_ =	swait.ge [sflag:s7], $0x8000  }
0x18: {  	s12 =	simm.s32 $0x0;
	[sflag:s7] =	ssyncset.done $0x0  }
0x19: {  	s13 =	simm.s32 $0x80;
	s14 =	simm.s32 $0x0;
	[sflag:s7] =	ssyncadd.s32 $0xFFFF8000  }
.LBB2_4:
0x1a: {  	p0 =	sne.s32 s14, $0x7F80  }
.Ltmp1:
0x1b: {  	_ = 	snop;
	(pc) =	sbr.rel @p0 .LBB2_4-.Ltmp1, $4  }
0x1c: {  	_ = 	snop  }
0x1d: {  	s15 =	sadd.s32 s14, s4  }
0x1e: {  	[tilespmem:s13], [sflag:$0x2] =	stream.linear.gather [hbm4b:s15+s12], $0x80, $0x38;
	[tilespmem:$0x10080] =	vst v63  }
0x1f: {  	s14 =	sadd.s32 $0x80, s14;
	s13 =	sadd.s32 $0x100, s13  }
0x20: {  	s14 =	simm.s32 $0x200  }
0x21: {  	v5 =	vld [tilespmem:s14+$0x100]  }
0x22: {  	v6 =	vld [tilespmem:s14+$0xFFFFFE00]  }
0x23: {  	v7 =	vld [tilespmem:s14+$0xFFFFFE10]  }
0x24: {  	v10 =	vld [tilespmem:s14+$0xFFFFFE30]  }
0x25: {  	v11 =	vld [tilespmem:s14+$0xFFFFFE20]  }
0x26: {  	v12 =	vld [tilespmem:s14+$0xFFFFFE40]  }
0x27: {  	v13 =	vld [tilespmem:s14+$0xFFFFFE50]  }
0x28: {  	v17 =	vld [tilespmem:s14+$0xFFFFFE60]  }
0x29: {  	v18 =	vld [tilespmem:s14+$0xFFFFFE70]  }
0x2a: {  	v9 =	vld [tilespmem:s14+$0x20]  }
0x2b: {  	v14 =	vld [tilespmem:s14+$0x30]  }
0x2c: {  	v19 =	vld [tilespmem:s14+$0xFFFFFF00]  }
0x2d: {  	v20 =	vld [tilespmem:s14+$0xFFFFFF10]  }
0x2e: {  	v21 =	vld [tilespmem:s14+$0xFFFFFF20]  }
0x2f: {  	v22 =	vld [tilespmem:s14+$0x170]  }
0x30: {  	v15 =	vld [tilespmem:s14+$0x40]  }
0x31: {  	v16 =	vld [tilespmem:s14+$0x50]  }
0x32: {  	v23 =	vld [tilespmem:s14+$0xFFFFFF30]  }
0x33: {  	v24 =	vld [tilespmem:s14+$0x160]  }
0x34: {  	v26 =	vld [tilespmem:s14+$0x130]  }
0x35: {  	v25 =	vld [tilespmem:s14+$0x60]  }
0x36: {  	v28 =	vld [tilespmem:s14+$0x150]  }
0x37: {  	v31 =	vld [tilespmem:s14+$0x140]  }
0x38: {  	v27 =	vld [tilespmem:s14+$0x70]  }
0x39: {  	v8 =	vimm.f32 $-Inf;
	v30 =	vld [tilespmem:s14+$0x120];
	v14 =	vmax.f32 v9, v14;
	v29 =	vmax.f32 v19, v20  }
0x3a: {  	v9 =	vimm.s32 $0x0;
	v21 =	vmax.f32 v21, v23;
	v18 =	vmax.f32 v17, v18;
	v19 =	vld [tilespmem:s14+$0x10]  }
0x3b: {  	v12 =	vmax.f32 v12, v13;
	v20 =	vld [tilespmem:s14+$0xFFFFFF40];
	v10 =	vmax.f32 v11, v10;
	v6 =	vmax.f32 v6, v7  }
0x3c: {  	v23 =	vld [tilespmem:s14+$0xFFFFFF60];
	v22 =	vmax.f32 v24, v22;
	v28 =	vmax.f32 v31, v28;
	v13 =	vimm.s32 $0x0  }
0x3d: {  	v11 =	vimm.s32 $0x0;
	v17 =	vmax.f32 v29, v21;
	v21 =	vmax.f32 v25, v27;
	v25 =	vld [tilespmem:s14+$0x0]  }
0x3e: {  	v24 =	vld [tilespmem:s14+$0x110];
	v7 =	vmax.f32 v12, v18;
	v6 =	vmax.f32 v6, v10;
	v18 =	vmax.f32 v30, v26  }
0x3f: {  	v26 =	vld [tilespmem:s14+$0xFFFFFF50];
	v10 =	vimm.f32 $-Inf;
	v12 =	vimm.f32 $-Inf;
	v29 =	vmax.f32 v6, v7  }
0x40: {  	s13 =	simm.s32 $0x4;
	v27 =	vld [tilespmem:s14+$0xFFFFFF70];
	s14 =	simm.s32 $0x600;
	v6 =	vimm.f32 $-Inf;
	v7 =	vimm.s32 $0x0;
	vm1 =	vgt.f32 v29, v8  }
.LBB2_6:
0x41: {  	v30 =	vld [tilespmem:s14+$0x100];
	p0 =	slt.u32 s13, $0xFC;
	v8 =	vsel vm1, v29, v8;
	v9 =	vsel vm1, s12, v9;
	s15 =	smov.u32 s13;
	s13 =	sadd.s32 $0x4, s13  }
0x42: {  	v22 =	vmax.f32 v28, v22;
	v29 =	vld [tilespmem:s14+$0xFFFFFE00];
	v19 =	vmax.f32 v25, v19  }
0x43: {  	v15 =	vmax.f32 v15, v16;
	v25 =	vld [tilespmem:s14+$0xFFFFFE10]  }
0x44: {  	v15 =	vmax.f32 v15, v21;
	v16 =	vmax.f32 v20, v26;
	v28 =	vld [tilespmem:s14+$0xFFFFFE30];
	v21 =	vmax.f32 v5, v24  }
0x45: {  	v14 =	vmax.f32 v19, v14;
	v24 =	vld [tilespmem:s14+$0xFFFFFE20];
	v20 =	vmax.f32 v23, v27;
	v19 =	vmax.f32 v21, v18  }
0x46: {  	v14 =	vmax.f32 v14, v15;
	v18 =	vld [tilespmem:s14+$0xFFFFFE40];
	v16 =	vmax.f32 v16, v20;
	v15 =	vmax.f32 v19, v22;
	v5 =	vmovc v30  }
0x47: {  	vm1 =	vgt.f32 v14, v10;
	v20 =	vld [tilespmem:s14+$0xFFFFFE50];
	v16 =	vmax.f32 v17, v16;
	vm2 =	vgt.f32 v15, v6  }
0x48: {  	s16 =	sadd.s32 $0x1, s12;
	s17 =	sadd.s32 $0x2, s12;
	s18 =	sadd.s32 $0x3, s12;
	v10 =	vsel vm1, v14, v10;
	v17 =	vld [tilespmem:s14+$0xFFFFFE60];
	vm3 =	vgt.f32 v16, v12;
	v6 =	vsel vm2, v15, v6  }
0x49: {  	s12 =	smov.u32 s15;
	v11 =	vsel vm1, s17, v11;
	v19 =	vld [tilespmem:s14+$0xFFFFFE70];
	v12 =	vsel vm3, v16, v12;
	v13 =	vsel vm3, s16, v13  }
0x4a: {  	v7 =	vsel vm2, s18, v7;
	v14 =	vld [tilespmem:s14+$0x20]  }
0x4b: {  	v16 =	vld [tilespmem:s14+$0x30]  }
0x4c: {  	v21 =	vld [tilespmem:s14+$0xFFFFFF00]  }
0x4d: {  	v22 =	vld [tilespmem:s14+$0xFFFFFF10]  }
0x4e: {  	v23 =	vld [tilespmem:s14+$0xFFFFFF20]  }
0x4f: {  	v26 =	vld [tilespmem:s14+$0x170]  }
0x50: {  	v15 =	vld [tilespmem:s14+$0x40];
	v14 =	vmax.f32 v14, v16  }
0x51: {  	v16 =	vld [tilespmem:s14+$0x50]  }
0x52: {  	v27 =	vld [tilespmem:s14+$0xFFFFFF30]  }
0x53: {  	v30 =	vld [tilespmem:s14+$0x160]  }
0x54: {  	v31 =	vld [tilespmem:s14+$0x130]  }
0x55: {  	v32 =	vld [tilespmem:s14+$0x60]  }
0x56: {  	v21 =	vmax.f32 v21, v22;
	v33 =	vld [tilespmem:s14+$0x70]  }
0x57: {  	v22 =	vmax.f32 v23, v27;
	v34 =	vld [tilespmem:s14+$0x150]  }
0x58: {  	v23 =	vmax.f32 v17, v19;
	v17 =	vmax.f32 v21, v22;
	v27 =	vld [tilespmem:s14+$0x120];
	v22 =	vmax.f32 v30, v26  }
0x59: {  	v19 =	vld [tilespmem:s14+$0x10]  }
0x5a: {  	v18 =	vmax.f32 v18, v20;
	v20 =	vld [tilespmem:s14+$0xFFFFFF40]  }
0x5b: {  	v30 =	vmax.f32 v18, v23;
	v21 =	vmax.f32 v32, v33;
	v32 =	vld [tilespmem:s14+$0x140]  }
.Ltmp2:
0x5c: {  	v24 =	vmax.f32 v24, v28;
	v23 =	vld [tilespmem:s14+$0xFFFFFF60];
	(pc) =	sbr.rel @p0 .LBB2_6-.Ltmp2, $4  }
0x5d: {  	v26 =	vmax.f32 v29, v25;
	v25 =	vld [tilespmem:s14+$0x0];
	v18 =	vmax.f32 v27, v31  }
0x5e: {  	v24 =	vmax.f32 v26, v24;
	v26 =	vld [tilespmem:s14+$0xFFFFFF50]  }
0x5f: {  	v29 =	vmax.f32 v24, v30;
	v24 =	vld [tilespmem:s14+$0x110]  }
0x60: {  	vm1 =	vgt.f32 v29, v8;
	v27 =	vld [tilespmem:s14+$0xFFFFFF70];
	v28 =	vmax.f32 v32, v34;
	s14 =	sadd.s32 $0x400, s14  }
0x61: {  	_ =	sdelay $0x3  }
0x62: {  	v8 =	vsel vm1, v29, v8;
	v20 =	vmax.f32 v20, v26;
	v23 =	vmax.f32 v23, v27  }
0x63: {  	v9 =	vsel vm1, s12, v9;
	v22 =	vmax.f32 v28, v22;
	v20 =	vmax.f32 v20, v23  }
0x64: {  	v15 =	vmax.f32 v15, v16;
	v19 =	vmax.f32 v25, v19;
	v16 =	vmax.f32 v17, v20  }
0x65: {  	s13 =	sadd.s32 $0x1, s12;
	v15 =	vmax.f32 v15, v21;
	v14 =	vmax.f32 v19, v14;
	vm1 =	vgt.f32 v16, v12  }
0x66: {  	v5 =	vmax.f32 v5, v24;
	v12 =	vsel vm1, v16, v12;
	v13 =	vsel vm1, s13, v13  }
0x67: {  	v14 =	vmax.f32 v14, v15;
	vm1 =	veq.f32 v12, v8;
	vm2 =	vlt.s32 v13, v9  }
0x68: {  	vm3 =	vgt.f32 v14, v10;
	vm4 =	vgt.f32 v12, v8;
	vm1 =	vmand vm1, vm2  }
0x69: {  	s21 =	sadd.s32 $0x2, s12;
	v5 =	vmax.f32 v5, v18;
	v10 =	vsel vm3, v14, v10;
	vm1 =	vmor vm4, vm1  }
0x6a: {  	v11 =	vsel vm3, s21, v11;
	v8 =	vsel vm1, v12, v8;
	v9 =	vsel vm1, v13, v9  }
0x6b: {  	v5 =	vmax.f32 v5, v22;
	vm1 =	veq.f32 v10, v8;
	vm2 =	vlt.s32 v11, v9  }
0x6c: {  	vm3 =	vgt.f32 v5, v6;
	vm14 =	vgt.f32 v10, v8;
	vm1 =	vmand vm1, vm2  }
0x6d: {  	s22 =	sadd.s32 $0x3, s12;
	v5 =	vsel vm3, v5, v6;
	vm1 =	vmor vm14, vm1  }
0x6e: {  	v6 =	vsel vm3, s22, v7;
	v7 =	vsel vm1, v10, v8;
	v8 =	vsel vm1, v11, v9  }
0x6f: {  	vm1 =	veq.f32 v5, v7;
	vm2 =	vlt.s32 v6, v8  }
0x70: {  	vm3 =	vgt.f32 v5, v7;
	vm1 =	vmand vm1, vm2  }
0x71: {  	vm1 =	vmor vm3, vm1  }
0x72: {  	v5 =	vsel vm1, v5, v7;
	v6 =	vsel vm1, v6, v8  }
0x73: {  	v7 =	vperm.xlane v5, v0;
	v8 =	vperm.xlane v6, v0;
	_ =	sdelay $0x1  }
0x74: {  	vm1 =	veq.f32 v7, v5;
	vm2 =	vlt.s32 v8, v6  }
0x75: {  	vm3 =	vgt.f32 v7, v5;
	vm1 =	vmand vm1, vm2  }
0x76: {  	vm1 =	vmor vm3, vm1  }
0x77: {  	v5 =	vsel vm1, v7, v5;
	v6 =	vsel vm1, v8, v6  }
0x78: {  	v7 =	vperm.xlane v5, v1;
	v8 =	vperm.xlane v6, v1;
	_ =	sdelay $0x1  }
0x79: {  	vm1 =	veq.f32 v7, v5;
	vm2 =	vlt.s32 v8, v6  }
0x7a: {  	vm3 =	vgt.f32 v7, v5;
	vm1 =	vmand vm1, vm2  }
0x7b: {  	vm1 =	vmor vm3, vm1  }
0x7c: {  	v5 =	vsel vm1, v7, v5;
	v6 =	vsel vm1, v8, v6  }
0x7d: {  	v7 =	vperm.xlane v5, v2;
	v8 =	vperm.xlane v6, v2;
	_ =	sdelay $0x1  }
0x7e: {  	vm1 =	veq.f32 v7, v5;
	vm2 =	vlt.s32 v8, v6  }
0x7f: {  	vm3 =	vgt.f32 v7, v5;
	vm1 =	vmand vm1, vm2  }
0x80: {  	vm1 =	vmor vm3, vm1  }
0x81: {  	v5 =	vsel vm1, v7, v5;
	v6 =	vsel vm1, v8, v6  }
0x82: {  	v7 =	vperm.xlane v5, v3;
	v8 =	vperm.xlane v6, v3;
	_ =	sdelay $0x1  }
0x83: {  	vm1 =	veq.f32 v7, v5;
	vm2 =	vlt.s32 v8, v6  }
0x84: {  	vm3 =	vgt.f32 v7, v5;
	vm1 =	vmand vm1, vm2  }
0x85: {  	vm1 =	vmor vm3, vm1  }
0x86: {  	v5 =	vsel vm1, v8, v6  }
0x87: {  	(v2sf) =	vpush v5, $0x0;
	_ =	sdelay $0xe  }
0x88: {  	s23 =	spop (v2sf)  }
0x89: {  	s24 =	sshll.u32 s23, $0xA  }
0x8a: {  	s13 =	sshra.s32 s24, $0x2  }
0x8b: {  	v5 =	vld [tilespmem:s13+$0x0];
	_ =	sdelay $0x2  }
0x8c: {  	v6 =	vld [tilespmem:s13+$0x10];
	_ =	sdelay $0x1  }
0x8d: {  	v7 =	vld [tilespmem:s13+$0x20];
	vm1 =	vlt.f32 v5, $-Inf;
	vm2 =	vgt.f32 v5, $-Inf  }
0x8e: {  	vm1 =	vmor vm2, vm1  }
0x8f: {  	v8 =	vld [tilespmem:s13+$0x30];
	v5 =	vnsel vm1, $0xFF800000, v5  }
0x90: {  	vm2 =	vgt.f32 v6, v5  }
0x91: {  	v5 =	vsel vm2, v6, v5  }
0x92: {  	v6 =	vld [tilespmem:s13+$0x40];
	vm3 =	vgt.f32 v7, v5  }
0x93: {  	v10 =	vld [tilespmem:s13+$0x70];
	v5 =	vsel vm3, v7, v5  }
0x94: {  	s15 =	sshll.u32 s23, $0x3;
	v7 =	vld [tilespmem:s13+$0x50];
	vm15 =	vgt.f32 v8, v5  }
0x95: {  	v9 =	vmov s15;
	v5 =	vsel vm15, v8, v5;
	v8 =	vld [tilespmem:s13+$0x60];
	_ =	swait.ge [sflag:s8], $0x8000  }
0x96: {  	s14 =	sor.u32 $0x1, s15;
	v9 =	vnsel vm1, $0x0, v9;
	[sflag:s8] =	ssyncset.done $0x0  }
0x97: {  	s29 =	simm.s32 $0x280;
	s25 =	sor.u32 $0x2, s15;
	v9 =	vsel vm2, s14, v9;
	vm1 =	vgt.f32 v6, v5;
	[sflag:s8] =	ssyncadd.s32 $0xFFFF8000  }
0x98: {  	v5 =	vsel vm1, v6, v5;
	v6 =	vsel vm3, s25, v9;
	v9 =	vld [tilespmem:s29+$0x100]  }
0x99: {  	v13 =	vld [tilespmem:s29+$0xFFFFFE00]  }
0x9a: {  	v14 =	vld [tilespmem:s29+$0xFFFFFE10]  }
0x9b: {  	v15 =	vld [tilespmem:s29+$0xFFFFFE30]  }
0x9c: {  	v16 =	vld [tilespmem:s29+$0xFFFFFE20]  }
0x9d: {  	s26 =	sor.u32 $0x3, s15;
	vm2 =	vgt.f32 v7, v5;
	v17 =	vld [tilespmem:s29+$0xFFFFFE50]  }
0x9e: {  	s28 =	sor.u32 $0x4, s15;
	v6 =	vsel vm15, s26, v6;
	v21 =	vld [tilespmem:s29+$0xFFFFFE60];
	v5 =	vsel vm2, v7, v5  }
0x9f: {  	s30 =	sor.u32 $0x5, s15;
	v22 =	vld [tilespmem:s29+$0xFFFFFE70];
	v6 =	vsel vm1, s28, v6;
	vm1 =	vgt.f32 v8, v5  }
0xa0: {  	s31 =	sor.u32 $0x6, s15;
	v20 =	vld [tilespmem:s29+$0x20];
	v6 =	vsel vm2, s30, v6;
	v5 =	vsel vm1, v8, v5  }
0xa1: {  	s12 =	sshllo.u32 s23, $0x3;
	v23 =	vld [tilespmem:s29+$0x30];
	v6 =	vsel vm1, s31, v6;
	vm1 =	vgt.f32 v10, v5  }
0xa2: {  	v24 =	vld [tilespmem:s29+$0xFFFFFF00];
	v6 =	vsel vm1, s12, v6  }
0xa3: {  	v25 =	vld [tilespmem:s29+$0xFFFFFF10];
	v6 =	vshll.u32 v6, $0x4  }
0xa4: {  	v26 =	vld [tilespmem:s29+$0xFFFFFF20];
	v5 =	vsel vm1, v10, v5;
	v6 =	vor.u32 v4, v6  }
0xa5: {  	v27 =	vld [tilespmem:s29+$0xFFFFFF30];
	v7 =	vperm.xlane v5, v0;
	v8 =	vperm.xlane v6, v0  }
0xa6: {  	v28 =	vld [tilespmem:s29+$0x170]  }
0xa7: {  	v12 =	vimm.s32 $0x0;
	v18 =	vld [tilespmem:s29+$0x40];
	vm1 =	veq.f32 v7, v5;
	vm2 =	vlt.s32 v8, v6  }
0xa8: {  	v11 =	vimm.f32 $-Inf;
	v29 =	vld [tilespmem:s29+$0x160];
	vm3 =	vgt.f32 v7, v5;
	vm1 =	vmand vm1, vm2  }
0xa9: {  	v31 =	vld [tilespmem:s29+$0x60];
	v20 =	vmax.f32 v20, v23;
	v25 =	vmax.f32 v24, v25;
	vm1 =	vmor vm3, vm1  }
0xaa: {  	v32 =	vld [tilespmem:s29+$0x70];
	v26 =	vmax.f32 v26, v27;
	v5 =	vsel vm1, v7, v5;
	v6 =	vsel vm1, v8, v6  }
0xab: {  	v34 =	vld [tilespmem:s29+$0x150];
	v22 =	vmax.f32 v21, v22;
	v7 =	vperm.xlane v5, v1;
	v8 =	vperm.xlane v6, v1  }
0xac: {  	v36 =	vld [tilespmem:s29+$0x140];
	v15 =	vmax.f32 v16, v15;
	v13 =	vmax.f32 v13, v14;
	v14 =	vimm.f32 $-Inf  }
0xad: {  	v10 =	vld [tilespmem:s29+$0xFFFFFE40];
	v16 =	vimm.f32 $-Inf;
	vm1 =	veq.f32 v7, v5;
	vm2 =	vlt.s32 v8, v6  }
0xae: {  	v30 =	vld [tilespmem:s29+$0x130];
	v21 =	vmax.f32 v25, v26;
	vm3 =	vgt.f32 v7, v5;
	vm1 =	vmand vm1, vm2  }
0xaf: {  	v35 =	vld [tilespmem:s29+$0x120];
	v13 =	vmax.f32 v13, v15;
	v26 =	vmax.f32 v29, v28;
	vm1 =	vmor vm3, vm1  }
0xb0: {  	v19 =	vld [tilespmem:s29+$0x50];
	v25 =	vmax.f32 v31, v32;
	v5 =	vsel vm1, v7, v5;
	v6 =	vsel vm1, v8, v6  }
0xb1: {  	v23 =	vld [tilespmem:s29+$0x10];
	v32 =	vmax.f32 v36, v34;
	v7 =	vperm.xlane v5, v2;
	v8 =	vperm.xlane v6, v2  }
0xb2: {  	v24 =	vld [tilespmem:s29+$0xFFFFFF40];
	v15 =	vimm.s32 $0x0;
	v10 =	vmax.f32 v10, v17;
	v17 =	vimm.s32 $0x0  }
0xb3: {  	v27 =	vld [tilespmem:s29+$0xFFFFFF60];
	v10 =	vmax.f32 v10, v22;
	vm1 =	veq.f32 v7, v5;
	vm2 =	vlt.s32 v8, v6  }
0xb4: {  	v29 =	vld [tilespmem:s29+$0x0];
	v22 =	vmax.f32 v35, v30;
	vm3 =	vgt.f32 v7, v5;
	vm1 =	vmand vm1, vm2  }
0xb5: {  	v28 =	vld [tilespmem:s29+$0x110];
	v33 =	vmax.f32 v13, v10;
	v10 =	vimm.f32 $-Inf;
	vm1 =	vmor vm3, vm1  }
0xb6: {  	v30 =	vld [tilespmem:s29+$0xFFFFFF50];
	v13 =	vimm.s32 $0x0;
	v7 =	vsel vm1, v7, v5;
	v5 =	vsel vm1, v8, v6  }
0xb7: {  	s14 =	simm.s32 $0x680;
	s13 =	simm.s32 $0x4;
	s12 =	simm.s32 $0x0;
	v31 =	vld [tilespmem:s29+$0xFFFFFF70];
	vm1 =	vgt.f32 v33, v11;
	v8 =	vperm.xlane v7, v3;
	v6 =	vperm.xlane v5, v3  }
.LBB2_8:
0xb8: {  	v34 =	vld [tilespmem:s14+$0x100];
	p0 =	slt.u32 s13, $0xFC;
	v11 =	vsel vm1, v33, v11;
	v12 =	vsel vm1, s12, v12;
	s15 =	smov.u32 s13;
	s13 =	sadd.s32 $0x4, s13  }
0xb9: {  	v26 =	vmax.f32 v32, v26;
	v33 =	vld [tilespmem:s14+$0xFFFFFE00];
	v23 =	vmax.f32 v29, v23  }
0xba: {  	v18 =	vmax.f32 v18, v19;
	v29 =	vld [tilespmem:s14+$0xFFFFFE10]  }
0xbb: {  	v18 =	vmax.f32 v18, v25;
	v19 =	vmax.f32 v24, v30;
	v32 =	vld [tilespmem:s14+$0xFFFFFE30];
	v25 =	vmax.f32 v9, v28  }
0xbc: {  	v20 =	vmax.f32 v23, v20;
	v28 =	vld [tilespmem:s14+$0xFFFFFE20];
	v24 =	vmax.f32 v27, v31;
	v23 =	vmax.f32 v25, v22  }
0xbd: {  	v18 =	vmax.f32 v20, v18;
	v22 =	vld [tilespmem:s14+$0xFFFFFE40];
	v19 =	vmax.f32 v19, v24;
	v20 =	vmax.f32 v23, v26;
	v9 =	vmovc v34  }
0xbe: {  	vm1 =	vgt.f32 v18, v14;
	v24 =	vld [tilespmem:s14+$0xFFFFFE50];
	v19 =	vmax.f32 v21, v19;
	vm2 =	vgt.f32 v20, v10  }
0xbf: {  	s16 =	sadd.s32 $0x1, s12;
	s17 =	sadd.s32 $0x2, s12;
	s18 =	sadd.s32 $0x3, s12;
	v14 =	vsel vm1, v18, v14;
	v21 =	vld [tilespmem:s14+$0xFFFFFE60];
	vm3 =	vgt.f32 v19, v16;
	v10 =	vsel vm2, v20, v10  }
0xc0: {  	s12 =	smov.u32 s15;
	v15 =	vsel vm1, s17, v15;
	v23 =	vld [tilespmem:s14+$0xFFFFFE70];
	v16 =	vsel vm3, v19, v16;
	v17 =	vsel vm3, s16, v17  }
0xc1: {  	v13 =	vsel vm2, s18, v13;
	v19 =	vld [tilespmem:s14+$0x20]  }
0xc2: {  	v20 =	vld [tilespmem:s14+$0x30]  }
0xc3: {  	v25 =	vld [tilespmem:s14+$0xFFFFFF00]  }
0xc4: {  	v26 =	vld [tilespmem:s14+$0xFFFFFF10]  }
0xc5: {  	v27 =	vld [tilespmem:s14+$0xFFFFFF20]  }
0xc6: {  	v30 =	vld [tilespmem:s14+$0x170]  }
0xc7: {  	v18 =	vld [tilespmem:s14+$0x40];
	v20 =	vmax.f32 v19, v20  }
0xc8: {  	v19 =	vld [tilespmem:s14+$0x50]  }
0xc9: {  	v31 =	vld [tilespmem:s14+$0xFFFFFF30]  }
0xca: {  	v34 =	vld [tilespmem:s14+$0x160]  }
0xcb: {  	v35 =	vld [tilespmem:s14+$0x130]  }
0xcc: {  	v36 =	vld [tilespmem:s14+$0x60]  }
0xcd: {  	v25 =	vmax.f32 v25, v26;
	v37 =	vld [tilespmem:s14+$0x70]  }
0xce: {  	v26 =	vmax.f32 v27, v31;
	v38 =	vld [tilespmem:s14+$0x150]  }
0xcf: {  	v27 =	vmax.f32 v21, v23;
	v21 =	vmax.f32 v25, v26;
	v31 =	vld [tilespmem:s14+$0x120];
	v26 =	vmax.f32 v34, v30  }
0xd0: {  	v23 =	vld [tilespmem:s14+$0x10]  }
0xd1: {  	v22 =	vmax.f32 v22, v24;
	v24 =	vld [tilespmem:s14+$0xFFFFFF40]  }
0xd2: {  	v34 =	vmax.f32 v22, v27;
	v25 =	vmax.f32 v36, v37;
	v36 =	vld [tilespmem:s14+$0x140]  }
.Ltmp3:
0xd3: {  	v28 =	vmax.f32 v28, v32;
	v27 =	vld [tilespmem:s14+$0xFFFFFF60];
	(pc) =	sbr.rel @p0 .LBB2_8-.Ltmp3, $4  }
0xd4: {  	v30 =	vmax.f32 v33, v29;
	v29 =	vld [tilespmem:s14+$0x0];
	v22 =	vmax.f32 v31, v35  }
0xd5: {  	v28 =	vmax.f32 v30, v28;
	v30 =	vld [tilespmem:s14+$0xFFFFFF50]  }
0xd6: {  	v33 =	vmax.f32 v28, v34;
	v28 =	vld [tilespmem:s14+$0x110]  }
0xd7: {  	vm1 =	vgt.f32 v33, v11;
	v31 =	vld [tilespmem:s14+$0xFFFFFF70];
	v32 =	vmax.f32 v36, v38;
	s14 =	sadd.s32 $0x400, s14  }
0xd8: {  	_ =	sdelay $0x3  }
0xd9: {  	v11 =	vsel vm1, v33, v11;
	v24 =	vmax.f32 v24, v30;
	v27 =	vmax.f32 v27, v31  }
0xda: {  	v12 =	vsel vm1, s12, v12;
	v26 =	vmax.f32 v32, v26;
	v24 =	vmax.f32 v24, v27  }
0xdb: {  	v18 =	vmax.f32 v18, v19;
	v23 =	vmax.f32 v29, v23;
	v48 =	vmax.f32 v21, v24  }
0xdc: {  	s13 =	sadd.s32 $0x1, s12;
	v18 =	vmax.f32 v18, v25;
	v20 =	vmax.f32 v23, v20;
	vm1 =	vgt.f32 v48, v16  }
0xdd: {  	v9 =	vmax.f32 v9, v28;
	v16 =	vsel vm1, v48, v16;
	v17 =	vsel vm1, s13, v17  }
0xde: {  	v18 =	vmax.f32 v20, v18;
	vm1 =	veq.f32 v16, v11;
	vm2 =	vlt.s32 v17, v12  }
0xdf: {  	vm3 =	vgt.f32 v18, v14;
	vm4 =	vgt.f32 v16, v11;
	vm1 =	vmand vm1, vm2  }
0xe0: {  	s22 =	sadd.s32 $0x2, s12;
	v9 =	vmax.f32 v9, v22;
	v14 =	vsel vm3, v18, v14;
	vm1 =	vmor vm4, vm1  }
0xe1: {  	v15 =	vsel vm3, s22, v15;
	v11 =	vsel vm1, v16, v11;
	v12 =	vsel vm1, v17, v12  }
0xe2: {  	v9 =	vmax.f32 v9, v26;
	vm1 =	veq.f32 v14, v11;
	vm2 =	vlt.s32 v15, v12  }
0xe3: {  	vm3 =	vgt.f32 v9, v10;
	vm13 =	vgt.f32 v14, v11;
	vm1 =	vmand vm1, vm2  }
0xe4: {  	s23 =	sadd.s32 $0x3, s12;
	v9 =	vsel vm3, v9, v10;
	vm1 =	vmor vm13, vm1  }
0xe5: {  	v49 =	vsel vm3, s23, v13;
	v11 =	vsel vm1, v14, v11;
	v12 =	vsel vm1, v15, v12  }
0xe6: {  	vm1 =	veq.f32 v9, v11;
	vm2 =	vlt.s32 v49, v12  }
0xe7: {  	vm3 =	vgt.f32 v9, v11;
	vm1 =	vmand vm1, vm2  }
0xe8: {  	vm1 =	vmor vm3, vm1  }
0xe9: {  	v9 =	vsel vm1, v9, v11;
	v10 =	vsel vm1, v49, v12  }
0xea: {  	v11 =	vperm.xlane v9, v0;
	v12 =	vperm.xlane v10, v0;
	_ =	sdelay $0x1  }
0xeb: {  	vm1 =	veq.f32 v11, v9;
	vm2 =	vlt.s32 v12, v10  }
0xec: {  	vm3 =	vgt.f32 v11, v9;
	vm1 =	vmand vm1, vm2  }
0xed: {  	vm1 =	vmor vm3, vm1  }
0xee: {  	v9 =	vsel vm1, v11, v9;
	v10 =	vsel vm1, v12, v10  }
0xef: {  	v11 =	vperm.xlane v9, v1;
	v12 =	vperm.xlane v10, v1;
	_ =	sdelay $0x1  }
0xf0: {  	vm1 =	veq.f32 v11, v9;
	vm2 =	vlt.s32 v12, v10  }
0xf1: {  	vm3 =	vgt.f32 v11, v9;
	vm1 =	vmand vm1, vm2  }
0xf2: {  	vm1 =	vmor vm3, vm1  }
0xf3: {  	v9 =	vsel vm1, v11, v9;
	v10 =	vsel vm1, v12, v10  }
0xf4: {  	v11 =	vperm.xlane v9, v2;
	v12 =	vperm.xlane v10, v2;
	_ =	sdelay $0x1  }
0xf5: {  	vm1 =	veq.f32 v11, v9;
	vm2 =	vlt.s32 v12, v10  }
0xf6: {  	vm3 =	vgt.f32 v11, v9;
	vm1 =	vmand vm1, vm2  }
0xf7: {  	vm1 =	vmor vm3, vm1  }
0xf8: {  	v9 =	vsel vm1, v11, v9;
	v10 =	vsel vm1, v12, v10  }
0xf9: {  	v11 =	vperm.xlane v9, v3;
	v12 =	vperm.xlane v10, v3;
	_ =	sdelay $0x1  }
0xfa: {  	vm1 =	veq.f32 v11, v9;
	vm2 =	vlt.s32 v12, v10  }
0xfb: {  	vm3 =	vgt.f32 v11, v9;
	vm1 =	vmand vm1, vm2  }
0xfc: {  	vm1 =	vmor vm3, vm1  }
0xfd: {  	v50 =	vsel vm1, v12, v10  }
0xfe: {  	(v2sf) =	vpush v50, $0x0;
	_ =	sdelay $0xe  }
0xff: {  	s24 =	spop (v2sf)  }
0x100: {  	s25 =	sshll.u32 s24, $0xA  }
0x101: {  	s13 =	sshra.s32 s25, $0x2  }
0x102: {  	v51 =	vld [tilespmem:s13+$0x80];
	_ =	sdelay $0x2  }
0x103: {  	v52 =	vld [tilespmem:s13+$0x90];
	_ =	sdelay $0x1  }
0x104: {  	v53 =	vld [tilespmem:s13+$0xA0];
	vm1 =	vlt.f32 v51, $-Inf;
	vm2 =	vgt.f32 v51, $-Inf  }
0x105: {  	vm1 =	vmor vm2, vm1  }
0x106: {  	v54 =	vld [tilespmem:s13+$0xB0];
	v9 =	vnsel vm1, $0xFF800000, v51  }
0x107: {  	vm2 =	vgt.f32 v52, v9  }
0x108: {  	v55 =	vld [tilespmem:s13+$0xC0];
	v9 =	vsel vm2, v52, v9  }
0x109: {  	vm3 =	vgt.f32 v53, v9  }
0x10a: {  	v56 =	vld [tilespmem:s13+$0xD0];
	v9 =	vsel vm3, v53, v9  }
0x10b: {  	s14 =	sshll.u32 s24, $0x3;
	vm14 =	vgt.f32 v54, v9  }
0x10c: {  	v57 =	vmov s14;
	v58 =	vld [tilespmem:s13+$0xE0];
	v9 =	vsel vm14, v54, v9  }
0x10d: {  	s15 =	sor.u32 $0x1, s14;
	v13 =	vnsel vm1, $0x0, v57;
	vm1 =	vgt.f32 v55, v9  }
0x10e: {  	s26 =	sor.u32 $0x2, s14;
	v59 =	vld [tilespmem:s13+$0xF0];
	v13 =	vsel vm2, s15, v13;
	v9 =	vsel vm1, v55, v9  }
0x10f: {  	s28 =	sor.u32 $0x3, s14;
	v13 =	vsel vm3, s26, v13;
	vm2 =	vgt.f32 v56, v9  }
0x110: {  	s29 =	sor.u32 $0x4, s14;
	v13 =	vsel vm14, s28, v13;
	v9 =	vsel vm2, v56, v9  }
0x111: {  	s30 =	sor.u32 $0x5, s14;
	v60 =	vsel vm1, s29, v13;
	vm1 =	vgt.f32 v58, v9  }
0x112: {  	s31 =	sor.u32 $0x6, s14;
	v11 =	vsel vm2, s30, v60;
	v9 =	vsel vm1, v58, v9  }
0x113: {  	s12 =	sshllo.u32 s24, $0x3;
	v11 =	vsel vm1, s31, v11;
	vm1 =	vgt.f32 v59, v9  }
0x114: {  	v11 =	vsel vm1, s12, v11  }
0x115: {  	v11 =	vshll.u32 v11, $0x4  }
0x116: {  	v9 =	vsel vm1, v59, v9;
	v61 =	vor.u32 v4, v11  }
0x117: {  	v62 =	vperm.xlane v9, v0;
	v63 =	vperm.xlane v61, v0;
	_ =	sdelay $0x1  }
0x118: {  	vm1 =	veq.f32 v62, v9;
	vm2 =	vlt.s32 v63, v61  }
0x119: {  	vm3 =	vgt.f32 v62, v9;
	vm1 =	vmand vm1, vm2  }
0x11a: {  	vm1 =	vmor vm3, vm1  }
0x11b: {  	v9 =	vsel vm1, v62, v9;
	v10 =	vsel vm1, v63, v61  }
0x11c: {  	v11 =	vperm.xlane v9, v1;
	v12 =	vperm.xlane v10, v1;
	_ =	sdelay $0x1  }
0x11d: {  	vm1 =	veq.f32 v11, v9;
	vm2 =	vlt.s32 v12, v10  }
0x11e: {  	vm3 =	vgt.f32 v11, v9;
	vm1 =	vmand vm1, vm2  }
0x11f: {  	vm1 =	vmor vm3, vm1  }
0x120: {  	v9 =	vsel vm1, v11, v9;
	v10 =	vsel vm1, v12, v10  }
0x121: {  	v11 =	vperm.xlane v9, v2;
	v12 =	vperm.xlane v10, v2;
	_ =	sdelay $0x1  }
0x122: {  	vm1 =	veq.f32 v11, v9;
	vm2 =	vlt.s32 v12, v10  }
0x123: {  	vm3 =	vgt.f32 v11, v9;
	vm1 =	vmand vm1, vm2  }
0x124: {  	vm1 =	vmor vm3, vm1  }
0x125: {  	v9 =	vsel vm1, v11, v9;
	v10 =	vsel vm1, v12, v10  }
0x126: {  	v11 =	vperm.xlane v9, v3;
	v12 =	vperm.xlane v10, v3  }
0x127: {  	vm2 =	veq.f32 v8, v7;
	vm3 =	vlt.s32 v6, v5;
	vm1 =	vgt.f32 v8, v7  }
0x128: {  	vm2 =	vmand vm2, vm3;
	vm3 =	veq.f32 v11, v9;
	vm15 =	vlt.s32 v12, v10  }
0x129: {  	vm1 =	vmor vm1, vm2;
	vm2 =	vmand vm3, vm15;
	vm3 =	vgt.f32 v11, v9  }
0x12a: {  	v5 =	vsel vm1, v6, v5;
	vm1 =	vmmov $0x1;
	vm2 =	vmor vm3, vm2  }
0x12b: {  	s11 =	sadd.s32 $0x1, s11;
	v5 =	vnsel vm1, $0x0, v5;
	v6 =	vsel vm2, v12, v10  }
0x12c: {  	p0 =	sne.s32 s11, s6;
	v5 =	vsel vm0, v5, v6  }
.Ltmp4:
0x12d: {  	[tilespmem:$0x10000] =	vst v5;
	(pc) =	sbr.rel @p0 .LBB2_1-.Ltmp4, $4  }
0x12e: {  	[hbm4b:s5+s2] =	stream.linear.scatter [tilespmem:s9], [sflag:$0x3], $0x80, $0x38;
	[tilespmem:$0x10080] =	vst v63  }
0x12f: {  	_ =	swait.ge [sflag:s10], $0x80  }
0x130: {  	[sflag:s10] =	ssyncset.done $0x0  }
0x131: {  	[sflag:s10] =	ssyncadd.s32 $0xFFFFFF80  }
0x132: {  	_ =	sfence.sel $0x180000  }
0x133: {  	[bflag:$0x0] =	sbarrier.arrive $0xFFFF  }
0x134: {  	p0 =	sne.s32 s1, $0x0;
	_ =	strace $0x90000047  }
0x135: {  	s0 =	sadd.s32 @!p0 $0x100000, s0;
	[bflag:$0x2] =	sbarrier.arrive $0xFFFF  }
0x136: {  	[sflag:s0] =	ssyncadd.tile.s32 @!p0 $0x1;
	_ =	shalt  }
.Lfunc_end2:
_tile_overlayer_lowered:
.L_overlay_start_2:
0x137: {  	(tag) =	ssettag $0x2  }
0x138: {  	s0 =	rddreg [dreg:$0x0];
	s2 =	stileid.u32  }
0x139: {  	s1 =	rddreg [dreg:$0x1];
	p0 =	sne.s32 s2, $0x0  }
0x13a: {  	s3 =	rddreg [dreg:$0x2];
	[bflag:$0x3] =	sbarrier.arrive $0xFFFF;
	s2 =	simm.s32 @!p0 $0x1C03  }
0x13b: {  	[timem:s3], [sflag:s2] =	dma.local @!p0 [hbm:s0], s1  }
0x13c: {  	s0 =	simm.s32 @!p0 $0x3  }
0x13d: {  	_ =	swait.ge @!p0 [sflag:s0], s1  }
0x13e: {  	s1 =	ssub.s32 @!p0 $0x0, s1;
	[sflag:s0] =	ssyncset.done @!p0 $0x0  }
0x13f: {  	[sflag:s0] =	ssyncadd.s32 @!p0 s1  }
0x140: {  	[bflag:$0x3] =	sbarrier.arrive $0xFFFF  }
0x141: {  	_ =	shalt  }

</sc_bundles>
